<compile_context>
chip_gen: v7x
topology: tpu7x:2x2x1
jax: 0.10.2.dev20260603
libtpu: 0.0.44.dev20260713+nightly
codegen_flags: <defaults>
</compile_context>

<pallas_src>
import functools

import jax
import jax.numpy as jnp
import numpy as np
from jax import lax
from jax.experimental import pallas as pl
from jax.experimental.pallas import tpu as pltpu
from jax.experimental.pallas import tpu_sc as plsc

SEQ = 200
EMB = 32
BATCH = 4096
VOCAB = 1000000
NW = 32

DBLK = 256
NBLK_FULL = VOCAB // DBLK
DTAIL = VOCAB - NBLK_FULL * DBLK
DSPW = NBLK_FULL // NW
DEXTRA = NBLK_FULL - DSPW * NW

NROWS = BATCH * SEQ
ROWS_PER_W = NROWS // NW
CHUNK = 1600
NCHUNK_B = ROWS_PER_W // CHUNK
SUBG = 100
NSUBG = CHUNK // SUBG
REP = CHUNK // SEQ
SCALE = float(np.sqrt(np.float32(EMB)))

PBLK = 256
PSPW = ROWS_PER_W // PBLK

_mesh = plsc.VectorSubcoreMesh(core_axis_name="c", subcore_axis_name="s")


@functools.partial(
    pl.kernel,
    out_type=jax.ShapeDtypeStruct((NROWS, EMB), jnp.float32),
    mesh=_mesh,
    compiler_params=pltpu.CompilerParams(use_tc_tiling_on_sc=False),
    scratch_types=[
        pltpu.VMEM((NSUBG, SUBG), jnp.int32),
        pltpu.VMEM((NSUBG, SUBG), jnp.int32),
        pltpu.VMEM((CHUNK, EMB), jnp.float32),
        pltpu.VMEM((CHUNK, EMB), jnp.float32),
        pltpu.VMEM((SEQ, EMB), jnp.float32),
        pltpu.SemaphoreType.DMA,
        pltpu.SemaphoreType.DMA,
    ],
)
def _sc_embed(idx_hbm, table_hbm, pos_hbm, out_hbm,
              idx0, idx1, rows0, rows1, pos_v, sem0, sem1):
    wid = lax.axis_index("s") * 2 + lax.axis_index("c")
    pltpu.sync_copy(pos_hbm, pos_v)
    idxs = (idx0, idx1)
    rows = (rows0, rows1)
    sems = (sem0, sem1)

    def fetch(c, p):
        r0 = (wid * NCHUNK_B + c) * NSUBG
        pltpu.sync_copy(idx_hbm.at[pl.ds(r0, NSUBG)], idxs[p])
        for j in range(NSUBG):
            pltpu.async_copy(
                table_hbm.at[idxs[p].at[j]],
                rows[p].at[pl.ds(j * SUBG, SUBG)],
                sems[p],
            )

    def process(c, p):
        pltpu.make_async_copy(
            table_hbm.at[pl.ds(0, CHUNK)], rows[p], sems[p]).wait()
        rv = rows[p]

        def pos_body(s, carry2):
            p0 = pos_v[s, pl.ds(0, 16)]
            p1 = pos_v[s, pl.ds(16, 16)]
            for k in range(REP):
                r = s + SEQ * k
                rv[r, pl.ds(0, 16)] = rv[r, pl.ds(0, 16)] * SCALE + p0
                rv[r, pl.ds(16, 16)] = rv[r, pl.ds(16, 16)] * SCALE + p1
            return carry2

        lax.fori_loop(0, SEQ, pos_body, 0)
        rb = (wid * NCHUNK_B + c) * CHUNK
        pltpu.sync_copy(rv, out_hbm.at[pl.ds(rb, CHUNK)])

    fetch(0, 0)

    def pair_body(i, carry):
        c0 = i * 2
        fetch(c0 + 1, 1)
        process(c0, 0)

        @pl.when(c0 + 2 < NCHUNK_B)
        def _():
            fetch(c0 + 2, 0)

        process(c0 + 1, 1)
        return carry

    lax.fori_loop(0, NCHUNK_B // 2, pair_body, 0)


@functools.partial(
    pl.kernel,
    out_type=jax.ShapeDtypeStruct((NROWS, EMB), jnp.float32),
    mesh=_mesh,
    scratch_types=[
        pltpu.VMEM((2, PBLK * EMB // 128, 128), jnp.float32),
        pltpu.VMEM((2, PBLK, EMB), jnp.float32),
        pltpu.SemaphoreType.DMA,
        pltpu.SemaphoreType.DMA,
    ],
)
def _sc_pad(lin_hbm, out_hbm, vin, vpad, sem_in, sem_out):
    wid = lax.axis_index("s") * 2 + lax.axis_index("c")
    inr = PBLK * EMB // 128

    def fire_in(s):
        row0 = (wid * PSPW + s) * inr
        return pltpu.async_copy(
            lin_hbm.at[pl.ds(pl.multiple_of(row0, inr), inr)],
            vin.at[lax.rem(s, 2)], sem_in)

    def fire_out(s):
        vrow0 = (wid * PSPW + s) * PBLK
        return pltpu.async_copy(
            vpad.at[lax.rem(s, 2)],
            out_hbm.at[pl.ds(pl.multiple_of(vrow0, PBLK), PBLK)], sem_out)

    def drain_in():
        pltpu.make_async_copy(
            lin_hbm.at[pl.ds(0, inr)], vin.at[0], sem_in).wait()

    def drain_out():
        pltpu.make_async_copy(
            vpad.at[0], out_hbm.at[pl.ds(0, PBLK)], sem_out).wait()

    fire_in(0)

    def step_body(s, carry):
        p = lax.rem(s, 2)

        @pl.when(s + 1 < PSPW)
        def _():
            fire_in(s + 1)

        drain_in()

        @pl.when(s >= 2)
        def _():
            drain_out()

        def cbody(r, carry2):
            q = r >> 2
            o = (r & 3) * EMB
            vpad[p, r, pl.ds(0, 16)] = vin[p, q, pl.ds(o, 16)]
            vpad[p, r, pl.ds(16, 16)] = vin[p, q, pl.ds(o + 16, 16)]
            return carry2

        lax.fori_loop(0, PBLK, cbody, 0, unroll=8)
        fire_out(s)
        return carry

    lax.fori_loop(0, PSPW, step_body, 0)
    drain_out()
    drain_out()


def kernel(inputs, token_table, pos_table):
    idx = inputs.reshape(-1).astype(jnp.int32).reshape(NROWS // SUBG, SUBG)
    out_lin = _sc_embed(idx, token_table, pos_table)
    out = _sc_pad(out_lin.reshape(NROWS * EMB // 128, 128))
    return out.reshape(BATCH, SEQ, EMB)

# --- scband reference (transcript-rebuilt; emitter-appended) ---
"""Pipeline reference for scband-positional-embedding-1692217115234 (READ-ONLY COPY).

The authoritative reference and input builder live on the scoring server;
editing this copy changes nothing except your own understanding.
"""

import jax, jax.numpy as jnp
import numpy as np

SEQ_LEN = 200
VOCAB = 1000000
EMBED = 32

def setup_inputs(seed: int = 0) -> dict:
    key = jax.random.key(seed)
    k1, k2, k3 = jax.random.split(key, 3)
    inputs = jax.random.randint(k1, (4096, 200), 0, VOCAB, dtype=jnp.int64)
    token_table = jax.random.normal(k2, (VOCAB, EMBED), dtype=jnp.float32) * 0.02
    pos_table = jax.random.normal(k3, (SEQ_LEN, EMBED), dtype=jnp.float32) * 0.02
    return {"inputs": inputs, "token_table": token_table, "pos_table": pos_table}

def reference(inputs, token_table, pos_table):
    length = inputs.shape[-1]
    positions = jnp.arange(length)
    embed_scale = jnp.sqrt(jnp.asarray(EMBED, dtype=jnp.float32))
    embedded_tokens = jnp.take(token_table, inputs, axis=0).astype(jnp.float32) * embed_scale
    embedded_positions = jnp.take(pos_table, positions, axis=0).astype(jnp.float32)
    return embedded_tokens + embedded_positions

if __name__ == "__main__":
    import jax
    _d = setup_inputs()
    print(jax.jit(kernel)(*tuple(_d.values())))

</pallas_src>

<mosaic_0001>
#map = affine_map<(d0, d1) -> (0, 0)>
module attributes {stable_mosaic.version = 14 : i64} {
  func.func @_sc_pad(%arg0: i32, %arg1: i32, %arg2: memref<204800x128xf32, #tpu.memory_space<hbm>>, %arg3: memref<819200x32xf32, #tpu.memory_space<hbm>>, %arg4: memref<2x64x128xf32, #tpu.memory_space<vmem>>, %arg5: memref<2x256x32xf32, #tpu.memory_space<vmem>>, %arg6: memref<!tpu.dma_semaphore, #tpu.memory_space<semaphore_mem>>, %arg7: memref<!tpu.dma_semaphore, #tpu.memory_space<semaphore_mem>>) attributes {dimension_semantics = [#tpu.dimension_semantics<core_parallel>, #tpu.dimension_semantics<subcore_parallel>], iteration_bounds = array<i64: 2, 16>, scalar_prefetch = 0 : i64, scratch_operands = 4 : i64, tpu.core_type = #tpu.core_type<sc_vector_subcore>, window_params = [{transform_indices = #map}, {transform_indices = #map}]} {
    %mul3A = arith.constant 2 : i32
    %mul3A_0 = arith.muli %arg1, %mul3A : i32
    %add3A = arith.addi %mul3A_0, %arg0 : i32
    %mul3A_1 = arith.constant 100 : i32
    %mul3A_2 = arith.muli %add3A, %mul3A_1 : i32
    %add3A_3 = arith.constant 0 : i32
    %add3A_4 = arith.addi %mul3A_2, %add3A_3 : i32
    %mul3A_5 = arith.constant 64 : i32
    %mul3A_6 = arith.muli %add3A_4, %mul3A_5 : i32
    %multiple_of3A = tpu.assume_multiple %mul3A_6, 64 : i32
    %rem3A = arith.constant 0 : i32
    %rem3A_7 = arith.constant 2 : i32
    %rem3A_8 = arith.remsi %rem3A, %rem3A_7 : i32
    %dma_start3A = arith.constant 0 : i32
    %dma_start3A_9 = arith.constant 0 : i32
    %dma_start3A_10 = tpu.memref_slice %arg4[%rem3A_8, %dma_start3A, %dma_start3A_9] : memref<2x64x128xf32, #tpu.memory_space<vmem>> -> memref<1x64x128xf32, #tpu.memory_space<vmem>>
    %dma_start3A_11 = tpu.memref_squeeze %dma_start3A_10 : memref<1x64x128xf32, #tpu.memory_space<vmem>> -> memref<64x128xf32, #tpu.memory_space<vmem>>
    %dma_start3A_12 = arith.constant 0 : i32
    %dma_start3A_13 = tpu.memref_slice %arg2[%multiple_of3A, %dma_start3A_12] : memref<204800x128xf32, #tpu.memory_space<hbm>> -> memref<64x128xf32, #tpu.memory_space<hbm>>
    %dma_start3A_14 = arith.constant 0 : i32
    %dma_start3A_15 = arith.constant 0 : i32
    %dma_start3A_16 = tpu.memref_slice %arg4[%rem3A_8, %dma_start3A_14, %dma_start3A_15] : memref<2x64x128xf32, #tpu.memory_space<vmem>> -> memref<1x64x128xf32, #tpu.memory_space<vmem>>
    %dma_start3A_17 = tpu.memref_squeeze %dma_start3A_16 : memref<1x64x128xf32, #tpu.memory_space<vmem>> -> memref<64x128xf32, #tpu.memory_space<vmem>>
    %dma_start3A_18 = arith.constant 0 : i32
    %dma_start3A_19 = tpu.memref_slice %arg2[%multiple_of3A, %dma_start3A_18] : memref<204800x128xf32, #tpu.memory_space<hbm>> -> memref<64x128xf32, #tpu.memory_space<hbm>>
    tpu.enqueue_dma source(%dma_start3A_19 : memref<64x128xf32, #tpu.memory_space<hbm>>) target(%dma_start3A_17 : memref<64x128xf32, #tpu.memory_space<vmem>>) target_semaphore(%arg6 : memref<!tpu.dma_semaphore, #tpu.memory_space<semaphore_mem>>)
    %scan3A = arith.constant 0 : i32
    %scan3A_20 = arith.constant 0 : i32
    %scan3A_21 = arith.constant 100 : i32
    %scan3A_22 = arith.addi %scan3A_20, %scan3A_21 : i32
    %scan3A_23 = arith.constant 1 : i32
    scf.for %scan3A_54 = %scan3A_20 to %scan3A_22 step %scan3A_23  : i32 {
      %rem3A_55 = arith.constant 2 : i32
      %rem3A_56 = arith.remsi %scan3A_54, %rem3A_55 : i32
      %add3A_57 = arith.constant 1 : i32
      %add3A_58 = arith.addi %scan3A_54, %add3A_57 : i32
      %lt3A = arith.constant 100 : i32
      %lt3A_59 = arith.cmpi slt, %add3A_58, %lt3A : i32
      %convert_element_type3A = arith.extui %lt3A_59 : i1 to i32
      %cond3A = arith.constant 0 : i32
      %cond3A_60 = arith.cmpi ne, %convert_element_type3A, %cond3A : i32
      scf.if %cond3A_60 {
        %add3A_106 = arith.constant 1 : i32
        %add3A_107 = arith.addi %scan3A_54, %add3A_106 : i32
        %mul3A_108 = arith.constant 100 : i32
        %mul3A_109 = arith.muli %add3A, %mul3A_108 : i32
        %add3A_110 = arith.addi %mul3A_109, %add3A_107 : i32
        %mul3A_111 = arith.constant 64 : i32
        %mul3A_112 = arith.muli %add3A_110, %mul3A_111 : i32
        %multiple_of3A_113 = tpu.assume_multiple %mul3A_112, 64 : i32
        %rem3A_114 = arith.constant 2 : i32
        %rem3A_115 = arith.remsi %add3A_107, %rem3A_114 : i32
        %dma_start3A_116 = arith.constant 0 : i32
        %dma_start3A_117 = arith.constant 0 : i32
        %dma_start3A_118 = tpu.memref_slice %arg4[%rem3A_115, %dma_start3A_116, %dma_start3A_117] : memref<2x64x128xf32, #tpu.memory_space<vmem>> -> memref<1x64x128xf32, #tpu.memory_space<vmem>>
        %dma_start3A_119 = tpu.memref_squeeze %dma_start3A_118 : memref<1x64x128xf32, #tpu.memory_space<vmem>> -> memref<64x128xf32, #tpu.memory_space<vmem>>
        %dma_start3A_120 = arith.constant 0 : i32
        %dma_start3A_121 = tpu.memref_slice %arg2[%multiple_of3A_113, %dma_start3A_120] : memref<204800x128xf32, #tpu.memory_space<hbm>> -> memref<64x128xf32, #tpu.memory_space<hbm>>
        %dma_start3A_122 = arith.constant 0 : i32
        %dma_start3A_123 = arith.constant 0 : i32
        %dma_start3A_124 = tpu.memref_slice %arg4[%rem3A_115, %dma_start3A_122, %dma_start3A_123] : memref<2x64x128xf32, #tpu.memory_space<vmem>> -> memref<1x64x128xf32, #tpu.memory_space<vmem>>
        %dma_start3A_125 = tpu.memref_squeeze %dma_start3A_124 : memref<1x64x128xf32, #tpu.memory_space<vmem>> -> memref<64x128xf32, #tpu.memory_space<vmem>>
        %dma_start3A_126 = arith.constant 0 : i32
        %dma_start3A_127 = tpu.memref_slice %arg2[%multiple_of3A_113, %dma_start3A_126] : memref<204800x128xf32, #tpu.memory_space<hbm>> -> memref<64x128xf32, #tpu.memory_space<hbm>>
        tpu.enqueue_dma source(%dma_start3A_127 : memref<64x128xf32, #tpu.memory_space<hbm>>) target(%dma_start3A_125 : memref<64x128xf32, #tpu.memory_space<vmem>>) target_semaphore(%arg6 : memref<!tpu.dma_semaphore, #tpu.memory_space<semaphore_mem>>)
      } else {
      }
      %dma_wait3A_61 = arith.constant 0 : i32
      %dma_wait3A_62 = arith.constant 0 : i32
      %dma_wait3A_63 = arith.constant 0 : i32
      %dma_wait3A_64 = tpu.memref_slice %arg4[%dma_wait3A_61, %dma_wait3A_62, %dma_wait3A_63] : memref<2x64x128xf32, #tpu.memory_space<vmem>> -> memref<1x64x128xf32, #tpu.memory_space<vmem>>
      %dma_wait3A_65 = tpu.memref_squeeze %dma_wait3A_64 : memref<1x64x128xf32, #tpu.memory_space<vmem>> -> memref<64x128xf32, #tpu.memory_space<vmem>>
      %dma_wait3A_66 = arith.constant 0 : i32
      %dma_wait3A_67 = arith.constant 0 : i32
      %dma_wait3A_68 = tpu.memref_slice %arg2[%dma_wait3A_66, %dma_wait3A_67] : memref<204800x128xf32, #tpu.memory_space<hbm>> -> memref<64x128xf32, #tpu.memory_space<hbm>>
      %dma_wait3A_69 = arith.constant 0 : i32
      %dma_wait3A_70 = arith.constant 0 : i32
      %dma_wait3A_71 = tpu.memref_slice %arg4[%dma_wait3A_61, %dma_wait3A_69, %dma_wait3A_70] : memref<2x64x128xf32, #tpu.memory_space<vmem>> -> memref<1x64x128xf32, #tpu.memory_space<vmem>>
      %dma_wait3A_72 = tpu.memref_squeeze %dma_wait3A_71 : memref<1x64x128xf32, #tpu.memory_space<vmem>> -> memref<64x128xf32, #tpu.memory_space<vmem>>
      %dma_wait3A_73 = arith.constant 0 : i32
      %dma_wait3A_74 = arith.constant 0 : i32
      %dma_wait3A_75 = tpu.memref_slice %arg2[%dma_wait3A_73, %dma_wait3A_74] : memref<204800x128xf32, #tpu.memory_space<hbm>> -> memref<64x128xf32, #tpu.memory_space<hbm>>
      tpu.wait_dma2 semaphore(%arg6 : memref<!tpu.dma_semaphore, #tpu.memory_space<semaphore_mem>>) src(%dma_wait3A_75 : memref<64x128xf32, #tpu.memory_space<hbm>>) dst(%dma_wait3A_72 : memref<64x128xf32, #tpu.memory_space<vmem>>)
      %ge3A = arith.constant 2 : i32
      %ge3A_76 = arith.cmpi sge, %scan3A_54, %ge3A : i32
      %convert_element_type3A_77 = arith.extui %ge3A_76 : i1 to i32
      %cond3A_78 = arith.constant 0 : i32
      %cond3A_79 = arith.cmpi ne, %convert_element_type3A_77, %cond3A_78 : i32
      scf.if %cond3A_79 {
        %dma_wait3A_106 = arith.constant 0 : i32
        %dma_wait3A_107 = arith.constant 0 : i32
        %dma_wait3A_108 = arith.constant 0 : i32
        %dma_wait3A_109 = tpu.memref_slice %arg5[%dma_wait3A_106, %dma_wait3A_107, %dma_wait3A_108] : memref<2x256x32xf32, #tpu.memory_space<vmem>> -> memref<1x256x32xf32, #tpu.memory_space<vmem>>
        %dma_wait3A_110 = tpu.memref_squeeze %dma_wait3A_109 : memref<1x256x32xf32, #tpu.memory_space<vmem>> -> memref<256x32xf32, #tpu.memory_space<vmem>>
        %dma_wait3A_111 = arith.constant 0 : i32
        %dma_wait3A_112 = arith.constant 0 : i32
        %dma_wait3A_113 = tpu.memref_slice %arg3[%dma_wait3A_111, %dma_wait3A_112] : memref<819200x32xf32, #tpu.memory_space<hbm>> -> memref<256x32xf32, #tpu.memory_space<hbm>>
        %dma_wait3A_114 = arith.constant 0 : i32
        %dma_wait3A_115 = arith.constant 0 : i32
        %dma_wait3A_116 = tpu.memref_slice %arg3[%dma_wait3A_114, %dma_wait3A_115] : memref<819200x32xf32, #tpu.memory_space<hbm>> -> memref<256x32xf32, #tpu.memory_space<hbm>>
        %dma_wait3A_117 = arith.constant 0 : i32
        %dma_wait3A_118 = arith.constant 0 : i32
        %dma_wait3A_119 = tpu.memref_slice %arg5[%dma_wait3A_106, %dma_wait3A_117, %dma_wait3A_118] : memref<2x256x32xf32, #tpu.memory_space<vmem>> -> memref<1x256x32xf32, #tpu.memory_space<vmem>>
        %dma_wait3A_120 = tpu.memref_squeeze %dma_wait3A_119 : memref<1x256x32xf32, #tpu.memory_space<vmem>> -> memref<256x32xf32, #tpu.memory_space<vmem>>
        tpu.wait_dma2 semaphore(%arg7 : memref<!tpu.dma_semaphore, #tpu.memory_space<semaphore_mem>>) src(%dma_wait3A_120 : memref<256x32xf32, #tpu.memory_space<vmem>>) dst(%dma_wait3A_116 : memref<256x32xf32, #tpu.memory_space<hbm>>)
      } else {
      }
      %scan3A_80 = arith.constant 0 : i32
      %scan3A_81 = arith.constant 0 : i32
      %scan3A_82 = arith.constant 256 : i32
      %scan3A_83 = arith.addi %scan3A_81, %scan3A_82 : i32
      %scan3A_84 = arith.constant 8 : i32
      scf.for %scan3A_106 = %scan3A_81 to %scan3A_83 step %scan3A_84  : i32 {
        %shift_right_arithmetic3A = arith.constant 2 : i32
        %shift_right_arithmetic3A_107 = arith.shrsi %scan3A_106, %shift_right_arithmetic3A : i32
        %and3A = arith.constant 3 : i32
        %and3A_108 = arith.andi %scan3A_106, %and3A : i32
        %mul3A_109 = arith.constant 32 : i32
        %mul3A_110 = arith.muli %and3A_108, %mul3A_109 : i32
        %get3A = arith.index_cast %rem3A_56 : i32 to index
        %get3A_111 = arith.index_cast %shift_right_arithmetic3A_107 : i32 to index
        %get3A_112 = arith.index_cast %mul3A_110 : i32 to index
        %get3A_113 = tpu.vector_load %arg4[%get3A, %get3A_111, %get3A_112] {strides = array<i32>} : memref<2x64x128xf32, #tpu.memory_space<vmem>>, vector<1x1x16xf32>,
        %get3A_114 = vector.shape_cast %get3A_113 : vector<1x1x16xf32> to vector<16xf32>
        %swap3A = arith.index_cast %rem3A_56 : i32 to index
        %swap3A_115 = arith.index_cast %scan3A_106 : i32 to index
        %swap3A_116 = arith.constant 0 : index
        %swap3A_117 = tpu.vector_load %arg5[%swap3A, %swap3A_115, %swap3A_116] {strides = array<i32>} : memref<2x256x32xf32, #tpu.memory_space<vmem>>, vector<1x1x16xf32>,
        %swap3A_118 = vector.shape_cast %swap3A_117 : vector<1x1x16xf32> to vector<16xf32>
        %swap3A_119 = vector.shape_cast %get3A_114 : vector<16xf32> to vector<1x1x16xf32>
        tpu.vector_store %arg5[%swap3A, %swap3A_115, %swap3A_116], %swap3A_119 {strides = array<i32>} : memref<2x256x32xf32, #tpu.memory_space<vmem>>, vector<1x1x16xf32>,
        %add3A_120 = arith.constant 16 : i32
        %add3A_121 = arith.addi %mul3A_110, %add3A_120 : i32
        %get3A_122 = arith.index_cast %rem3A_56 : i32 to index
        %get3A_123 = arith.index_cast %shift_right_arithmetic3A_107 : i32 to index
        %get3A_124 = arith.index_cast %add3A_121 : i32 to index
        %get3A_125 = tpu.vector_load %arg4[%get3A_122, %get3A_123, %get3A_124] {strides = array<i32>} : memref<2x64x128xf32, #tpu.memory_space<vmem>>, vector<1x1x16xf32>,
        %get3A_126 = vector.shape_cast %get3A_125 : vector<1x1x16xf32> to vector<16xf32>
        %swap3A_127 = arith.index_cast %rem3A_56 : i32 to index
        %swap3A_128 = arith.index_cast %scan3A_106 : i32 to index
        %swap3A_129 = arith.constant 16 : index
        %swap3A_130 = tpu.vector_load %arg5[%swap3A_127, %swap3A_128, %swap3A_129] {strides = array<i32>} : memref<2x256x32xf32, #tpu.memory_space<vmem>>, vector<1x1x16xf32>,
        %swap3A_131 = vector.shape_cast %swap3A_130 : vector<1x1x16xf32> to vector<16xf32>
        %swap3A_132 = vector.shape_cast %get3A_126 : vector<16xf32> to vector<1x1x16xf32>
        tpu.vector_store %arg5[%swap3A_127, %swap3A_128, %swap3A_129], %swap3A_132 {strides = array<i32>} : memref<2x256x32xf32, #tpu.memory_space<vmem>>, vector<1x1x16xf32>,
        %scan3A_133 = arith.constant 1 : i32
        %scan3A_134 = arith.addi %scan3A_106, %scan3A_133 : i32
        %shift_right_arithmetic3A_135 = arith.constant 2 : i32
        %shift_right_arithmetic3A_136 = arith.shrsi %scan3A_134, %shift_right_arithmetic3A_135 : i32
        %and3A_137 = arith.constant 3 : i32
        %and3A_138 = arith.andi %scan3A_134, %and3A_137 : i32
        %mul3A_139 = arith.constant 32 : i32
        %mul3A_140 = arith.muli %and3A_138, %mul3A_139 : i32
        %get3A_141 = arith.index_cast %rem3A_56 : i32 to index
        %get3A_142 = arith.index_cast %shift_right_arithmetic3A_136 : i32 to index
        %get3A_143 = arith.index_cast %mul3A_140 : i32 to index
        %get3A_144 = tpu.vector_load %arg4[%get3A_141, %get3A_142, %get3A_143] {strides = array<i32>} : memref<2x64x128xf32, #tpu.memory_space<vmem>>, vector<1x1x16xf32>,
        %get3A_145 = vector.shape_cast %get3A_144 : vector<1x1x16xf32> to vector<16xf32>
        %swap3A_146 = arith.index_cast %rem3A_56 : i32 to index
        %swap3A_147 = arith.index_cast %scan3A_134 : i32 to index
        %swap3A_148 = arith.constant 0 : index
        %swap3A_149 = tpu.vector_load %arg5[%swap3A_146, %swap3A_147, %swap3A_148] {strides = array<i32>} : memref<2x256x32xf32, #tpu.memory_space<vmem>>, vector<1x1x16xf32>,
        %swap3A_150 = vector.shape_cast %swap3A_149 : vector<1x1x16xf32> to vector<16xf32>
        %swap3A_151 = vector.shape_cast %get3A_145 : vector<16xf32> to vector<1x1x16xf32>
        tpu.vector_store %arg5[%swap3A_146, %swap3A_147, %swap3A_148], %swap3A_151 {strides = array<i32>} : memref<2x256x32xf32, #tpu.memory_space<vmem>>, vector<1x1x16xf32>,
        %add3A_152 = arith.constant 16 : i32
        %add3A_153 = arith.addi %mul3A_140, %add3A_152 : i32
        %get3A_154 = arith.index_cast %rem3A_56 : i32 to index
        %get3A_155 = arith.index_cast %shift_right_arithmetic3A_136 : i32 to index
        %get3A_156 = arith.index_cast %add3A_153 : i32 to index
        %get3A_157 = tpu.vector_load %arg4[%get3A_154, %get3A_155, %get3A_156] {strides = array<i32>} : memref<2x64x128xf32, #tpu.memory_space<vmem>>, vector<1x1x16xf32>,
        %get3A_158 = vector.shape_cast %get3A_157 : vector<1x1x16xf32> to vector<16xf32>
        %swap3A_159 = arith.index_cast %rem3A_56 : i32 to index
        %swap3A_160 = arith.index_cast %scan3A_134 : i32 to index
        %swap3A_161 = arith.constant 16 : index
        %swap3A_162 = tpu.vector_load %arg5[%swap3A_159, %swap3A_160, %swap3A_161] {strides = array<i32>} : memref<2x256x32xf32, #tpu.memory_space<vmem>>, vector<1x1x16xf32>,
        %swap3A_163 = vector.shape_cast %swap3A_162 : vector<1x1x16xf32> to vector<16xf32>
        %swap3A_164 = vector.shape_cast %get3A_158 : vector<16xf32> to vector<1x1x16xf32>
        tpu.vector_store %arg5[%swap3A_159, %swap3A_160, %swap3A_161], %swap3A_164 {strides = array<i32>} : memref<2x256x32xf32, #tpu.memory_space<vmem>>, vector<1x1x16xf32>,
        %scan3A_165 = arith.constant 2 : i32
        %scan3A_166 = arith.addi %scan3A_106, %scan3A_165 : i32
        %shift_right_arithmetic3A_167 = arith.constant 2 : i32
        %shift_right_arithmetic3A_168 = arith.shrsi %scan3A_166, %shift_right_arithmetic3A_167 : i32
        %and3A_169 = arith.constant 3 : i32
        %and3A_170 = arith.andi %scan3A_166, %and3A_169 : i32
        %mul3A_171 = arith.constant 32 : i32
        %mul3A_172 = arith.muli %and3A_170, %mul3A_171 : i32
        %get3A_173 = arith.index_cast %rem3A_56 : i32 to index
        %get3A_174 = arith.index_cast %shift_right_arithmetic3A_168 : i32 to index
        %get3A_175 = arith.index_cast %mul3A_172 : i32 to index
        %get3A_176 = tpu.vector_load %arg4[%get3A_173, %get3A_174, %get3A_175] {strides = array<i32>} : memref<2x64x128xf32, #tpu.memory_space<vmem>>, vector<1x1x16xf32>,
        %get3A_177 = vector.shape_cast %get3A_176 : vector<1x1x16xf32> to vector<16xf32>
        %swap3A_178 = arith.index_cast %rem3A_56 : i32 to index
        %swap3A_179 = arith.index_cast %scan3A_166 : i32 to index
        %swap3A_180 = arith.constant 0 : index
        %swap3A_181 = tpu.vector_load %arg5[%swap3A_178, %swap3A_179, %swap3A_180] {strides = array<i32>} : memref<2x256x32xf32, #tpu.memory_space<vmem>>, vector<1x1x16xf32>,
        %swap3A_182 = vector.shape_cast %swap3A_181 : vector<1x1x16xf32> to vector<16xf32>
        %swap3A_183 = vector.shape_cast %get3A_177 : vector<16xf32> to vector<1x1x16xf32>
        tpu.vector_store %arg5[%swap3A_178, %swap3A_179, %swap3A_180], %swap3A_183 {strides = array<i32>} : memref<2x256x32xf32, #tpu.memory_space<vmem>>, vector<1x1x16xf32>,
        %add3A_184 = arith.constant 16 : i32
        %add3A_185 = arith.addi %mul3A_172, %add3A_184 : i32
        %get3A_186 = arith.index_cast %rem3A_56 : i32 to index
        %get3A_187 = arith.index_cast %shift_right_arithmetic3A_168 : i32 to index
        %get3A_188 = arith.index_cast %add3A_185 : i32 to index
        %get3A_189 = tpu.vector_load %arg4[%get3A_186, %get3A_187, %get3A_188] {strides = array<i32>} : memref<2x64x128xf32, #tpu.memory_space<vmem>>, vector<1x1x16xf32>,
        %get3A_190 = vector.shape_cast %get3A_189 : vector<1x1x16xf32> to vector<16xf32>
        %swap3A_191 = arith.index_cast %rem3A_56 : i32 to index
        %swap3A_192 = arith.index_cast %scan3A_166 : i32 to index
        %swap3A_193 = arith.constant 16 : index
        %swap3A_194 = tpu.vector_load %arg5[%swap3A_191, %swap3A_192, %swap3A_193] {strides = array<i32>} : memref<2x256x32xf32, #tpu.memory_space<vmem>>, vector<1x1x16xf32>,
        %swap3A_195 = vector.shape_cast %swap3A_194 : vector<1x1x16xf32> to vector<16xf32>
        %swap3A_196 = vector.shape_cast %get3A_190 : vector<16xf32> to vector<1x1x16xf32>
        tpu.vector_store %arg5[%swap3A_191, %swap3A_192, %swap3A_193], %swap3A_196 {strides = array<i32>} : memref<2x256x32xf32, #tpu.memory_space<vmem>>, vector<1x1x16xf32>,
        %scan3A_197 = arith.constant 3 : i32
        %scan3A_198 = arith.addi %scan3A_106, %scan3A_197 : i32
        %shift_right_arithmetic3A_199 = arith.constant 2 : i32
        %shift_right_arithmetic3A_200 = arith.shrsi %scan3A_198, %shift_right_arithmetic3A_199 : i32
        %and3A_201 = arith.constant 3 : i32
        %and3A_202 = arith.andi %scan3A_198, %and3A_201 : i32
        %mul3A_203 = arith.constant 32 : i32
        %mul3A_204 = arith.muli %and3A_202, %mul3A_203 : i32
        %get3A_205 = arith.index_cast %rem3A_56 : i32 to index
        %get3A_206 = arith.index_cast %shift_right_arithmetic3A_200 : i32 to index
        %get3A_207 = arith.index_cast %mul3A_204 : i32 to index
        %get3A_208 = tpu.vector_load %arg4[%get3A_205, %get3A_206, %get3A_207] {strides = array<i32>} : memref<2x64x128xf32, #tpu.memory_space<vmem>>, vector<1x1x16xf32>,
        %get3A_209 = vector.shape_cast %get3A_208 : vector<1x1x16xf32> to vector<16xf32>
        %swap3A_210 = arith.index_cast %rem3A_56 : i32 to index
        %swap3A_211 = arith.index_cast %scan3A_198 : i32 to index
        %swap3A_212 = arith.constant 0 : index
        %swap3A_213 = tpu.vector_load %arg5[%swap3A_210, %swap3A_211, %swap3A_212] {strides = array<i32>} : memref<2x256x32xf32, #tpu.memory_space<vmem>>, vector<1x1x16xf32>,
        %swap3A_214 = vector.shape_cast %swap3A_213 : vector<1x1x16xf32> to vector<16xf32>
        %swap3A_215 = vector.shape_cast %get3A_209 : vector<16xf32> to vector<1x1x16xf32>
        tpu.vector_store %arg5[%swap3A_210, %swap3A_211, %swap3A_212], %swap3A_215 {strides = array<i32>} : memref<2x256x32xf32, #tpu.memory_space<vmem>>, vector<1x1x16xf32>,
        %add3A_216 = arith.constant 16 : i32
        %add3A_217 = arith.addi %mul3A_204, %add3A_216 : i32
        %get3A_218 = arith.index_cast %rem3A_56 : i32 to index
        %get3A_219 = arith.index_cast %shift_right_arithmetic3A_200 : i32 to index
        %get3A_220 = arith.index_cast %add3A_217 : i32 to index
        %get3A_221 = tpu.vector_load %arg4[%get3A_218, %get3A_219, %get3A_220] {strides = array<i32>} : memref<2x64x128xf32, #tpu.memory_space<vmem>>, vector<1x1x16xf32>,
        %get3A_222 = vector.shape_cast %get3A_221 : vector<1x1x16xf32> to vector<16xf32>
        %swap3A_223 = arith.index_cast %rem3A_56 : i32 to index
        %swap3A_224 = arith.index_cast %scan3A_198 : i32 to index
        %swap3A_225 = arith.constant 16 : index
        %swap3A_226 = tpu.vector_load %arg5[%swap3A_223, %swap3A_224, %swap3A_225] {strides = array<i32>} : memref<2x256x32xf32, #tpu.memory_space<vmem>>, vector<1x1x16xf32>,
        %swap3A_227 = vector.shape_cast %swap3A_226 : vector<1x1x16xf32> to vector<16xf32>
        %swap3A_228 = vector.shape_cast %get3A_222 : vector<16xf32> to vector<1x1x16xf32>
        tpu.vector_store %arg5[%swap3A_223, %swap3A_224, %swap3A_225], %swap3A_228 {strides = array<i32>} : memref<2x256x32xf32, #tpu.memory_space<vmem>>, vector<1x1x16xf32>,
        %scan3A_229 = arith.constant 4 : i32
        %scan3A_230 = arith.addi %scan3A_106, %scan3A_229 : i32
        %shift_right_arithmetic3A_231 = arith.constant 2 : i32
        %shift_right_arithmetic3A_232 = arith.shrsi %scan3A_230, %shift_right_arithmetic3A_231 : i32
        %and3A_233 = arith.constant 3 : i32
        %and3A_234 = arith.andi %scan3A_230, %and3A_233 : i32
        %mul3A_235 = arith.constant 32 : i32
        %mul3A_236 = arith.muli %and3A_234, %mul3A_235 : i32
        %get3A_237 = arith.index_cast %rem3A_56 : i32 to index
        %get3A_238 = arith.index_cast %shift_right_arithmetic3A_232 : i32 to index
        %get3A_239 = arith.index_cast %mul3A_236 : i32 to index
        %get3A_240 = tpu.vector_load %arg4[%get3A_237, %get3A_238, %get3A_239] {strides = array<i32>} : memref<2x64x128xf32, #tpu.memory_space<vmem>>, vector<1x1x16xf32>,
        %get3A_241 = vector.shape_cast %get3A_240 : vector<1x1x16xf32> to vector<16xf32>
        %swap3A_242 = arith.index_cast %rem3A_56 : i32 to index
        %swap3A_243 = arith.index_cast %scan3A_230 : i32 to index
        %swap3A_244 = arith.constant 0 : index
        %swap3A_245 = tpu.vector_load %arg5[%swap3A_242, %swap3A_243, %swap3A_244] {strides = array<i32>} : memref<2x256x32xf32, #tpu.memory_space<vmem>>, vector<1x1x16xf32>,
        %swap3A_246 = vector.shape_cast %swap3A_245 : vector<1x1x16xf32> to vector<16xf32>
        %swap3A_247 = vector.shape_cast %get3A_241 : vector<16xf32> to vector<1x1x16xf32>
        tpu.vector_store %arg5[%swap3A_242, %swap3A_243, %swap3A_244], %swap3A_247 {strides = array<i32>} : memref<2x256x32xf32, #tpu.memory_space<vmem>>, vector<1x1x16xf32>,
        %add3A_248 = arith.constant 16 : i32
        %add3A_249 = arith.addi %mul3A_236, %add3A_248 : i32
        %get3A_250 = arith.index_cast %rem3A_56 : i32 to index
        %get3A_251 = arith.index_cast %shift_right_arithmetic3A_232 : i32 to index
        %get3A_252 = arith.index_cast %add3A_249 : i32 to index
        %get3A_253 = tpu.vector_load %arg4[%get3A_250, %get3A_251, %get3A_252] {strides = array<i32>} : memref<2x64x128xf32, #tpu.memory_space<vmem>>, vector<1x1x16xf32>,
        %get3A_254 = vector.shape_cast %get3A_253 : vector<1x1x16xf32> to vector<16xf32>
        %swap3A_255 = arith.index_cast %rem3A_56 : i32 to index
        %swap3A_256 = arith.index_cast %scan3A_230 : i32 to index
        %swap3A_257 = arith.constant 16 : index
        %swap3A_258 = tpu.vector_load %arg5[%swap3A_255, %swap3A_256, %swap3A_257] {strides = array<i32>} : memref<2x256x32xf32, #tpu.memory_space<vmem>>, vector<1x1x16xf32>,
        %swap3A_259 = vector.shape_cast %swap3A_258 : vector<1x1x16xf32> to vector<16xf32>
        %swap3A_260 = vector.shape_cast %get3A_254 : vector<16xf32> to vector<1x1x16xf32>
        tpu.vector_store %arg5[%swap3A_255, %swap3A_256, %swap3A_257], %swap3A_260 {strides = array<i32>} : memref<2x256x32xf32, #tpu.memory_space<vmem>>, vector<1x1x16xf32>,
        %scan3A_261 = arith.constant 5 : i32
        %scan3A_262 = arith.addi %scan3A_106, %scan3A_261 : i32
        %shift_right_arithmetic3A_263 = arith.constant 2 : i32
        %shift_right_arithmetic3A_264 = arith.shrsi %scan3A_262, %shift_right_arithmetic3A_263 : i32
        %and3A_265 = arith.constant 3 : i32
        %and3A_266 = arith.andi %scan3A_262, %and3A_265 : i32
        %mul3A_267 = arith.constant 32 : i32
        %mul3A_268 = arith.muli %and3A_266, %mul3A_267 : i32
        %get3A_269 = arith.index_cast %rem3A_56 : i32 to index
        %get3A_270 = arith.index_cast %shift_right_arithmetic3A_264 : i32 to index
        %get3A_271 = arith.index_cast %mul3A_268 : i32 to index
        %get3A_272 = tpu.vector_load %arg4[%get3A_269, %get3A_270, %get3A_271] {strides = array<i32>} : memref<2x64x128xf32, #tpu.memory_space<vmem>>, vector<1x1x16xf32>,
        %get3A_273 = vector.shape_cast %get3A_272 : vector<1x1x16xf32> to vector<16xf32>
        %swap3A_274 = arith.index_cast %rem3A_56 : i32 to index
        %swap3A_275 = arith.index_cast %scan3A_262 : i32 to index
        %swap3A_276 = arith.constant 0 : index
        %swap3A_277 = tpu.vector_load %arg5[%swap3A_274, %swap3A_275, %swap3A_276] {strides = array<i32>} : memref<2x256x32xf32, #tpu.memory_space<vmem>>, vector<1x1x16xf32>,
        %swap3A_278 = vector.shape_cast %swap3A_277 : vector<1x1x16xf32> to vector<16xf32>
        %swap3A_279 = vector.shape_cast %get3A_273 : vector<16xf32> to vector<1x1x16xf32>
        tpu.vector_store %arg5[%swap3A_274, %swap3A_275, %swap3A_276], %swap3A_279 {strides = array<i32>} : memref<2x256x32xf32, #tpu.memory_space<vmem>>, vector<1x1x16xf32>,
        %add3A_280 = arith.constant 16 : i32
        %add3A_281 = arith.addi %mul3A_268, %add3A_280 : i32
        %get3A_282 = arith.index_cast %rem3A_56 : i32 to index
        %get3A_283 = arith.index_cast %shift_right_arithmetic3A_264 : i32 to index
        %get3A_284 = arith.index_cast %add3A_281 : i32 to index
        %get3A_285 = tpu.vector_load %arg4[%get3A_282, %get3A_283, %get3A_284] {strides = array<i32>} : memref<2x64x128xf32, #tpu.memory_space<vmem>>, vector<1x1x16xf32>,
        %get3A_286 = vector.shape_cast %get3A_285 : vector<1x1x16xf32> to vector<16xf32>
        %swap3A_287 = arith.index_cast %rem3A_56 : i32 to index
        %swap3A_288 = arith.index_cast %scan3A_262 : i32 to index
        %swap3A_289 = arith.constant 16 : index
        %swap3A_290 = tpu.vector_load %arg5[%swap3A_287, %swap3A_288, %swap3A_289] {strides = array<i32>} : memref<2x256x32xf32, #tpu.memory_space<vmem>>, vector<1x1x16xf32>,
        %swap3A_291 = vector.shape_cast %swap3A_290 : vector<1x1x16xf32> to vector<16xf32>
        %swap3A_292 = vector.shape_cast %get3A_286 : vector<16xf32> to vector<1x1x16xf32>
        tpu.vector_store %arg5[%swap3A_287, %swap3A_288, %swap3A_289], %swap3A_292 {strides = array<i32>} : memref<2x256x32xf32, #tpu.memory_space<vmem>>, vector<1x1x16xf32>,
        %scan3A_293 = arith.constant 6 : i32
        %scan3A_294 = arith.addi %scan3A_106, %scan3A_293 : i32
        %shift_right_arithmetic3A_295 = arith.constant 2 : i32
        %shift_right_arithmetic3A_296 = arith.shrsi %scan3A_294, %shift_right_arithmetic3A_295 : i32
        %and3A_297 = arith.constant 3 : i32
        %and3A_298 = arith.andi %scan3A_294, %and3A_297 : i32
        %mul3A_299 = arith.constant 32 : i32
        %mul3A_300 = arith.muli %and3A_298, %mul3A_299 : i32
        %get3A_301 = arith.index_cast %rem3A_56 : i32 to index
        %get3A_302 = arith.index_cast %shift_right_arithmetic3A_296 : i32 to index
        %get3A_303 = arith.index_cast %mul3A_300 : i32 to index
        %get3A_304 = tpu.vector_load %arg4[%get3A_301, %get3A_302, %get3A_303] {strides = array<i32>} : memref<2x64x128xf32, #tpu.memory_space<vmem>>, vector<1x1x16xf32>,
        %get3A_305 = vector.shape_cast %get3A_304 : vector<1x1x16xf32> to vector<16xf32>
        %swap3A_306 = arith.index_cast %rem3A_56 : i32 to index
        %swap3A_307 = arith.index_cast %scan3A_294 : i32 to index
        %swap3A_308 = arith.constant 0 : index
        %swap3A_309 = tpu.vector_load %arg5[%swap3A_306, %swap3A_307, %swap3A_308] {strides = array<i32>} : memref<2x256x32xf32, #tpu.memory_space<vmem>>, vector<1x1x16xf32>,
        %swap3A_310 = vector.shape_cast %swap3A_309 : vector<1x1x16xf32> to vector<16xf32>
        %swap3A_311 = vector.shape_cast %get3A_305 : vector<16xf32> to vector<1x1x16xf32>
        tpu.vector_store %arg5[%swap3A_306, %swap3A_307, %swap3A_308], %swap3A_311 {strides = array<i32>} : memref<2x256x32xf32, #tpu.memory_space<vmem>>, vector<1x1x16xf32>,
        %add3A_312 = arith.constant 16 : i32
        %add3A_313 = arith.addi %mul3A_300, %add3A_312 : i32
        %get3A_314 = arith.index_cast %rem3A_56 : i32 to index
        %get3A_315 = arith.index_cast %shift_right_arithmetic3A_296 : i32 to index
        %get3A_316 = arith.index_cast %add3A_313 : i32 to index
        %get3A_317 = tpu.vector_load %arg4[%get3A_314, %get3A_315, %get3A_316] {strides = array<i32>} : memref<2x64x128xf32, #tpu.memory_space<vmem>>, vector<1x1x16xf32>,
        %get3A_318 = vector.shape_cast %get3A_317 : vector<1x1x16xf32> to vector<16xf32>
        %swap3A_319 = arith.index_cast %rem3A_56 : i32 to index
        %swap3A_320 = arith.index_cast %scan3A_294 : i32 to index
        %swap3A_321 = arith.constant 16 : index
        %swap3A_322 = tpu.vector_load %arg5[%swap3A_319, %swap3A_320, %swap3A_321] {strides = array<i32>} : memref<2x256x32xf32, #tpu.memory_space<vmem>>, vector<1x1x16xf32>,
        %swap3A_323 = vector.shape_cast %swap3A_322 : vector<1x1x16xf32> to vector<16xf32>
        %swap3A_324 = vector.shape_cast %get3A_318 : vector<16xf32> to vector<1x1x16xf32>
        tpu.vector_store %arg5[%swap3A_319, %swap3A_320, %swap3A_321], %swap3A_324 {strides = array<i32>} : memref<2x256x32xf32, #tpu.memory_space<vmem>>, vector<1x1x16xf32>,
        %scan3A_325 = arith.constant 7 : i32
        %scan3A_326 = arith.addi %scan3A_106, %scan3A_325 : i32
        %shift_right_arithmetic3A_327 = arith.constant 2 : i32
        %shift_right_arithmetic3A_328 = arith.shrsi %scan3A_326, %shift_right_arithmetic3A_327 : i32
        %and3A_329 = arith.constant 3 : i32
        %and3A_330 = arith.andi %scan3A_326, %and3A_329 : i32
        %mul3A_331 = arith.constant 32 : i32
        %mul3A_332 = arith.muli %and3A_330, %mul3A_331 : i32
        %get3A_333 = arith.index_cast %rem3A_56 : i32 to index
        %get3A_334 = arith.index_cast %shift_right_arithmetic3A_328 : i32 to index
        %get3A_335 = arith.index_cast %mul3A_332 : i32 to index
        %get3A_336 = tpu.vector_load %arg4[%get3A_333, %get3A_334, %get3A_335] {strides = array<i32>} : memref<2x64x128xf32, #tpu.memory_space<vmem>>, vector<1x1x16xf32>,
        %get3A_337 = vector.shape_cast %get3A_336 : vector<1x1x16xf32> to vector<16xf32>
        %swap3A_338 = arith.index_cast %rem3A_56 : i32 to index
        %swap3A_339 = arith.index_cast %scan3A_326 : i32 to index
        %swap3A_340 = arith.constant 0 : index
        %swap3A_341 = tpu.vector_load %arg5[%swap3A_338, %swap3A_339, %swap3A_340] {strides = array<i32>} : memref<2x256x32xf32, #tpu.memory_space<vmem>>, vector<1x1x16xf32>,
        %swap3A_342 = vector.shape_cast %swap3A_341 : vector<1x1x16xf32> to vector<16xf32>
        %swap3A_343 = vector.shape_cast %get3A_337 : vector<16xf32> to vector<1x1x16xf32>
        tpu.vector_store %arg5[%swap3A_338, %swap3A_339, %swap3A_340], %swap3A_343 {strides = array<i32>} : memref<2x256x32xf32, #tpu.memory_space<vmem>>, vector<1x1x16xf32>,
        %add3A_344 = arith.constant 16 : i32
        %add3A_345 = arith.addi %mul3A_332, %add3A_344 : i32
        %get3A_346 = arith.index_cast %rem3A_56 : i32 to index
        %get3A_347 = arith.index_cast %shift_right_arithmetic3A_328 : i32 to index
        %get3A_348 = arith.index_cast %add3A_345 : i32 to index
        %get3A_349 = tpu.vector_load %arg4[%get3A_346, %get3A_347, %get3A_348] {strides = array<i32>} : memref<2x64x128xf32, #tpu.memory_space<vmem>>, vector<1x1x16xf32>,
        %get3A_350 = vector.shape_cast %get3A_349 : vector<1x1x16xf32> to vector<16xf32>
        %swap3A_351 = arith.index_cast %rem3A_56 : i32 to index
        %swap3A_352 = arith.index_cast %scan3A_326 : i32 to index
        %swap3A_353 = arith.constant 16 : index
        %swap3A_354 = tpu.vector_load %arg5[%swap3A_351, %swap3A_352, %swap3A_353] {strides = array<i32>} : memref<2x256x32xf32, #tpu.memory_space<vmem>>, vector<1x1x16xf32>,
        %swap3A_355 = vector.shape_cast %swap3A_354 : vector<1x1x16xf32> to vector<16xf32>
        %swap3A_356 = vector.shape_cast %get3A_350 : vector<16xf32> to vector<1x1x16xf32>
        tpu.vector_store %arg5[%swap3A_351, %swap3A_352, %swap3A_353], %swap3A_356 {strides = array<i32>} : memref<2x256x32xf32, #tpu.memory_space<vmem>>, vector<1x1x16xf32>,
      }
      %scan3A_85 = arith.constant 256 : i32
      %mul3A_86 = arith.constant 100 : i32
      %mul3A_87 = arith.muli %add3A, %mul3A_86 : i32
      %add3A_88 = arith.addi %mul3A_87, %scan3A_54 : i32
      %mul3A_89 = arith.constant 256 : i32
      %mul3A_90 = arith.muli %add3A_88, %mul3A_89 : i32
      %rem3A_91 = arith.constant 2 : i32
      %rem3A_92 = arith.remsi %scan3A_54, %rem3A_91 : i32
      %multiple_of3A_93 = tpu.assume_multiple %mul3A_90, 256 : i32
      %dma_start3A_94 = arith.constant 0 : i32
      %dma_start3A_95 = arith.constant 0 : i32
      %dma_start3A_96 = tpu.memref_slice %arg5[%rem3A_92, %dma_start3A_94, %dma_start3A_95] : memref<2x256x32xf32, #tpu.memory_space<vmem>> -> memref<1x256x32xf32, #tpu.memory_space<vmem>>
      %dma_start3A_97 = tpu.memref_squeeze %dma_start3A_96 : memref<1x256x32xf32, #tpu.memory_space<vmem>> -> memref<256x32xf32, #tpu.memory_space<vmem>>
      %dma_start3A_98 = arith.constant 0 : i32
      %dma_start3A_99 = tpu.memref_slice %arg3[%multiple_of3A_93, %dma_start3A_98] : memref<819200x32xf32, #tpu.memory_space<hbm>> -> memref<256x32xf32, #tpu.memory_space<hbm>>
      %dma_start3A_100 = arith.constant 0 : i32
      %dma_start3A_101 = tpu.memref_slice %arg3[%multiple_of3A_93, %dma_start3A_100] : memref<819200x32xf32, #tpu.memory_space<hbm>> -> memref<256x32xf32, #tpu.memory_space<hbm>>
      %dma_start3A_102 = arith.constant 0 : i32
      %dma_start3A_103 = arith.constant 0 : i32
      %dma_start3A_104 = tpu.memref_slice %arg5[%rem3A_92, %dma_start3A_102, %dma_start3A_103] : memref<2x256x32xf32, #tpu.memory_space<vmem>> -> memref<1x256x32xf32, #tpu.memory_space<vmem>>
      %dma_start3A_105 = tpu.memref_squeeze %dma_start3A_104 : memref<1x256x32xf32, #tpu.memory_space<vmem>> -> memref<256x32xf32, #tpu.memory_space<vmem>>
      tpu.enqueue_dma source(%dma_start3A_105 : memref<256x32xf32, #tpu.memory_space<vmem>>) target(%dma_start3A_101 : memref<256x32xf32, #tpu.memory_space<hbm>>) target_semaphore(%arg7 : memref<!tpu.dma_semaphore, #tpu.memory_space<semaphore_mem>>)
    }
    %scan3A_24 = arith.constant 100 : i32
    %dma_wait3A = arith.constant 0 : i32
    %dma_wait3A_25 = arith.constant 0 : i32
    %dma_wait3A_26 = arith.constant 0 : i32
    %dma_wait3A_27 = tpu.memref_slice %arg5[%dma_wait3A, %dma_wait3A_25, %dma_wait3A_26] : memref<2x256x32xf32, #tpu.memory_space<vmem>> -> memref<1x256x32xf32, #tpu.memory_space<vmem>>
    %dma_wait3A_28 = tpu.memref_squeeze %dma_wait3A_27 : memref<1x256x32xf32, #tpu.memory_space<vmem>> -> memref<256x32xf32, #tpu.memory_space<vmem>>
    %dma_wait3A_29 = arith.constant 0 : i32
    %dma_wait3A_30 = arith.constant 0 : i32
    %dma_wait3A_31 = tpu.memref_slice %arg3[%dma_wait3A_29, %dma_wait3A_30] : memref<819200x32xf32, #tpu.memory_space<hbm>> -> memref<256x32xf32, #tpu.memory_space<hbm>>
    %dma_wait3A_32 = arith.constant 0 : i32
    %dma_wait3A_33 = arith.constant 0 : i32
    %dma_wait3A_34 = tpu.memref_slice %arg3[%dma_wait3A_32, %dma_wait3A_33] : memref<819200x32xf32, #tpu.memory_space<hbm>> -> memref<256x32xf32, #tpu.memory_space<hbm>>
    %dma_wait3A_35 = arith.constant 0 : i32
    %dma_wait3A_36 = arith.constant 0 : i32
    %dma_wait3A_37 = tpu.memref_slice %arg5[%dma_wait3A, %dma_wait3A_35, %dma_wait3A_36] : memref<2x256x32xf32, #tpu.memory_space<vmem>> -> memref<1x256x32xf32, #tpu.memory_space<vmem>>
    %dma_wait3A_38 = tpu.memref_squeeze %dma_wait3A_37 : memref<1x256x32xf32, #tpu.memory_space<vmem>> -> memref<256x32xf32, #tpu.memory_space<vmem>>
    tpu.wait_dma2 semaphore(%arg7 : memref<!tpu.dma_semaphore, #tpu.memory_space<semaphore_mem>>) src(%dma_wait3A_38 : memref<256x32xf32, #tpu.memory_space<vmem>>) dst(%dma_wait3A_34 : memref<256x32xf32, #tpu.memory_space<hbm>>)
    %dma_wait3A_39 = arith.constant 0 : i32
    %dma_wait3A_40 = arith.constant 0 : i32
    %dma_wait3A_41 = arith.constant 0 : i32
    %dma_wait3A_42 = tpu.memref_slice %arg5[%dma_wait3A_39, %dma_wait3A_40, %dma_wait3A_41] : memref<2x256x32xf32, #tpu.memory_space<vmem>> -> memref<1x256x32xf32, #tpu.memory_space<vmem>>
    %dma_wait3A_43 = tpu.memref_squeeze %dma_wait3A_42 : memref<1x256x32xf32, #tpu.memory_space<vmem>> -> memref<256x32xf32, #tpu.memory_space<vmem>>
    %dma_wait3A_44 = arith.constant 0 : i32
    %dma_wait3A_45 = arith.constant 0 : i32
    %dma_wait3A_46 = tpu.memref_slice %arg3[%dma_wait3A_44, %dma_wait3A_45] : memref<819200x32xf32, #tpu.memory_space<hbm>> -> memref<256x32xf32, #tpu.memory_space<hbm>>
    %dma_wait3A_47 = arith.constant 0 : i32
    %dma_wait3A_48 = arith.constant 0 : i32
    %dma_wait3A_49 = tpu.memref_slice %arg3[%dma_wait3A_47, %dma_wait3A_48] : memref<819200x32xf32, #tpu.memory_space<hbm>> -> memref<256x32xf32, #tpu.memory_space<hbm>>
    %dma_wait3A_50 = arith.constant 0 : i32
    %dma_wait3A_51 = arith.constant 0 : i32
    %dma_wait3A_52 = tpu.memref_slice %arg5[%dma_wait3A_39, %dma_wait3A_50, %dma_wait3A_51] : memref<2x256x32xf32, #tpu.memory_space<vmem>> -> memref<1x256x32xf32, #tpu.memory_space<vmem>>
    %dma_wait3A_53 = tpu.memref_squeeze %dma_wait3A_52 : memref<1x256x32xf32, #tpu.memory_space<vmem>> -> memref<256x32xf32, #tpu.memory_space<vmem>>
    tpu.wait_dma2 semaphore(%arg7 : memref<!tpu.dma_semaphore, #tpu.memory_space<semaphore_mem>>) src(%dma_wait3A_53 : memref<256x32xf32, #tpu.memory_space<vmem>>) dst(%dma_wait3A_49 : memref<256x32xf32, #tpu.memory_space<hbm>>)
    return
  }
}

#map = affine_map<(d0, d1) -> (0, 0)>
module attributes {stable_mosaic.version = 14 : i64} {
  func.func @_sc_embed(%arg0: i32, %arg1: i32, %arg2: memref<8192x100xi32, #tpu.memory_space<hbm>>, %arg3: memref<1000000x32xf32, #tpu.memory_space<hbm>>, %arg4: memref<200x32xf32, #tpu.memory_space<hbm>>, %arg5: memref<819200x32xf32, #tpu.memory_space<hbm>>, %arg6: memref<16x100xi32, #tpu.memory_space<vmem>>, %arg7: memref<16x100xi32, #tpu.memory_space<vmem>>, %arg8: memref<1600x32xf32, #tpu.memory_space<vmem>>, %arg9: memref<1600x32xf32, #tpu.memory_space<vmem>>, %arg10: memref<200x32xf32, #tpu.memory_space<vmem>>, %arg11: memref<!tpu.dma_semaphore, #tpu.memory_space<semaphore_mem>>, %arg12: memref<!tpu.dma_semaphore, #tpu.memory_space<semaphore_mem>>) attributes {dimension_semantics = [#tpu.dimension_semantics<core_parallel>, #tpu.dimension_semantics<subcore_parallel>], iteration_bounds = array<i64: 2, 16>, scalar_prefetch = 0 : i64, scratch_operands = 7 : i64, tpu.core_type = #tpu.core_type<sc_vector_subcore>, window_params = [{transform_indices = #map}, {transform_indices = #map}, {transform_indices = #map}, {transform_indices = #map}]} {
    %mul3A = arith.constant 2 : i32
    %mul3A_0 = arith.muli %arg1, %mul3A : i32
    %add3A = arith.addi %mul3A_0, %arg0 : i32
    "tpu.region"() ({
      %run_scoped3A = tpu.sem_alloc : memref<!tpu.dma_semaphore, #tpu.memory_space<semaphore_mem>>
      tpu.enqueue_dma source(%arg4 : memref<200x32xf32, #tpu.memory_space<hbm>>) target(%arg10 : memref<200x32xf32, #tpu.memory_space<vmem>>) target_semaphore(%run_scoped3A : memref<!tpu.dma_semaphore, #tpu.memory_space<semaphore_mem>>)
      tpu.wait_dma2 semaphore(%run_scoped3A : memref<!tpu.dma_semaphore, #tpu.memory_space<semaphore_mem>>) src(%arg4 : memref<200x32xf32, #tpu.memory_space<hbm>>) dst(%arg10 : memref<200x32xf32, #tpu.memory_space<vmem>>)
      tpu.yield
    }) : () -> ()
    %mul3A_1 = arith.constant 16 : i32
    %mul3A_2 = arith.muli %add3A, %mul3A_1 : i32
    %add3A_3 = arith.constant 0 : i32
    %add3A_4 = arith.addi %mul3A_2, %add3A_3 : i32
    %mul3A_5 = arith.constant 16 : i32
    %mul3A_6 = arith.muli %add3A_4, %mul3A_5 : i32
    "tpu.region"() ({
      %run_scoped3A = tpu.sem_alloc : memref<!tpu.dma_semaphore, #tpu.memory_space<semaphore_mem>>
      %dma_start3A_171 = arith.constant 0 : i32
      %dma_start3A_172 = tpu.memref_slice %arg2[%mul3A_6, %dma_start3A_171] : memref<8192x100xi32, #tpu.memory_space<hbm>> -> memref<16x100xi32, #tpu.memory_space<hbm>>
      %dma_start3A_173 = arith.constant 0 : i32
      %dma_start3A_174 = tpu.memref_slice %arg2[%mul3A_6, %dma_start3A_173] : memref<8192x100xi32, #tpu.memory_space<hbm>> -> memref<16x100xi32, #tpu.memory_space<hbm>>
      tpu.enqueue_dma source(%dma_start3A_174 : memref<16x100xi32, #tpu.memory_space<hbm>>) target(%arg6 : memref<16x100xi32, #tpu.memory_space<vmem>>) target_semaphore(%run_scoped3A : memref<!tpu.dma_semaphore, #tpu.memory_space<semaphore_mem>>)
      %dma_wait3A = arith.constant 0 : i32
      %dma_wait3A_175 = tpu.memref_slice %arg2[%mul3A_6, %dma_wait3A] : memref<8192x100xi32, #tpu.memory_space<hbm>> -> memref<16x100xi32, #tpu.memory_space<hbm>>
      %dma_wait3A_176 = arith.constant 0 : i32
      %dma_wait3A_177 = tpu.memref_slice %arg2[%mul3A_6, %dma_wait3A_176] : memref<8192x100xi32, #tpu.memory_space<hbm>> -> memref<16x100xi32, #tpu.memory_space<hbm>>
      tpu.wait_dma2 semaphore(%run_scoped3A : memref<!tpu.dma_semaphore, #tpu.memory_space<semaphore_mem>>) src(%dma_wait3A_177 : memref<16x100xi32, #tpu.memory_space<hbm>>) dst(%arg6 : memref<16x100xi32, #tpu.memory_space<vmem>>)
      tpu.yield
    }) : () -> ()
    %dma_start3A = arith.constant 0 : i32
    %dma_start3A_7 = arith.constant 0 : i32
    %dma_start3A_8 = arith.constant 0 : i32
    %dma_start3A_9 = tpu.memref_slice %arg8[%dma_start3A_7, %dma_start3A_8] : memref<1600x32xf32, #tpu.memory_space<vmem>> -> memref<100x32xf32, #tpu.memory_space<vmem>>
    %dma_start3A_10 = arith.constant 0 : i32
    %dma_start3A_11 = tpu.memref_slice %arg6[%dma_start3A, %dma_start3A_10] : memref<16x100xi32, #tpu.memory_space<vmem>> -> memref<1x100xi32, #tpu.memory_space<vmem>>
    %dma_start3A_12 = tpu.memref_squeeze %dma_start3A_11 : memref<1x100xi32, #tpu.memory_space<vmem>> -> memref<100xi32, #tpu.memory_space<vmem>>
    %dma_start3A_13 = arith.constant 0 : i32
    %dma_start3A_14 = arith.constant 0 : i32
    %dma_start3A_15 = tpu.memref_slice %arg3[%dma_start3A_13, %dma_start3A_14] : memref<1000000x32xf32, #tpu.memory_space<hbm>> -> memref<1000000x32xf32, #tpu.memory_space<hbm>>
    tpu.enqueue_indirect_dma source(%dma_start3A_15 : memref<1000000x32xf32, #tpu.memory_space<hbm>>) target(%dma_start3A_9 : memref<100x32xf32, #tpu.memory_space<vmem>>) offsets(%dma_start3A_12 : memref<100xi32, #tpu.memory_space<vmem>>) semaphore(%arg11 : memref<!tpu.dma_semaphore, #tpu.memory_space<semaphore_mem>>)
    %dma_start3A_16 = arith.constant 1 : i32
    %dma_start3A_17 = arith.constant 100 : i32
    %dma_start3A_18 = arith.constant 0 : i32
    %dma_start3A_19 = tpu.memref_slice %arg8[%dma_start3A_17, %dma_start3A_18] : memref<1600x32xf32, #tpu.memory_space<vmem>> -> memref<100x32xf32, #tpu.memory_space<vmem>>
    %dma_start3A_20 = arith.constant 0 : i32
    %dma_start3A_21 = tpu.memref_slice %arg6[%dma_start3A_16, %dma_start3A_20] : memref<16x100xi32, #tpu.memory_space<vmem>> -> memref<1x100xi32, #tpu.memory_space<vmem>>
    %dma_start3A_22 = tpu.memref_squeeze %dma_start3A_21 : memref<1x100xi32, #tpu.memory_space<vmem>> -> memref<100xi32, #tpu.memory_space<vmem>>
    %dma_start3A_23 = arith.constant 0 : i32
    %dma_start3A_24 = arith.constant 0 : i32
    %dma_start3A_25 = tpu.memref_slice %arg3[%dma_start3A_23, %dma_start3A_24] : memref<1000000x32xf32, #tpu.memory_space<hbm>> -> memref<1000000x32xf32, #tpu.memory_space<hbm>>
    tpu.enqueue_indirect_dma source(%dma_start3A_25 : memref<1000000x32xf32, #tpu.memory_space<hbm>>) target(%dma_start3A_19 : memref<100x32xf32, #tpu.memory_space<vmem>>) offsets(%dma_start3A_22 : memref<100xi32, #tpu.memory_space<vmem>>) semaphore(%arg11 : memref<!tpu.dma_semaphore, #tpu.memory_space<semaphore_mem>>)
    %dma_start3A_26 = arith.constant 2 : i32
    %dma_start3A_27 = arith.constant 200 : i32
    %dma_start3A_28 = arith.constant 0 : i32
    %dma_start3A_29 = tpu.memref_slice %arg8[%dma_start3A_27, %dma_start3A_28] : memref<1600x32xf32, #tpu.memory_space<vmem>> -> memref<100x32xf32, #tpu.memory_space<vmem>>
    %dma_start3A_30 = arith.constant 0 : i32
    %dma_start3A_31 = tpu.memref_slice %arg6[%dma_start3A_26, %dma_start3A_30] : memref<16x100xi32, #tpu.memory_space<vmem>> -> memref<1x100xi32, #tpu.memory_space<vmem>>
    %dma_start3A_32 = tpu.memref_squeeze %dma_start3A_31 : memref<1x100xi32, #tpu.memory_space<vmem>> -> memref<100xi32, #tpu.memory_space<vmem>>
    %dma_start3A_33 = arith.constant 0 : i32
    %dma_start3A_34 = arith.constant 0 : i32
    %dma_start3A_35 = tpu.memref_slice %arg3[%dma_start3A_33, %dma_start3A_34] : memref<1000000x32xf32, #tpu.memory_space<hbm>> -> memref<1000000x32xf32, #tpu.memory_space<hbm>>
    tpu.enqueue_indirect_dma source(%dma_start3A_35 : memref<1000000x32xf32, #tpu.memory_space<hbm>>) target(%dma_start3A_29 : memref<100x32xf32, #tpu.memory_space<vmem>>) offsets(%dma_start3A_32 : memref<100xi32, #tpu.memory_space<vmem>>) semaphore(%arg11 : memref<!tpu.dma_semaphore, #tpu.memory_space<semaphore_mem>>)
    %dma_start3A_36 = arith.constant 3 : i32
    %dma_start3A_37 = arith.constant 300 : i32
    %dma_start3A_38 = arith.constant 0 : i32
    %dma_start3A_39 = tpu.memref_slice %arg8[%dma_start3A_37, %dma_start3A_38] : memref<1600x32xf32, #tpu.memory_space<vmem>> -> memref<100x32xf32, #tpu.memory_space<vmem>>
    %dma_start3A_40 = arith.constant 0 : i32
    %dma_start3A_41 = tpu.memref_slice %arg6[%dma_start3A_36, %dma_start3A_40] : memref<16x100xi32, #tpu.memory_space<vmem>> -> memref<1x100xi32, #tpu.memory_space<vmem>>
    %dma_start3A_42 = tpu.memref_squeeze %dma_start3A_41 : memref<1x100xi32, #tpu.memory_space<vmem>> -> memref<100xi32, #tpu.memory_space<vmem>>
    %dma_start3A_43 = arith.constant 0 : i32
    %dma_start3A_44 = arith.constant 0 : i32
    %dma_start3A_45 = tpu.memref_slice %arg3[%dma_start3A_43, %dma_start3A_44] : memref<1000000x32xf32, #tpu.memory_space<hbm>> -> memref<1000000x32xf32, #tpu.memory_space<hbm>>
    tpu.enqueue_indirect_dma source(%dma_start3A_45 : memref<1000000x32xf32, #tpu.memory_space<hbm>>) target(%dma_start3A_39 : memref<100x32xf32, #tpu.memory_space<vmem>>) offsets(%dma_start3A_42 : memref<100xi32, #tpu.memory_space<vmem>>) semaphore(%arg11 : memref<!tpu.dma_semaphore, #tpu.memory_space<semaphore_mem>>)
    %dma_start3A_46 = arith.constant 4 : i32
    %dma_start3A_47 = arith.constant 400 : i32
    %dma_start3A_48 = arith.constant 0 : i32
    %dma_start3A_49 = tpu.memref_slice %arg8[%dma_start3A_47, %dma_start3A_48] : memref<1600x32xf32, #tpu.memory_space<vmem>> -> memref<100x32xf32, #tpu.memory_space<vmem>>
    %dma_start3A_50 = arith.constant 0 : i32
    %dma_start3A_51 = tpu.memref_slice %arg6[%dma_start3A_46, %dma_start3A_50] : memref<16x100xi32, #tpu.memory_space<vmem>> -> memref<1x100xi32, #tpu.memory_space<vmem>>
    %dma_start3A_52 = tpu.memref_squeeze %dma_start3A_51 : memref<1x100xi32, #tpu.memory_space<vmem>> -> memref<100xi32, #tpu.memory_space<vmem>>
    %dma_start3A_53 = arith.constant 0 : i32
    %dma_start3A_54 = arith.constant 0 : i32
    %dma_start3A_55 = tpu.memref_slice %arg3[%dma_start3A_53, %dma_start3A_54] : memref<1000000x32xf32, #tpu.memory_space<hbm>> -> memref<1000000x32xf32, #tpu.memory_space<hbm>>
    tpu.enqueue_indirect_dma source(%dma_start3A_55 : memref<1000000x32xf32, #tpu.memory_space<hbm>>) target(%dma_start3A_49 : memref<100x32xf32, #tpu.memory_space<vmem>>) offsets(%dma_start3A_52 : memref<100xi32, #tpu.memory_space<vmem>>) semaphore(%arg11 : memref<!tpu.dma_semaphore, #tpu.memory_space<semaphore_mem>>)
    %dma_start3A_56 = arith.constant 5 : i32
    %dma_start3A_57 = arith.constant 500 : i32
    %dma_start3A_58 = arith.constant 0 : i32
    %dma_start3A_59 = tpu.memref_slice %arg8[%dma_start3A_57, %dma_start3A_58] : memref<1600x32xf32, #tpu.memory_space<vmem>> -> memref<100x32xf32, #tpu.memory_space<vmem>>
    %dma_start3A_60 = arith.constant 0 : i32
    %dma_start3A_61 = tpu.memref_slice %arg6[%dma_start3A_56, %dma_start3A_60] : memref<16x100xi32, #tpu.memory_space<vmem>> -> memref<1x100xi32, #tpu.memory_space<vmem>>
    %dma_start3A_62 = tpu.memref_squeeze %dma_start3A_61 : memref<1x100xi32, #tpu.memory_space<vmem>> -> memref<100xi32, #tpu.memory_space<vmem>>
    %dma_start3A_63 = arith.constant 0 : i32
    %dma_start3A_64 = arith.constant 0 : i32
    %dma_start3A_65 = tpu.memref_slice %arg3[%dma_start3A_63, %dma_start3A_64] : memref<1000000x32xf32, #tpu.memory_space<hbm>> -> memref<1000000x32xf32, #tpu.memory_space<hbm>>
    tpu.enqueue_indirect_dma source(%dma_start3A_65 : memref<1000000x32xf32, #tpu.memory_space<hbm>>) target(%dma_start3A_59 : memref<100x32xf32, #tpu.memory_space<vmem>>) offsets(%dma_start3A_62 : memref<100xi32, #tpu.memory_space<vmem>>) semaphore(%arg11 : memref<!tpu.dma_semaphore, #tpu.memory_space<semaphore_mem>>)
    %dma_start3A_66 = arith.constant 6 : i32
    %dma_start3A_67 = arith.constant 600 : i32
    %dma_start3A_68 = arith.constant 0 : i32
    %dma_start3A_69 = tpu.memref_slice %arg8[%dma_start3A_67, %dma_start3A_68] : memref<1600x32xf32, #tpu.memory_space<vmem>> -> memref<100x32xf32, #tpu.memory_space<vmem>>
    %dma_start3A_70 = arith.constant 0 : i32
    %dma_start3A_71 = tpu.memref_slice %arg6[%dma_start3A_66, %dma_start3A_70] : memref<16x100xi32, #tpu.memory_space<vmem>> -> memref<1x100xi32, #tpu.memory_space<vmem>>
    %dma_start3A_72 = tpu.memref_squeeze %dma_start3A_71 : memref<1x100xi32, #tpu.memory_space<vmem>> -> memref<100xi32, #tpu.memory_space<vmem>>
    %dma_start3A_73 = arith.constant 0 : i32
    %dma_start3A_74 = arith.constant 0 : i32
    %dma_start3A_75 = tpu.memref_slice %arg3[%dma_start3A_73, %dma_start3A_74] : memref<1000000x32xf32, #tpu.memory_space<hbm>> -> memref<1000000x32xf32, #tpu.memory_space<hbm>>
    tpu.enqueue_indirect_dma source(%dma_start3A_75 : memref<1000000x32xf32, #tpu.memory_space<hbm>>) target(%dma_start3A_69 : memref<100x32xf32, #tpu.memory_space<vmem>>) offsets(%dma_start3A_72 : memref<100xi32, #tpu.memory_space<vmem>>) semaphore(%arg11 : memref<!tpu.dma_semaphore, #tpu.memory_space<semaphore_mem>>)
    %dma_start3A_76 = arith.constant 7 : i32
    %dma_start3A_77 = arith.constant 700 : i32
    %dma_start3A_78 = arith.constant 0 : i32
    %dma_start3A_79 = tpu.memref_slice %arg8[%dma_start3A_77, %dma_start3A_78] : memref<1600x32xf32, #tpu.memory_space<vmem>> -> memref<100x32xf32, #tpu.memory_space<vmem>>
    %dma_start3A_80 = arith.constant 0 : i32
    %dma_start3A_81 = tpu.memref_slice %arg6[%dma_start3A_76, %dma_start3A_80] : memref<16x100xi32, #tpu.memory_space<vmem>> -> memref<1x100xi32, #tpu.memory_space<vmem>>
    %dma_start3A_82 = tpu.memref_squeeze %dma_start3A_81 : memref<1x100xi32, #tpu.memory_space<vmem>> -> memref<100xi32, #tpu.memory_space<vmem>>
    %dma_start3A_83 = arith.constant 0 : i32
    %dma_start3A_84 = arith.constant 0 : i32
    %dma_start3A_85 = tpu.memref_slice %arg3[%dma_start3A_83, %dma_start3A_84] : memref<1000000x32xf32, #tpu.memory_space<hbm>> -> memref<1000000x32xf32, #tpu.memory_space<hbm>>
    tpu.enqueue_indirect_dma source(%dma_start3A_85 : memref<1000000x32xf32, #tpu.memory_space<hbm>>) target(%dma_start3A_79 : memref<100x32xf32, #tpu.memory_space<vmem>>) offsets(%dma_start3A_82 : memref<100xi32, #tpu.memory_space<vmem>>) semaphore(%arg11 : memref<!tpu.dma_semaphore, #tpu.memory_space<semaphore_mem>>)
    %dma_start3A_86 = arith.constant 8 : i32
    %dma_start3A_87 = arith.constant 800 : i32
    %dma_start3A_88 = arith.constant 0 : i32
    %dma_start3A_89 = tpu.memref_slice %arg8[%dma_start3A_87, %dma_start3A_88] : memref<1600x32xf32, #tpu.memory_space<vmem>> -> memref<100x32xf32, #tpu.memory_space<vmem>>
    %dma_start3A_90 = arith.constant 0 : i32
    %dma_start3A_91 = tpu.memref_slice %arg6[%dma_start3A_86, %dma_start3A_90] : memref<16x100xi32, #tpu.memory_space<vmem>> -> memref<1x100xi32, #tpu.memory_space<vmem>>
    %dma_start3A_92 = tpu.memref_squeeze %dma_start3A_91 : memref<1x100xi32, #tpu.memory_space<vmem>> -> memref<100xi32, #tpu.memory_space<vmem>>
    %dma_start3A_93 = arith.constant 0 : i32
    %dma_start3A_94 = arith.constant 0 : i32
    %dma_start3A_95 = tpu.memref_slice %arg3[%dma_start3A_93, %dma_start3A_94] : memref<1000000x32xf32, #tpu.memory_space<hbm>> -> memref<1000000x32xf32, #tpu.memory_space<hbm>>
    tpu.enqueue_indirect_dma source(%dma_start3A_95 : memref<1000000x32xf32, #tpu.memory_space<hbm>>) target(%dma_start3A_89 : memref<100x32xf32, #tpu.memory_space<vmem>>) offsets(%dma_start3A_92 : memref<100xi32, #tpu.memory_space<vmem>>) semaphore(%arg11 : memref<!tpu.dma_semaphore, #tpu.memory_space<semaphore_mem>>)
    %dma_start3A_96 = arith.constant 9 : i32
    %dma_start3A_97 = arith.constant 900 : i32
    %dma_start3A_98 = arith.constant 0 : i32
    %dma_start3A_99 = tpu.memref_slice %arg8[%dma_start3A_97, %dma_start3A_98] : memref<1600x32xf32, #tpu.memory_space<vmem>> -> memref<100x32xf32, #tpu.memory_space<vmem>>
    %dma_start3A_100 = arith.constant 0 : i32
    %dma_start3A_101 = tpu.memref_slice %arg6[%dma_start3A_96, %dma_start3A_100] : memref<16x100xi32, #tpu.memory_space<vmem>> -> memref<1x100xi32, #tpu.memory_space<vmem>>
    %dma_start3A_102 = tpu.memref_squeeze %dma_start3A_101 : memref<1x100xi32, #tpu.memory_space<vmem>> -> memref<100xi32, #tpu.memory_space<vmem>>
    %dma_start3A_103 = arith.constant 0 : i32
    %dma_start3A_104 = arith.constant 0 : i32
    %dma_start3A_105 = tpu.memref_slice %arg3[%dma_start3A_103, %dma_start3A_104] : memref<1000000x32xf32, #tpu.memory_space<hbm>> -> memref<1000000x32xf32, #tpu.memory_space<hbm>>
    tpu.enqueue_indirect_dma source(%dma_start3A_105 : memref<1000000x32xf32, #tpu.memory_space<hbm>>) target(%dma_start3A_99 : memref<100x32xf32, #tpu.memory_space<vmem>>) offsets(%dma_start3A_102 : memref<100xi32, #tpu.memory_space<vmem>>) semaphore(%arg11 : memref<!tpu.dma_semaphore, #tpu.memory_space<semaphore_mem>>)
    %dma_start3A_106 = arith.constant 10 : i32
    %dma_start3A_107 = arith.constant 1000 : i32
    %dma_start3A_108 = arith.constant 0 : i32
    %dma_start3A_109 = tpu.memref_slice %arg8[%dma_start3A_107, %dma_start3A_108] : memref<1600x32xf32, #tpu.memory_space<vmem>> -> memref<100x32xf32, #tpu.memory_space<vmem>>
    %dma_start3A_110 = arith.constant 0 : i32
    %dma_start3A_111 = tpu.memref_slice %arg6[%dma_start3A_106, %dma_start3A_110] : memref<16x100xi32, #tpu.memory_space<vmem>> -> memref<1x100xi32, #tpu.memory_space<vmem>>
    %dma_start3A_112 = tpu.memref_squeeze %dma_start3A_111 : memref<1x100xi32, #tpu.memory_space<vmem>> -> memref<100xi32, #tpu.memory_space<vmem>>
    %dma_start3A_113 = arith.constant 0 : i32
    %dma_start3A_114 = arith.constant 0 : i32
    %dma_start3A_115 = tpu.memref_slice %arg3[%dma_start3A_113, %dma_start3A_114] : memref<1000000x32xf32, #tpu.memory_space<hbm>> -> memref<1000000x32xf32, #tpu.memory_space<hbm>>
    tpu.enqueue_indirect_dma source(%dma_start3A_115 : memref<1000000x32xf32, #tpu.memory_space<hbm>>) target(%dma_start3A_109 : memref<100x32xf32, #tpu.memory_space<vmem>>) offsets(%dma_start3A_112 : memref<100xi32, #tpu.memory_space<vmem>>) semaphore(%arg11 : memref<!tpu.dma_semaphore, #tpu.memory_space<semaphore_mem>>)
    %dma_start3A_116 = arith.constant 11 : i32
    %dma_start3A_117 = arith.constant 1100 : i32
    %dma_start3A_118 = arith.constant 0 : i32
    %dma_start3A_119 = tpu.memref_slice %arg8[%dma_start3A_117, %dma_start3A_118] : memref<1600x32xf32, #tpu.memory_space<vmem>> -> memref<100x32xf32, #tpu.memory_space<vmem>>
    %dma_start3A_120 = arith.constant 0 : i32
    %dma_start3A_121 = tpu.memref_slice %arg6[%dma_start3A_116, %dma_start3A_120] : memref<16x100xi32, #tpu.memory_space<vmem>> -> memref<1x100xi32, #tpu.memory_space<vmem>>
    %dma_start3A_122 = tpu.memref_squeeze %dma_start3A_121 : memref<1x100xi32, #tpu.memory_space<vmem>> -> memref<100xi32, #tpu.memory_space<vmem>>
    %dma_start3A_123 = arith.constant 0 : i32
    %dma_start3A_124 = arith.constant 0 : i32
    %dma_start3A_125 = tpu.memref_slice %arg3[%dma_start3A_123, %dma_start3A_124] : memref<1000000x32xf32, #tpu.memory_space<hbm>> -> memref<1000000x32xf32, #tpu.memory_space<hbm>>
    tpu.enqueue_indirect_dma source(%dma_start3A_125 : memref<1000000x32xf32, #tpu.memory_space<hbm>>) target(%dma_start3A_119 : memref<100x32xf32, #tpu.memory_space<vmem>>) offsets(%dma_start3A_122 : memref<100xi32, #tpu.memory_space<vmem>>) semaphore(%arg11 : memref<!tpu.dma_semaphore, #tpu.memory_space<semaphore_mem>>)
    %dma_start3A_126 = arith.constant 12 : i32
    %dma_start3A_127 = arith.constant 1200 : i32
    %dma_start3A_128 = arith.constant 0 : i32
    %dma_start3A_129 = tpu.memref_slice %arg8[%dma_start3A_127, %dma_start3A_128] : memref<1600x32xf32, #tpu.memory_space<vmem>> -> memref<100x32xf32, #tpu.memory_space<vmem>>
    %dma_start3A_130 = arith.constant 0 : i32
    %dma_start3A_131 = tpu.memref_slice %arg6[%dma_start3A_126, %dma_start3A_130] : memref<16x100xi32, #tpu.memory_space<vmem>> -> memref<1x100xi32, #tpu.memory_space<vmem>>
    %dma_start3A_132 = tpu.memref_squeeze %dma_start3A_131 : memref<1x100xi32, #tpu.memory_space<vmem>> -> memref<100xi32, #tpu.memory_space<vmem>>
    %dma_start3A_133 = arith.constant 0 : i32
    %dma_start3A_134 = arith.constant 0 : i32
    %dma_start3A_135 = tpu.memref_slice %arg3[%dma_start3A_133, %dma_start3A_134] : memref<1000000x32xf32, #tpu.memory_space<hbm>> -> memref<1000000x32xf32, #tpu.memory_space<hbm>>
    tpu.enqueue_indirect_dma source(%dma_start3A_135 : memref<1000000x32xf32, #tpu.memory_space<hbm>>) target(%dma_start3A_129 : memref<100x32xf32, #tpu.memory_space<vmem>>) offsets(%dma_start3A_132 : memref<100xi32, #tpu.memory_space<vmem>>) semaphore(%arg11 : memref<!tpu.dma_semaphore, #tpu.memory_space<semaphore_mem>>)
    %dma_start3A_136 = arith.constant 13 : i32
    %dma_start3A_137 = arith.constant 1300 : i32
    %dma_start3A_138 = arith.constant 0 : i32
    %dma_start3A_139 = tpu.memref_slice %arg8[%dma_start3A_137, %dma_start3A_138] : memref<1600x32xf32, #tpu.memory_space<vmem>> -> memref<100x32xf32, #tpu.memory_space<vmem>>
    %dma_start3A_140 = arith.constant 0 : i32
    %dma_start3A_141 = tpu.memref_slice %arg6[%dma_start3A_136, %dma_start3A_140] : memref<16x100xi32, #tpu.memory_space<vmem>> -> memref<1x100xi32, #tpu.memory_space<vmem>>
    %dma_start3A_142 = tpu.memref_squeeze %dma_start3A_141 : memref<1x100xi32, #tpu.memory_space<vmem>> -> memref<100xi32, #tpu.memory_space<vmem>>
    %dma_start3A_143 = arith.constant 0 : i32
    %dma_start3A_144 = arith.constant 0 : i32
    %dma_start3A_145 = tpu.memref_slice %arg3[%dma_start3A_143, %dma_start3A_144] : memref<1000000x32xf32, #tpu.memory_space<hbm>> -> memref<1000000x32xf32, #tpu.memory_space<hbm>>
    tpu.enqueue_indirect_dma source(%dma_start3A_145 : memref<1000000x32xf32, #tpu.memory_space<hbm>>) target(%dma_start3A_139 : memref<100x32xf32, #tpu.memory_space<vmem>>) offsets(%dma_start3A_142 : memref<100xi32, #tpu.memory_space<vmem>>) semaphore(%arg11 : memref<!tpu.dma_semaphore, #tpu.memory_space<semaphore_mem>>)
    %dma_start3A_146 = arith.constant 14 : i32
    %dma_start3A_147 = arith.constant 1400 : i32
    %dma_start3A_148 = arith.constant 0 : i32
    %dma_start3A_149 = tpu.memref_slice %arg8[%dma_start3A_147, %dma_start3A_148] : memref<1600x32xf32, #tpu.memory_space<vmem>> -> memref<100x32xf32, #tpu.memory_space<vmem>>
    %dma_start3A_150 = arith.constant 0 : i32
    %dma_start3A_151 = tpu.memref_slice %arg6[%dma_start3A_146, %dma_start3A_150] : memref<16x100xi32, #tpu.memory_space<vmem>> -> memref<1x100xi32, #tpu.memory_space<vmem>>
    %dma_start3A_152 = tpu.memref_squeeze %dma_start3A_151 : memref<1x100xi32, #tpu.memory_space<vmem>> -> memref<100xi32, #tpu.memory_space<vmem>>
    %dma_start3A_153 = arith.constant 0 : i32
    %dma_start3A_154 = arith.constant 0 : i32
    %dma_start3A_155 = tpu.memref_slice %arg3[%dma_start3A_153, %dma_start3A_154] : memref<1000000x32xf32, #tpu.memory_space<hbm>> -> memref<1000000x32xf32, #tpu.memory_space<hbm>>
    tpu.enqueue_indirect_dma source(%dma_start3A_155 : memref<1000000x32xf32, #tpu.memory_space<hbm>>) target(%dma_start3A_149 : memref<100x32xf32, #tpu.memory_space<vmem>>) offsets(%dma_start3A_152 : memref<100xi32, #tpu.memory_space<vmem>>) semaphore(%arg11 : memref<!tpu.dma_semaphore, #tpu.memory_space<semaphore_mem>>)
    %dma_start3A_156 = arith.constant 15 : i32
    %dma_start3A_157 = arith.constant 1500 : i32
    %dma_start3A_158 = arith.constant 0 : i32
    %dma_start3A_159 = tpu.memref_slice %arg8[%dma_start3A_157, %dma_start3A_158] : memref<1600x32xf32, #tpu.memory_space<vmem>> -> memref<100x32xf32, #tpu.memory_space<vmem>>
    %dma_start3A_160 = arith.constant 0 : i32
    %dma_start3A_161 = tpu.memref_slice %arg6[%dma_start3A_156, %dma_start3A_160] : memref<16x100xi32, #tpu.memory_space<vmem>> -> memref<1x100xi32, #tpu.memory_space<vmem>>
    %dma_start3A_162 = tpu.memref_squeeze %dma_start3A_161 : memref<1x100xi32, #tpu.memory_space<vmem>> -> memref<100xi32, #tpu.memory_space<vmem>>
    %dma_start3A_163 = arith.constant 0 : i32
    %dma_start3A_164 = arith.constant 0 : i32
    %dma_start3A_165 = tpu.memref_slice %arg3[%dma_start3A_163, %dma_start3A_164] : memref<1000000x32xf32, #tpu.memory_space<hbm>> -> memref<1000000x32xf32, #tpu.memory_space<hbm>>
    tpu.enqueue_indirect_dma source(%dma_start3A_165 : memref<1000000x32xf32, #tpu.memory_space<hbm>>) target(%dma_start3A_159 : memref<100x32xf32, #tpu.memory_space<vmem>>) offsets(%dma_start3A_162 : memref<100xi32, #tpu.memory_space<vmem>>) semaphore(%arg11 : memref<!tpu.dma_semaphore, #tpu.memory_space<semaphore_mem>>)
    %scan3A = arith.constant 0 : i32
    %scan3A_166 = arith.constant 0 : i32
    %scan3A_167 = arith.constant 8 : i32
    %scan3A_168 = arith.addi %scan3A_166, %scan3A_167 : i32
    %scan3A_169 = arith.constant 1 : i32
    scf.for %scan3A_171 = %scan3A_166 to %scan3A_168 step %scan3A_169  : i32 {
      %mul3A_172 = arith.constant 2 : i32
      %mul3A_173 = arith.muli %scan3A_171, %mul3A_172 : i32
      %add3A_174 = arith.constant 1 : i32
      %add3A_175 = arith.addi %mul3A_173, %add3A_174 : i32
      %mul3A_176 = arith.constant 16 : i32
      %mul3A_177 = arith.muli %add3A, %mul3A_176 : i32
      %add3A_178 = arith.addi %mul3A_177, %add3A_175 : i32
      %mul3A_179 = arith.constant 16 : i32
      %mul3A_180 = arith.muli %add3A_178, %mul3A_179 : i32
      "tpu.region"() ({
        %run_scoped3A = tpu.sem_alloc : memref<!tpu.dma_semaphore, #tpu.memory_space<semaphore_mem>>
        %dma_start3A_380 = arith.constant 0 : i32
        %dma_start3A_381 = tpu.memref_slice %arg2[%mul3A_180, %dma_start3A_380] : memref<8192x100xi32, #tpu.memory_space<hbm>> -> memref<16x100xi32, #tpu.memory_space<hbm>>
        %dma_start3A_382 = arith.constant 0 : i32
        %dma_start3A_383 = tpu.memref_slice %arg2[%mul3A_180, %dma_start3A_382] : memref<8192x100xi32, #tpu.memory_space<hbm>> -> memref<16x100xi32, #tpu.memory_space<hbm>>
        tpu.enqueue_dma source(%dma_start3A_383 : memref<16x100xi32, #tpu.memory_space<hbm>>) target(%arg7 : memref<16x100xi32, #tpu.memory_space<vmem>>) target_semaphore(%run_scoped3A : memref<!tpu.dma_semaphore, #tpu.memory_space<semaphore_mem>>)
        %dma_wait3A_384 = arith.constant 0 : i32
        %dma_wait3A_385 = tpu.memref_slice %arg2[%mul3A_180, %dma_wait3A_384] : memref<8192x100xi32, #tpu.memory_space<hbm>> -> memref<16x100xi32, #tpu.memory_space<hbm>>
        %dma_wait3A_386 = arith.constant 0 : i32
        %dma_wait3A_387 = tpu.memref_slice %arg2[%mul3A_180, %dma_wait3A_386] : memref<8192x100xi32, #tpu.memory_space<hbm>> -> memref<16x100xi32, #tpu.memory_space<hbm>>
        tpu.wait_dma2 semaphore(%run_scoped3A : memref<!tpu.dma_semaphore, #tpu.memory_space<semaphore_mem>>) src(%dma_wait3A_387 : memref<16x100xi32, #tpu.memory_space<hbm>>) dst(%arg7 : memref<16x100xi32, #tpu.memory_space<vmem>>)
        tpu.yield
      }) : () -> ()
      %dma_start3A_181 = arith.constant 0 : i32
      %dma_start3A_182 = arith.constant 0 : i32
      %dma_start3A_183 = arith.constant 0 : i32
      %dma_start3A_184 = tpu.memref_slice %arg9[%dma_start3A_182, %dma_start3A_183] : memref<1600x32xf32, #tpu.memory_space<vmem>> -> memref<100x32xf32, #tpu.memory_space<vmem>>
      %dma_start3A_185 = arith.constant 0 : i32
      %dma_start3A_186 = tpu.memref_slice %arg7[%dma_start3A_181, %dma_start3A_185] : memref<16x100xi32, #tpu.memory_space<vmem>> -> memref<1x100xi32, #tpu.memory_space<vmem>>
      %dma_start3A_187 = tpu.memref_squeeze %dma_start3A_186 : memref<1x100xi32, #tpu.memory_space<vmem>> -> memref<100xi32, #tpu.memory_space<vmem>>
      %dma_start3A_188 = arith.constant 0 : i32
      %dma_start3A_189 = arith.constant 0 : i32
      %dma_start3A_190 = tpu.memref_slice %arg3[%dma_start3A_188, %dma_start3A_189] : memref<1000000x32xf32, #tpu.memory_space<hbm>> -> memref<1000000x32xf32, #tpu.memory_space<hbm>>
      tpu.enqueue_indirect_dma source(%dma_start3A_190 : memref<1000000x32xf32, #tpu.memory_space<hbm>>) target(%dma_start3A_184 : memref<100x32xf32, #tpu.memory_space<vmem>>) offsets(%dma_start3A_187 : memref<100xi32, #tpu.memory_space<vmem>>) semaphore(%arg12 : memref<!tpu.dma_semaphore, #tpu.memory_space<semaphore_mem>>)
      %dma_start3A_191 = arith.constant 1 : i32
      %dma_start3A_192 = arith.constant 100 : i32
      %dma_start3A_193 = arith.constant 0 : i32
      %dma_start3A_194 = tpu.memref_slice %arg9[%dma_start3A_192, %dma_start3A_193] : memref<1600x32xf32, #tpu.memory_space<vmem>> -> memref<100x32xf32, #tpu.memory_space<vmem>>
      %dma_start3A_195 = arith.constant 0 : i32
      %dma_start3A_196 = tpu.memref_slice %arg7[%dma_start3A_191, %dma_start3A_195] : memref<16x100xi32, #tpu.memory_space<vmem>> -> memref<1x100xi32, #tpu.memory_space<vmem>>
      %dma_start3A_197 = tpu.memref_squeeze %dma_start3A_196 : memref<1x100xi32, #tpu.memory_space<vmem>> -> memref<100xi32, #tpu.memory_space<vmem>>
      %dma_start3A_198 = arith.constant 0 : i32
      %dma_start3A_199 = arith.constant 0 : i32
      %dma_start3A_200 = tpu.memref_slice %arg3[%dma_start3A_198, %dma_start3A_199] : memref<1000000x32xf32, #tpu.memory_space<hbm>> -> memref<1000000x32xf32, #tpu.memory_space<hbm>>
      tpu.enqueue_indirect_dma source(%dma_start3A_200 : memref<1000000x32xf32, #tpu.memory_space<hbm>>) target(%dma_start3A_194 : memref<100x32xf32, #tpu.memory_space<vmem>>) offsets(%dma_start3A_197 : memref<100xi32, #tpu.memory_space<vmem>>) semaphore(%arg12 : memref<!tpu.dma_semaphore, #tpu.memory_space<semaphore_mem>>)
      %dma_start3A_201 = arith.constant 2 : i32
      %dma_start3A_202 = arith.constant 200 : i32
      %dma_start3A_203 = arith.constant 0 : i32
      %dma_start3A_204 = tpu.memref_slice %arg9[%dma_start3A_202, %dma_start3A_203] : memref<1600x32xf32, #tpu.memory_space<vmem>> -> memref<100x32xf32, #tpu.memory_space<vmem>>
      %dma_start3A_205 = arith.constant 0 : i32
      %dma_start3A_206 = tpu.memref_slice %arg7[%dma_start3A_201, %dma_start3A_205] : memref<16x100xi32, #tpu.memory_space<vmem>> -> memref<1x100xi32, #tpu.memory_space<vmem>>
      %dma_start3A_207 = tpu.memref_squeeze %dma_start3A_206 : memref<1x100xi32, #tpu.memory_space<vmem>> -> memref<100xi32, #tpu.memory_space<vmem>>
      %dma_start3A_208 = arith.constant 0 : i32
      %dma_start3A_209 = arith.constant 0 : i32
      %dma_start3A_210 = tpu.memref_slice %arg3[%dma_start3A_208, %dma_start3A_209] : memref<1000000x32xf32, #tpu.memory_space<hbm>> -> memref<1000000x32xf32, #tpu.memory_space<hbm>>
      tpu.enqueue_indirect_dma source(%dma_start3A_210 : memref<1000000x32xf32, #tpu.memory_space<hbm>>) target(%dma_start3A_204 : memref<100x32xf32, #tpu.memory_space<vmem>>) offsets(%dma_start3A_207 : memref<100xi32, #tpu.memory_space<vmem>>) semaphore(%arg12 : memref<!tpu.dma_semaphore, #tpu.memory_space<semaphore_mem>>)
      %dma_start3A_211 = arith.constant 3 : i32
      %dma_start3A_212 = arith.constant 300 : i32
      %dma_start3A_213 = arith.constant 0 : i32
      %dma_start3A_214 = tpu.memref_slice %arg9[%dma_start3A_212, %dma_start3A_213] : memref<1600x32xf32, #tpu.memory_space<vmem>> -> memref<100x32xf32, #tpu.memory_space<vmem>>
      %dma_start3A_215 = arith.constant 0 : i32
      %dma_start3A_216 = tpu.memref_slice %arg7[%dma_start3A_211, %dma_start3A_215] : memref<16x100xi32, #tpu.memory_space<vmem>> -> memref<1x100xi32, #tpu.memory_space<vmem>>
      %dma_start3A_217 = tpu.memref_squeeze %dma_start3A_216 : memref<1x100xi32, #tpu.memory_space<vmem>> -> memref<100xi32, #tpu.memory_space<vmem>>
      %dma_start3A_218 = arith.constant 0 : i32
      %dma_start3A_219 = arith.constant 0 : i32
      %dma_start3A_220 = tpu.memref_slice %arg3[%dma_start3A_218, %dma_start3A_219] : memref<1000000x32xf32, #tpu.memory_space<hbm>> -> memref<1000000x32xf32, #tpu.memory_space<hbm>>
      tpu.enqueue_indirect_dma source(%dma_start3A_220 : memref<1000000x32xf32, #tpu.memory_space<hbm>>) target(%dma_start3A_214 : memref<100x32xf32, #tpu.memory_space<vmem>>) offsets(%dma_start3A_217 : memref<100xi32, #tpu.memory_space<vmem>>) semaphore(%arg12 : memref<!tpu.dma_semaphore, #tpu.memory_space<semaphore_mem>>)
      %dma_start3A_221 = arith.constant 4 : i32
      %dma_start3A_222 = arith.constant 400 : i32
      %dma_start3A_223 = arith.constant 0 : i32
      %dma_start3A_224 = tpu.memref_slice %arg9[%dma_start3A_222, %dma_start3A_223] : memref<1600x32xf32, #tpu.memory_space<vmem>> -> memref<100x32xf32, #tpu.memory_space<vmem>>
      %dma_start3A_225 = arith.constant 0 : i32
      %dma_start3A_226 = tpu.memref_slice %arg7[%dma_start3A_221, %dma_start3A_225] : memref<16x100xi32, #tpu.memory_space<vmem>> -> memref<1x100xi32, #tpu.memory_space<vmem>>
      %dma_start3A_227 = tpu.memref_squeeze %dma_start3A_226 : memref<1x100xi32, #tpu.memory_space<vmem>> -> memref<100xi32, #tpu.memory_space<vmem>>
      %dma_start3A_228 = arith.constant 0 : i32
      %dma_start3A_229 = arith.constant 0 : i32
      %dma_start3A_230 = tpu.memref_slice %arg3[%dma_start3A_228, %dma_start3A_229] : memref<1000000x32xf32, #tpu.memory_space<hbm>> -> memref<1000000x32xf32, #tpu.memory_space<hbm>>
      tpu.enqueue_indirect_dma source(%dma_start3A_230 : memref<1000000x32xf32, #tpu.memory_space<hbm>>) target(%dma_start3A_224 : memref<100x32xf32, #tpu.memory_space<vmem>>) offsets(%dma_start3A_227 : memref<100xi32, #tpu.memory_space<vmem>>) semaphore(%arg12 : memref<!tpu.dma_semaphore, #tpu.memory_space<semaphore_mem>>)
      %dma_start3A_231 = arith.constant 5 : i32
      %dma_start3A_232 = arith.constant 500 : i32
      %dma_start3A_233 = arith.constant 0 : i32
      %dma_start3A_234 = tpu.memref_slice %arg9[%dma_start3A_232, %dma_start3A_233] : memref<1600x32xf32, #tpu.memory_space<vmem>> -> memref<100x32xf32, #tpu.memory_space<vmem>>
      %dma_start3A_235 = arith.constant 0 : i32
      %dma_start3A_236 = tpu.memref_slice %arg7[%dma_start3A_231, %dma_start3A_235] : memref<16x100xi32, #tpu.memory_space<vmem>> -> memref<1x100xi32, #tpu.memory_space<vmem>>
      %dma_start3A_237 = tpu.memref_squeeze %dma_start3A_236 : memref<1x100xi32, #tpu.memory_space<vmem>> -> memref<100xi32, #tpu.memory_space<vmem>>
      %dma_start3A_238 = arith.constant 0 : i32
      %dma_start3A_239 = arith.constant 0 : i32
      %dma_start3A_240 = tpu.memref_slice %arg3[%dma_start3A_238, %dma_start3A_239] : memref<1000000x32xf32, #tpu.memory_space<hbm>> -> memref<1000000x32xf32, #tpu.memory_space<hbm>>
      tpu.enqueue_indirect_dma source(%dma_start3A_240 : memref<1000000x32xf32, #tpu.memory_space<hbm>>) target(%dma_start3A_234 : memref<100x32xf32, #tpu.memory_space<vmem>>) offsets(%dma_start3A_237 : memref<100xi32, #tpu.memory_space<vmem>>) semaphore(%arg12 : memref<!tpu.dma_semaphore, #tpu.memory_space<semaphore_mem>>)
      %dma_start3A_241 = arith.constant 6 : i32
      %dma_start3A_242 = arith.constant 600 : i32
      %dma_start3A_243 = arith.constant 0 : i32
      %dma_start3A_244 = tpu.memref_slice %arg9[%dma_start3A_242, %dma_start3A_243] : memref<1600x32xf32, #tpu.memory_space<vmem>> -> memref<100x32xf32, #tpu.memory_space<vmem>>
      %dma_start3A_245 = arith.constant 0 : i32
      %dma_start3A_246 = tpu.memref_slice %arg7[%dma_start3A_241, %dma_start3A_245] : memref<16x100xi32, #tpu.memory_space<vmem>> -> memref<1x100xi32, #tpu.memory_space<vmem>>
      %dma_start3A_247 = tpu.memref_squeeze %dma_start3A_246 : memref<1x100xi32, #tpu.memory_space<vmem>> -> memref<100xi32, #tpu.memory_space<vmem>>
      %dma_start3A_248 = arith.constant 0 : i32
      %dma_start3A_249 = arith.constant 0 : i32
      %dma_start3A_250 = tpu.memref_slice %arg3[%dma_start3A_248, %dma_start3A_249] : memref<1000000x32xf32, #tpu.memory_space<hbm>> -> memref<1000000x32xf32, #tpu.memory_space<hbm>>
      tpu.enqueue_indirect_dma source(%dma_start3A_250 : memref<1000000x32xf32, #tpu.memory_space<hbm>>) target(%dma_start3A_244 : memref<100x32xf32, #tpu.memory_space<vmem>>) offsets(%dma_start3A_247 : memref<100xi32, #tpu.memory_space<vmem>>) semaphore(%arg12 : memref<!tpu.dma_semaphore, #tpu.memory_space<semaphore_mem>>)
      %dma_start3A_251 = arith.constant 7 : i32
      %dma_start3A_252 = arith.constant 700 : i32
      %dma_start3A_253 = arith.constant 0 : i32
      %dma_start3A_254 = tpu.memref_slice %arg9[%dma_start3A_252, %dma_start3A_253] : memref<1600x32xf32, #tpu.memory_space<vmem>> -> memref<100x32xf32, #tpu.memory_space<vmem>>
      %dma_start3A_255 = arith.constant 0 : i32
      %dma_start3A_256 = tpu.memref_slice %arg7[%dma_start3A_251, %dma_start3A_255] : memref<16x100xi32, #tpu.memory_space<vmem>> -> memref<1x100xi32, #tpu.memory_space<vmem>>
      %dma_start3A_257 = tpu.memref_squeeze %dma_start3A_256 : memref<1x100xi32, #tpu.memory_space<vmem>> -> memref<100xi32, #tpu.memory_space<vmem>>
      %dma_start3A_258 = arith.constant 0 : i32
      %dma_start3A_259 = arith.constant 0 : i32
      %dma_start3A_260 = tpu.memref_slice %arg3[%dma_start3A_258, %dma_start3A_259] : memref<1000000x32xf32, #tpu.memory_space<hbm>> -> memref<1000000x32xf32, #tpu.memory_space<hbm>>
      tpu.enqueue_indirect_dma source(%dma_start3A_260 : memref<1000000x32xf32, #tpu.memory_space<hbm>>) target(%dma_start3A_254 : memref<100x32xf32, #tpu.memory_space<vmem>>) offsets(%dma_start3A_257 : memref<100xi32, #tpu.memory_space<vmem>>) semaphore(%arg12 : memref<!tpu.dma_semaphore, #tpu.memory_space<semaphore_mem>>)
      %dma_start3A_261 = arith.constant 8 : i32
      %dma_start3A_262 = arith.constant 800 : i32
      %dma_start3A_263 = arith.constant 0 : i32
      %dma_start3A_264 = tpu.memref_slice %arg9[%dma_start3A_262, %dma_start3A_263] : memref<1600x32xf32, #tpu.memory_space<vmem>> -> memref<100x32xf32, #tpu.memory_space<vmem>>
      %dma_start3A_265 = arith.constant 0 : i32
      %dma_start3A_266 = tpu.memref_slice %arg7[%dma_start3A_261, %dma_start3A_265] : memref<16x100xi32, #tpu.memory_space<vmem>> -> memref<1x100xi32, #tpu.memory_space<vmem>>
      %dma_start3A_267 = tpu.memref_squeeze %dma_start3A_266 : memref<1x100xi32, #tpu.memory_space<vmem>> -> memref<100xi32, #tpu.memory_space<vmem>>
      %dma_start3A_268 = arith.constant 0 : i32
      %dma_start3A_269 = arith.constant 0 : i32
      %dma_start3A_270 = tpu.memref_slice %arg3[%dma_start3A_268, %dma_start3A_269] : memref<1000000x32xf32, #tpu.memory_space<hbm>> -> memref<1000000x32xf32, #tpu.memory_space<hbm>>
      tpu.enqueue_indirect_dma source(%dma_start3A_270 : memref<1000000x32xf32, #tpu.memory_space<hbm>>) target(%dma_start3A_264 : memref<100x32xf32, #tpu.memory_space<vmem>>) offsets(%dma_start3A_267 : memref<100xi32, #tpu.memory_space<vmem>>) semaphore(%arg12 : memref<!tpu.dma_semaphore, #tpu.memory_space<semaphore_mem>>)
      %dma_start3A_271 = arith.constant 9 : i32
      %dma_start3A_272 = arith.constant 900 : i32
      %dma_start3A_273 = arith.constant 0 : i32
      %dma_start3A_274 = tpu.memref_slice %arg9[%dma_start3A_272, %dma_start3A_273] : memref<1600x32xf32, #tpu.memory_space<vmem>> -> memref<100x32xf32, #tpu.memory_space<vmem>>
      %dma_start3A_275 = arith.constant 0 : i32
      %dma_start3A_276 = tpu.memref_slice %arg7[%dma_start3A_271, %dma_start3A_275] : memref<16x100xi32, #tpu.memory_space<vmem>> -> memref<1x100xi32, #tpu.memory_space<vmem>>
      %dma_start3A_277 = tpu.memref_squeeze %dma_start3A_276 : memref<1x100xi32, #tpu.memory_space<vmem>> -> memref<100xi32, #tpu.memory_space<vmem>>
      %dma_start3A_278 = arith.constant 0 : i32
      %dma_start3A_279 = arith.constant 0 : i32
      %dma_start3A_280 = tpu.memref_slice %arg3[%dma_start3A_278, %dma_start3A_279] : memref<1000000x32xf32, #tpu.memory_space<hbm>> -> memref<1000000x32xf32, #tpu.memory_space<hbm>>
      tpu.enqueue_indirect_dma source(%dma_start3A_280 : memref<1000000x32xf32, #tpu.memory_space<hbm>>) target(%dma_start3A_274 : memref<100x32xf32, #tpu.memory_space<vmem>>) offsets(%dma_start3A_277 : memref<100xi32, #tpu.memory_space<vmem>>) semaphore(%arg12 : memref<!tpu.dma_semaphore, #tpu.memory_space<semaphore_mem>>)
      %dma_start3A_281 = arith.constant 10 : i32
      %dma_start3A_282 = arith.constant 1000 : i32
      %dma_start3A_283 = arith.constant 0 : i32
      %dma_start3A_284 = tpu.memref_slice %arg9[%dma_start3A_282, %dma_start3A_283] : memref<1600x32xf32, #tpu.memory_space<vmem>> -> memref<100x32xf32, #tpu.memory_space<vmem>>
      %dma_start3A_285 = arith.constant 0 : i32
      %dma_start3A_286 = tpu.memref_slice %arg7[%dma_start3A_281, %dma_start3A_285] : memref<16x100xi32, #tpu.memory_space<vmem>> -> memref<1x100xi32, #tpu.memory_space<vmem>>
      %dma_start3A_287 = tpu.memref_squeeze %dma_start3A_286 : memref<1x100xi32, #tpu.memory_space<vmem>> -> memref<100xi32, #tpu.memory_space<vmem>>
      %dma_start3A_288 = arith.constant 0 : i32
      %dma_start3A_289 = arith.constant 0 : i32
      %dma_start3A_290 = tpu.memref_slice %arg3[%dma_start3A_288, %dma_start3A_289] : memref<1000000x32xf32, #tpu.memory_space<hbm>> -> memref<1000000x32xf32, #tpu.memory_space<hbm>>
      tpu.enqueue_indirect_dma source(%dma_start3A_290 : memref<1000000x32xf32, #tpu.memory_space<hbm>>) target(%dma_start3A_284 : memref<100x32xf32, #tpu.memory_space<vmem>>) offsets(%dma_start3A_287 : memref<100xi32, #tpu.memory_space<vmem>>) semaphore(%arg12 : memref<!tpu.dma_semaphore, #tpu.memory_space<semaphore_mem>>)
      %dma_start3A_291 = arith.constant 11 : i32
      %dma_start3A_292 = arith.constant 1100 : i32
      %dma_start3A_293 = arith.constant 0 : i32
      %dma_start3A_294 = tpu.memref_slice %arg9[%dma_start3A_292, %dma_start3A_293] : memref<1600x32xf32, #tpu.memory_space<vmem>> -> memref<100x32xf32, #tpu.memory_space<vmem>>
      %dma_start3A_295 = arith.constant 0 : i32
      %dma_start3A_296 = tpu.memref_slice %arg7[%dma_start3A_291, %dma_start3A_295] : memref<16x100xi32, #tpu.memory_space<vmem>> -> memref<1x100xi32, #tpu.memory_space<vmem>>
      %dma_start3A_297 = tpu.memref_squeeze %dma_start3A_296 : memref<1x100xi32, #tpu.memory_space<vmem>> -> memref<100xi32, #tpu.memory_space<vmem>>
      %dma_start3A_298 = arith.constant 0 : i32
      %dma_start3A_299 = arith.constant 0 : i32
      %dma_start3A_300 = tpu.memref_slice %arg3[%dma_start3A_298, %dma_start3A_299] : memref<1000000x32xf32, #tpu.memory_space<hbm>> -> memref<1000000x32xf32, #tpu.memory_space<hbm>>
      tpu.enqueue_indirect_dma source(%dma_start3A_300 : memref<1000000x32xf32, #tpu.memory_space<hbm>>) target(%dma_start3A_294 : memref<100x32xf32, #tpu.memory_space<vmem>>) offsets(%dma_start3A_297 : memref<100xi32, #tpu.memory_space<vmem>>) semaphore(%arg12 : memref<!tpu.dma_semaphore, #tpu.memory_space<semaphore_mem>>)
      %dma_start3A_301 = arith.constant 12 : i32
      %dma_start3A_302 = arith.constant 1200 : i32
      %dma_start3A_303 = arith.constant 0 : i32
      %dma_start3A_304 = tpu.memref_slice %arg9[%dma_start3A_302, %dma_start3A_303] : memref<1600x32xf32, #tpu.memory_space<vmem>> -> memref<100x32xf32, #tpu.memory_space<vmem>>
      %dma_start3A_305 = arith.constant 0 : i32
      %dma_start3A_306 = tpu.memref_slice %arg7[%dma_start3A_301, %dma_start3A_305] : memref<16x100xi32, #tpu.memory_space<vmem>> -> memref<1x100xi32, #tpu.memory_space<vmem>>
      %dma_start3A_307 = tpu.memref_squeeze %dma_start3A_306 : memref<1x100xi32, #tpu.memory_space<vmem>> -> memref<100xi32, #tpu.memory_space<vmem>>
      %dma_start3A_308 = arith.constant 0 : i32
      %dma_start3A_309 = arith.constant 0 : i32
      %dma_start3A_310 = tpu.memref_slice %arg3[%dma_start3A_308, %dma_start3A_309] : memref<1000000x32xf32, #tpu.memory_space<hbm>> -> memref<1000000x32xf32, #tpu.memory_space<hbm>>
      tpu.enqueue_indirect_dma source(%dma_start3A_310 : memref<1000000x32xf32, #tpu.memory_space<hbm>>) target(%dma_start3A_304 : memref<100x32xf32, #tpu.memory_space<vmem>>) offsets(%dma_start3A_307 : memref<100xi32, #tpu.memory_space<vmem>>) semaphore(%arg12 : memref<!tpu.dma_semaphore, #tpu.memory_space<semaphore_mem>>)
      %dma_start3A_311 = arith.constant 13 : i32
      %dma_start3A_312 = arith.constant 1300 : i32
      %dma_start3A_313 = arith.constant 0 : i32
      %dma_start3A_314 = tpu.memref_slice %arg9[%dma_start3A_312, %dma_start3A_313] : memref<1600x32xf32, #tpu.memory_space<vmem>> -> memref<100x32xf32, #tpu.memory_space<vmem>>
      %dma_start3A_315 = arith.constant 0 : i32
      %dma_start3A_316 = tpu.memref_slice %arg7[%dma_start3A_311, %dma_start3A_315] : memref<16x100xi32, #tpu.memory_space<vmem>> -> memref<1x100xi32, #tpu.memory_space<vmem>>
      %dma_start3A_317 = tpu.memref_squeeze %dma_start3A_316 : memref<1x100xi32, #tpu.memory_space<vmem>> -> memref<100xi32, #tpu.memory_space<vmem>>
      %dma_start3A_318 = arith.constant 0 : i32
      %dma_start3A_319 = arith.constant 0 : i32
      %dma_start3A_320 = tpu.memref_slice %arg3[%dma_start3A_318, %dma_start3A_319] : memref<1000000x32xf32, #tpu.memory_space<hbm>> -> memref<1000000x32xf32, #tpu.memory_space<hbm>>
      tpu.enqueue_indirect_dma source(%dma_start3A_320 : memref<1000000x32xf32, #tpu.memory_space<hbm>>) target(%dma_start3A_314 : memref<100x32xf32, #tpu.memory_space<vmem>>) offsets(%dma_start3A_317 : memref<100xi32, #tpu.memory_space<vmem>>) semaphore(%arg12 : memref<!tpu.dma_semaphore, #tpu.memory_space<semaphore_mem>>)
      %dma_start3A_321 = arith.constant 14 : i32
      %dma_start3A_322 = arith.constant 1400 : i32
      %dma_start3A_323 = arith.constant 0 : i32
      %dma_start3A_324 = tpu.memref_slice %arg9[%dma_start3A_322, %dma_start3A_323] : memref<1600x32xf32, #tpu.memory_space<vmem>> -> memref<100x32xf32, #tpu.memory_space<vmem>>
      %dma_start3A_325 = arith.constant 0 : i32
      %dma_start3A_326 = tpu.memref_slice %arg7[%dma_start3A_321, %dma_start3A_325] : memref<16x100xi32, #tpu.memory_space<vmem>> -> memref<1x100xi32, #tpu.memory_space<vmem>>
      %dma_start3A_327 = tpu.memref_squeeze %dma_start3A_326 : memref<1x100xi32, #tpu.memory_space<vmem>> -> memref<100xi32, #tpu.memory_space<vmem>>
      %dma_start3A_328 = arith.constant 0 : i32
      %dma_start3A_329 = arith.constant 0 : i32
      %dma_start3A_330 = tpu.memref_slice %arg3[%dma_start3A_328, %dma_start3A_329] : memref<1000000x32xf32, #tpu.memory_space<hbm>> -> memref<1000000x32xf32, #tpu.memory_space<hbm>>
      tpu.enqueue_indirect_dma source(%dma_start3A_330 : memref<1000000x32xf32, #tpu.memory_space<hbm>>) target(%dma_start3A_324 : memref<100x32xf32, #tpu.memory_space<vmem>>) offsets(%dma_start3A_327 : memref<100xi32, #tpu.memory_space<vmem>>) semaphore(%arg12 : memref<!tpu.dma_semaphore, #tpu.memory_space<semaphore_mem>>)
      %dma_start3A_331 = arith.constant 15 : i32
      %dma_start3A_332 = arith.constant 1500 : i32
      %dma_start3A_333 = arith.constant 0 : i32
      %dma_start3A_334 = tpu.memref_slice %arg9[%dma_start3A_332, %dma_start3A_333] : memref<1600x32xf32, #tpu.memory_space<vmem>> -> memref<100x32xf32, #tpu.memory_space<vmem>>
      %dma_start3A_335 = arith.constant 0 : i32
      %dma_start3A_336 = tpu.memref_slice %arg7[%dma_start3A_331, %dma_start3A_335] : memref<16x100xi32, #tpu.memory_space<vmem>> -> memref<1x100xi32, #tpu.memory_space<vmem>>
      %dma_start3A_337 = tpu.memref_squeeze %dma_start3A_336 : memref<1x100xi32, #tpu.memory_space<vmem>> -> memref<100xi32, #tpu.memory_space<vmem>>
      %dma_start3A_338 = arith.constant 0 : i32
      %dma_start3A_339 = arith.constant 0 : i32
      %dma_start3A_340 = tpu.memref_slice %arg3[%dma_start3A_338, %dma_start3A_339] : memref<1000000x32xf32, #tpu.memory_space<hbm>> -> memref<1000000x32xf32, #tpu.memory_space<hbm>>
      tpu.enqueue_indirect_dma source(%dma_start3A_340 : memref<1000000x32xf32, #tpu.memory_space<hbm>>) target(%dma_start3A_334 : memref<100x32xf32, #tpu.memory_space<vmem>>) offsets(%dma_start3A_337 : memref<100xi32, #tpu.memory_space<vmem>>) semaphore(%arg12 : memref<!tpu.dma_semaphore, #tpu.memory_space<semaphore_mem>>)
      %dma_wait3A = arith.constant 0 : i32
      %dma_wait3A_341 = arith.constant 0 : i32
      %dma_wait3A_342 = tpu.memref_slice %arg3[%dma_wait3A, %dma_wait3A_341] : memref<1000000x32xf32, #tpu.memory_space<hbm>> -> memref<1600x32xf32, #tpu.memory_space<hbm>>
      %dma_wait3A_343 = arith.constant 0 : i32
      %dma_wait3A_344 = arith.constant 0 : i32
      %dma_wait3A_345 = tpu.memref_slice %arg3[%dma_wait3A_343, %dma_wait3A_344] : memref<1000000x32xf32, #tpu.memory_space<hbm>> -> memref<1600x32xf32, #tpu.memory_space<hbm>>
      tpu.wait_dma2 semaphore(%arg11 : memref<!tpu.dma_semaphore, #tpu.memory_space<semaphore_mem>>) src(%dma_wait3A_345 : memref<1600x32xf32, #tpu.memory_space<hbm>>) dst(%arg8 : memref<1600x32xf32, #tpu.memory_space<vmem>>)
      %scan3A_346 = arith.constant 0 : i32
      %scan3A_347 = arith.constant 0 : i32
      %scan3A_348 = arith.constant 200 : i32
      %scan3A_349 = arith.addi %scan3A_347, %scan3A_348 : i32
      %scan3A_350 = arith.constant 1 : i32
      scf.for %scan3A_380 = %scan3A_347 to %scan3A_349 step %scan3A_350  : i32 {
        %get3A = arith.index_cast %scan3A_380 : i32 to index
        %get3A_381 = arith.constant 0 : index
        %get3A_382 = tpu.vector_load %arg10[%get3A, %get3A_381] {strides = array<i32>} : memref<200x32xf32, #tpu.memory_space<vmem>>, vector<1x16xf32>,
        %get3A_383 = vector.shape_cast %get3A_382 : vector<1x16xf32> to vector<16xf32>
        %get3A_384 = arith.index_cast %scan3A_380 : i32 to index
        %get3A_385 = arith.constant 16 : index
        %get3A_386 = tpu.vector_load %arg10[%get3A_384, %get3A_385] {strides = array<i32>} : memref<200x32xf32, #tpu.memory_space<vmem>>, vector<1x16xf32>,
        %get3A_387 = vector.shape_cast %get3A_386 : vector<1x16xf32> to vector<16xf32>
        %add3A_388 = arith.constant 0 : i32
        %add3A_389 = arith.addi %scan3A_380, %add3A_388 : i32
        %get3A_390 = arith.index_cast %add3A_389 : i32 to index
        %get3A_391 = arith.constant 0 : index
        %get3A_392 = tpu.vector_load %arg8[%get3A_390, %get3A_391] {strides = array<i32>} : memref<1600x32xf32, #tpu.memory_space<vmem>>, vector<1x16xf32>,
        %get3A_393 = vector.shape_cast %get3A_392 : vector<1x16xf32> to vector<16xf32>
        %mul3A_394 = arith.constant 5.65685415 : f32
        %mul3A_395 = vector.broadcast %mul3A_394 : f32 to vector<16xf32>
        %mul3A_396 = arith.mulf %get3A_393, %mul3A_395 : vector<16xf32>
        %add3A_397 = arith.addf %mul3A_396, %get3A_383 : vector<16xf32>
        %swap3A = arith.index_cast %add3A_389 : i32 to index
        %swap3A_398 = arith.constant 0 : index
        %swap3A_399 = tpu.vector_load %arg8[%swap3A, %swap3A_398] {strides = array<i32>} : memref<1600x32xf32, #tpu.memory_space<vmem>>, vector<1x16xf32>,
        %swap3A_400 = vector.shape_cast %swap3A_399 : vector<1x16xf32> to vector<16xf32>
        %swap3A_401 = vector.shape_cast %add3A_397 : vector<16xf32> to vector<1x16xf32>
        tpu.vector_store %arg8[%swap3A, %swap3A_398], %swap3A_401 {strides = array<i32>} : memref<1600x32xf32, #tpu.memory_space<vmem>>, vector<1x16xf32>,
        %get3A_402 = arith.index_cast %add3A_389 : i32 to index
        %get3A_403 = arith.constant 16 : index
        %get3A_404 = tpu.vector_load %arg8[%get3A_402, %get3A_403] {strides = array<i32>} : memref<1600x32xf32, #tpu.memory_space<vmem>>, vector<1x16xf32>,
        %get3A_405 = vector.shape_cast %get3A_404 : vector<1x16xf32> to vector<16xf32>
        %mul3A_406 = arith.constant 5.65685415 : f32
        %mul3A_407 = vector.broadcast %mul3A_406 : f32 to vector<16xf32>
        %mul3A_408 = arith.mulf %get3A_405, %mul3A_407 : vector<16xf32>
        %add3A_409 = arith.addf %mul3A_408, %get3A_387 : vector<16xf32>
        %swap3A_410 = arith.index_cast %add3A_389 : i32 to index
        %swap3A_411 = arith.constant 16 : index
        %swap3A_412 = tpu.vector_load %arg8[%swap3A_410, %swap3A_411] {strides = array<i32>} : memref<1600x32xf32, #tpu.memory_space<vmem>>, vector<1x16xf32>,
        %swap3A_413 = vector.shape_cast %swap3A_412 : vector<1x16xf32> to vector<16xf32>
        %swap3A_414 = vector.shape_cast %add3A_409 : vector<16xf32> to vector<1x16xf32>
        tpu.vector_store %arg8[%swap3A_410, %swap3A_411], %swap3A_414 {strides = array<i32>} : memref<1600x32xf32, #tpu.memory_space<vmem>>, vector<1x16xf32>,
        %add3A_415 = arith.constant 200 : i32
        %add3A_416 = arith.addi %scan3A_380, %add3A_415 : i32
        %get3A_417 = arith.index_cast %add3A_416 : i32 to index
        %get3A_418 = arith.constant 0 : index
        %get3A_419 = tpu.vector_load %arg8[%get3A_417, %get3A_418] {strides = array<i32>} : memref<1600x32xf32, #tpu.memory_space<vmem>>, vector<1x16xf32>,
        %get3A_420 = vector.shape_cast %get3A_419 : vector<1x16xf32> to vector<16xf32>
        %mul3A_421 = arith.constant 5.65685415 : f32
        %mul3A_422 = vector.broadcast %mul3A_421 : f32 to vector<16xf32>
        %mul3A_423 = arith.mulf %get3A_420, %mul3A_422 : vector<16xf32>
        %add3A_424 = arith.addf %mul3A_423, %get3A_383 : vector<16xf32>
        %swap3A_425 = arith.index_cast %add3A_416 : i32 to index
        %swap3A_426 = arith.constant 0 : index
        %swap3A_427 = tpu.vector_load %arg8[%swap3A_425, %swap3A_426] {strides = array<i32>} : memref<1600x32xf32, #tpu.memory_space<vmem>>, vector<1x16xf32>,
        %swap3A_428 = vector.shape_cast %swap3A_427 : vector<1x16xf32> to vector<16xf32>
        %swap3A_429 = vector.shape_cast %add3A_424 : vector<16xf32> to vector<1x16xf32>
        tpu.vector_store %arg8[%swap3A_425, %swap3A_426], %swap3A_429 {strides = array<i32>} : memref<1600x32xf32, #tpu.memory_space<vmem>>, vector<1x16xf32>,
        %get3A_430 = arith.index_cast %add3A_416 : i32 to index
        %get3A_431 = arith.constant 16 : index
        %get3A_432 = tpu.vector_load %arg8[%get3A_430, %get3A_431] {strides = array<i32>} : memref<1600x32xf32, #tpu.memory_space<vmem>>, vector<1x16xf32>,
        %get3A_433 = vector.shape_cast %get3A_432 : vector<1x16xf32> to vector<16xf32>
        %mul3A_434 = arith.constant 5.65685415 : f32
        %mul3A_435 = vector.broadcast %mul3A_434 : f32 to vector<16xf32>
        %mul3A_436 = arith.mulf %get3A_433, %mul3A_435 : vector<16xf32>
        %add3A_437 = arith.addf %mul3A_436, %get3A_387 : vector<16xf32>
        %swap3A_438 = arith.index_cast %add3A_416 : i32 to index
        %swap3A_439 = arith.constant 16 : index
        %swap3A_440 = tpu.vector_load %arg8[%swap3A_438, %swap3A_439] {strides = array<i32>} : memref<1600x32xf32, #tpu.memory_space<vmem>>, vector<1x16xf32>,
        %swap3A_441 = vector.shape_cast %swap3A_440 : vector<1x16xf32> to vector<16xf32>
        %swap3A_442 = vector.shape_cast %add3A_437 : vector<16xf32> to vector<1x16xf32>
        tpu.vector_store %arg8[%swap3A_438, %swap3A_439], %swap3A_442 {strides = array<i32>} : memref<1600x32xf32, #tpu.memory_space<vmem>>, vector<1x16xf32>,
        %add3A_443 = arith.constant 400 : i32
        %add3A_444 = arith.addi %scan3A_380, %add3A_443 : i32
        %get3A_445 = arith.index_cast %add3A_444 : i32 to index
        %get3A_446 = arith.constant 0 : index
        %get3A_447 = tpu.vector_load %arg8[%get3A_445, %get3A_446] {strides = array<i32>} : memref<1600x32xf32, #tpu.memory_space<vmem>>, vector<1x16xf32>,
        %get3A_448 = vector.shape_cast %get3A_447 : vector<1x16xf32> to vector<16xf32>
        %mul3A_449 = arith.constant 5.65685415 : f32
        %mul3A_450 = vector.broadcast %mul3A_449 : f32 to vector<16xf32>
        %mul3A_451 = arith.mulf %get3A_448, %mul3A_450 : vector<16xf32>
        %add3A_452 = arith.addf %mul3A_451, %get3A_383 : vector<16xf32>
        %swap3A_453 = arith.index_cast %add3A_444 : i32 to index
        %swap3A_454 = arith.constant 0 : index
        %swap3A_455 = tpu.vector_load %arg8[%swap3A_453, %swap3A_454] {strides = array<i32>} : memref<1600x32xf32, #tpu.memory_space<vmem>>, vector<1x16xf32>,
        %swap3A_456 = vector.shape_cast %swap3A_455 : vector<1x16xf32> to vector<16xf32>
        %swap3A_457 = vector.shape_cast %add3A_452 : vector<16xf32> to vector<1x16xf32>
        tpu.vector_store %arg8[%swap3A_453, %swap3A_454], %swap3A_457 {strides = array<i32>} : memref<1600x32xf32, #tpu.memory_space<vmem>>, vector<1x16xf32>,
        %get3A_458 = arith.index_cast %add3A_444 : i32 to index
        %get3A_459 = arith.constant 16 : index
        %get3A_460 = tpu.vector_load %arg8[%get3A_458, %get3A_459] {strides = array<i32>} : memref<1600x32xf32, #tpu.memory_space<vmem>>, vector<1x16xf32>,
        %get3A_461 = vector.shape_cast %get3A_460 : vector<1x16xf32> to vector<16xf32>
        %mul3A_462 = arith.constant 5.65685415 : f32
        %mul3A_463 = vector.broadcast %mul3A_462 : f32 to vector<16xf32>
        %mul3A_464 = arith.mulf %get3A_461, %mul3A_463 : vector<16xf32>
        %add3A_465 = arith.addf %mul3A_464, %get3A_387 : vector<16xf32>
        %swap3A_466 = arith.index_cast %add3A_444 : i32 to index
        %swap3A_467 = arith.constant 16 : index
        %swap3A_468 = tpu.vector_load %arg8[%swap3A_466, %swap3A_467] {strides = array<i32>} : memref<1600x32xf32, #tpu.memory_space<vmem>>, vector<1x16xf32>,
        %swap3A_469 = vector.shape_cast %swap3A_468 : vector<1x16xf32> to vector<16xf32>
        %swap3A_470 = vector.shape_cast %add3A_465 : vector<16xf32> to vector<1x16xf32>
        tpu.vector_store %arg8[%swap3A_466, %swap3A_467], %swap3A_470 {strides = array<i32>} : memref<1600x32xf32, #tpu.memory_space<vmem>>, vector<1x16xf32>,
        %add3A_471 = arith.constant 600 : i32
        %add3A_472 = arith.addi %scan3A_380, %add3A_471 : i32
        %get3A_473 = arith.index_cast %add3A_472 : i32 to index
        %get3A_474 = arith.constant 0 : index
        %get3A_475 = tpu.vector_load %arg8[%get3A_473, %get3A_474] {strides = array<i32>} : memref<1600x32xf32, #tpu.memory_space<vmem>>, vector<1x16xf32>,
        %get3A_476 = vector.shape_cast %get3A_475 : vector<1x16xf32> to vector<16xf32>
        %mul3A_477 = arith.constant 5.65685415 : f32
        %mul3A_478 = vector.broadcast %mul3A_477 : f32 to vector<16xf32>
        %mul3A_479 = arith.mulf %get3A_476, %mul3A_478 : vector<16xf32>
        %add3A_480 = arith.addf %mul3A_479, %get3A_383 : vector<16xf32>
        %swap3A_481 = arith.index_cast %add3A_472 : i32 to index
        %swap3A_482 = arith.constant 0 : index
        %swap3A_483 = tpu.vector_load %arg8[%swap3A_481, %swap3A_482] {strides = array<i32>} : memref<1600x32xf32, #tpu.memory_space<vmem>>, vector<1x16xf32>,
        %swap3A_484 = vector.shape_cast %swap3A_483 : vector<1x16xf32> to vector<16xf32>
        %swap3A_485 = vector.shape_cast %add3A_480 : vector<16xf32> to vector<1x16xf32>
        tpu.vector_store %arg8[%swap3A_481, %swap3A_482], %swap3A_485 {strides = array<i32>} : memref<1600x32xf32, #tpu.memory_space<vmem>>, vector<1x16xf32>,
        %get3A_486 = arith.index_cast %add3A_472 : i32 to index
        %get3A_487 = arith.constant 16 : index
        %get3A_488 = tpu.vector_load %arg8[%get3A_486, %get3A_487] {strides = array<i32>} : memref<1600x32xf32, #tpu.memory_space<vmem>>, vector<1x16xf32>,
        %get3A_489 = vector.shape_cast %get3A_488 : vector<1x16xf32> to vector<16xf32>
        %mul3A_490 = arith.constant 5.65685415 : f32
        %mul3A_491 = vector.broadcast %mul3A_490 : f32 to vector<16xf32>
        %mul3A_492 = arith.mulf %get3A_489, %mul3A_491 : vector<16xf32>
        %add3A_493 = arith.addf %mul3A_492, %get3A_387 : vector<16xf32>
        %swap3A_494 = arith.index_cast %add3A_472 : i32 to index
        %swap3A_495 = arith.constant 16 : index
        %swap3A_496 = tpu.vector_load %arg8[%swap3A_494, %swap3A_495] {strides = array<i32>} : memref<1600x32xf32, #tpu.memory_space<vmem>>, vector<1x16xf32>,
        %swap3A_497 = vector.shape_cast %swap3A_496 : vector<1x16xf32> to vector<16xf32>
        %swap3A_498 = vector.shape_cast %add3A_493 : vector<16xf32> to vector<1x16xf32>
        tpu.vector_store %arg8[%swap3A_494, %swap3A_495], %swap3A_498 {strides = array<i32>} : memref<1600x32xf32, #tpu.memory_space<vmem>>, vector<1x16xf32>,
        %add3A_499 = arith.constant 800 : i32
        %add3A_500 = arith.addi %scan3A_380, %add3A_499 : i32
        %get3A_501 = arith.index_cast %add3A_500 : i32 to index
        %get3A_502 = arith.constant 0 : index
        %get3A_503 = tpu.vector_load %arg8[%get3A_501, %get3A_502] {strides = array<i32>} : memref<1600x32xf32, #tpu.memory_space<vmem>>, vector<1x16xf32>,
        %get3A_504 = vector.shape_cast %get3A_503 : vector<1x16xf32> to vector<16xf32>
        %mul3A_505 = arith.constant 5.65685415 : f32
        %mul3A_506 = vector.broadcast %mul3A_505 : f32 to vector<16xf32>
        %mul3A_507 = arith.mulf %get3A_504, %mul3A_506 : vector<16xf32>
        %add3A_508 = arith.addf %mul3A_507, %get3A_383 : vector<16xf32>
        %swap3A_509 = arith.index_cast %add3A_500 : i32 to index
        %swap3A_510 = arith.constant 0 : index
        %swap3A_511 = tpu.vector_load %arg8[%swap3A_509, %swap3A_510] {strides = array<i32>} : memref<1600x32xf32, #tpu.memory_space<vmem>>, vector<1x16xf32>,
        %swap3A_512 = vector.shape_cast %swap3A_511 : vector<1x16xf32> to vector<16xf32>
        %swap3A_513 = vector.shape_cast %add3A_508 : vector<16xf32> to vector<1x16xf32>
        tpu.vector_store %arg8[%swap3A_509, %swap3A_510], %swap3A_513 {strides = array<i32>} : memref<1600x32xf32, #tpu.memory_space<vmem>>, vector<1x16xf32>,
        %get3A_514 = arith.index_cast %add3A_500 : i32 to index
        %get3A_515 = arith.constant 16 : index
        %get3A_516 = tpu.vector_load %arg8[%get3A_514, %get3A_515] {strides = array<i32>} : memref<1600x32xf32, #tpu.memory_space<vmem>>, vector<1x16xf32>,
        %get3A_517 = vector.shape_cast %get3A_516 : vector<1x16xf32> to vector<16xf32>
        %mul3A_518 = arith.constant 5.65685415 : f32
        %mul3A_519 = vector.broadcast %mul3A_518 : f32 to vector<16xf32>
        %mul3A_520 = arith.mulf %get3A_517, %mul3A_519 : vector<16xf32>
        %add3A_521 = arith.addf %mul3A_520, %get3A_387 : vector<16xf32>
        %swap3A_522 = arith.index_cast %add3A_500 : i32 to index
        %swap3A_523 = arith.constant 16 : index
        %swap3A_524 = tpu.vector_load %arg8[%swap3A_522, %swap3A_523] {strides = array<i32>} : memref<1600x32xf32, #tpu.memory_space<vmem>>, vector<1x16xf32>,
        %swap3A_525 = vector.shape_cast %swap3A_524 : vector<1x16xf32> to vector<16xf32>
        %swap3A_526 = vector.shape_cast %add3A_521 : vector<16xf32> to vector<1x16xf32>
        tpu.vector_store %arg8[%swap3A_522, %swap3A_523], %swap3A_526 {strides = array<i32>} : memref<1600x32xf32, #tpu.memory_space<vmem>>, vector<1x16xf32>,
        %add3A_527 = arith.constant 1000 : i32
        %add3A_528 = arith.addi %scan3A_380, %add3A_527 : i32
        %get3A_529 = arith.index_cast %add3A_528 : i32 to index
        %get3A_530 = arith.constant 0 : index
        %get3A_531 = tpu.vector_load %arg8[%get3A_529, %get3A_530] {strides = array<i32>} : memref<1600x32xf32, #tpu.memory_space<vmem>>, vector<1x16xf32>,
        %get3A_532 = vector.shape_cast %get3A_531 : vector<1x16xf32> to vector<16xf32>
        %mul3A_533 = arith.constant 5.65685415 : f32
        %mul3A_534 = vector.broadcast %mul3A_533 : f32 to vector<16xf32>
        %mul3A_535 = arith.mulf %get3A_532, %mul3A_534 : vector<16xf32>
        %add3A_536 = arith.addf %mul3A_535, %get3A_383 : vector<16xf32>
        %swap3A_537 = arith.index_cast %add3A_528 : i32 to index
        %swap3A_538 = arith.constant 0 : index
        %swap3A_539 = tpu.vector_load %arg8[%swap3A_537, %swap3A_538] {strides = array<i32>} : memref<1600x32xf32, #tpu.memory_space<vmem>>, vector<1x16xf32>,
        %swap3A_540 = vector.shape_cast %swap3A_539 : vector<1x16xf32> to vector<16xf32>
        %swap3A_541 = vector.shape_cast %add3A_536 : vector<16xf32> to vector<1x16xf32>
        tpu.vector_store %arg8[%swap3A_537, %swap3A_538], %swap3A_541 {strides = array<i32>} : memref<1600x32xf32, #tpu.memory_space<vmem>>, vector<1x16xf32>,
        %get3A_542 = arith.index_cast %add3A_528 : i32 to index
        %get3A_543 = arith.constant 16 : index
        %get3A_544 = tpu.vector_load %arg8[%get3A_542, %get3A_543] {strides = array<i32>} : memref<1600x32xf32, #tpu.memory_space<vmem>>, vector<1x16xf32>,
        %get3A_545 = vector.shape_cast %get3A_544 : vector<1x16xf32> to vector<16xf32>
        %mul3A_546 = arith.constant 5.65685415 : f32
        %mul3A_547 = vector.broadcast %mul3A_546 : f32 to vector<16xf32>
        %mul3A_548 = arith.mulf %get3A_545, %mul3A_547 : vector<16xf32>
        %add3A_549 = arith.addf %mul3A_548, %get3A_387 : vector<16xf32>
        %swap3A_550 = arith.index_cast %add3A_528 : i32 to index
        %swap3A_551 = arith.constant 16 : index
        %swap3A_552 = tpu.vector_load %arg8[%swap3A_550, %swap3A_551] {strides = array<i32>} : memref<1600x32xf32, #tpu.memory_space<vmem>>, vector<1x16xf32>,
        %swap3A_553 = vector.shape_cast %swap3A_552 : vector<1x16xf32> to vector<16xf32>
        %swap3A_554 = vector.shape_cast %add3A_549 : vector<16xf32> to vector<1x16xf32>
        tpu.vector_store %arg8[%swap3A_550, %swap3A_551], %swap3A_554 {strides = array<i32>} : memref<1600x32xf32, #tpu.memory_space<vmem>>, vector<1x16xf32>,
        %add3A_555 = arith.constant 1200 : i32
        %add3A_556 = arith.addi %scan3A_380, %add3A_555 : i32
        %get3A_557 = arith.index_cast %add3A_556 : i32 to index
        %get3A_558 = arith.constant 0 : index
        %get3A_559 = tpu.vector_load %arg8[%get3A_557, %get3A_558] {strides = array<i32>} : memref<1600x32xf32, #tpu.memory_space<vmem>>, vector<1x16xf32>,
        %get3A_560 = vector.shape_cast %get3A_559 : vector<1x16xf32> to vector<16xf32>
        %mul3A_561 = arith.constant 5.65685415 : f32
        %mul3A_562 = vector.broadcast %mul3A_561 : f32 to vector<16xf32>
        %mul3A_563 = arith.mulf %get3A_560, %mul3A_562 : vector<16xf32>
        %add3A_564 = arith.addf %mul3A_563, %get3A_383 : vector<16xf32>
        %swap3A_565 = arith.index_cast %add3A_556 : i32 to index
        %swap3A_566 = arith.constant 0 : index
        %swap3A_567 = tpu.vector_load %arg8[%swap3A_565, %swap3A_566] {strides = array<i32>} : memref<1600x32xf32, #tpu.memory_space<vmem>>, vector<1x16xf32>,
        %swap3A_568 = vector.shape_cast %swap3A_567 : vector<1x16xf32> to vector<16xf32>
        %swap3A_569 = vector.shape_cast %add3A_564 : vector<16xf32> to vector<1x16xf32>
        tpu.vector_store %arg8[%swap3A_565, %swap3A_566], %swap3A_569 {strides = array<i32>} : memref<1600x32xf32, #tpu.memory_space<vmem>>, vector<1x16xf32>,
        %get3A_570 = arith.index_cast %add3A_556 : i32 to index
        %get3A_571 = arith.constant 16 : index
        %get3A_572 = tpu.vector_load %arg8[%get3A_570, %get3A_571] {strides = array<i32>} : memref<1600x32xf32, #tpu.memory_space<vmem>>, vector<1x16xf32>,
        %get3A_573 = vector.shape_cast %get3A_572 : vector<1x16xf32> to vector<16xf32>
        %mul3A_574 = arith.constant 5.65685415 : f32
        %mul3A_575 = vector.broadcast %mul3A_574 : f32 to vector<16xf32>
        %mul3A_576 = arith.mulf %get3A_573, %mul3A_575 : vector<16xf32>
        %add3A_577 = arith.addf %mul3A_576, %get3A_387 : vector<16xf32>
        %swap3A_578 = arith.index_cast %add3A_556 : i32 to index
        %swap3A_579 = arith.constant 16 : index
        %swap3A_580 = tpu.vector_load %arg8[%swap3A_578, %swap3A_579] {strides = array<i32>} : memref<1600x32xf32, #tpu.memory_space<vmem>>, vector<1x16xf32>,
        %swap3A_581 = vector.shape_cast %swap3A_580 : vector<1x16xf32> to vector<16xf32>
        %swap3A_582 = vector.shape_cast %add3A_577 : vector<16xf32> to vector<1x16xf32>
        tpu.vector_store %arg8[%swap3A_578, %swap3A_579], %swap3A_582 {strides = array<i32>} : memref<1600x32xf32, #tpu.memory_space<vmem>>, vector<1x16xf32>,
        %add3A_583 = arith.constant 1400 : i32
        %add3A_584 = arith.addi %scan3A_380, %add3A_583 : i32
        %get3A_585 = arith.index_cast %add3A_584 : i32 to index
        %get3A_586 = arith.constant 0 : index
        %get3A_587 = tpu.vector_load %arg8[%get3A_585, %get3A_586] {strides = array<i32>} : memref<1600x32xf32, #tpu.memory_space<vmem>>, vector<1x16xf32>,
        %get3A_588 = vector.shape_cast %get3A_587 : vector<1x16xf32> to vector<16xf32>
        %mul3A_589 = arith.constant 5.65685415 : f32
        %mul3A_590 = vector.broadcast %mul3A_589 : f32 to vector<16xf32>
        %mul3A_591 = arith.mulf %get3A_588, %mul3A_590 : vector<16xf32>
        %add3A_592 = arith.addf %mul3A_591, %get3A_383 : vector<16xf32>
        %swap3A_593 = arith.index_cast %add3A_584 : i32 to index
        %swap3A_594 = arith.constant 0 : index
        %swap3A_595 = tpu.vector_load %arg8[%swap3A_593, %swap3A_594] {strides = array<i32>} : memref<1600x32xf32, #tpu.memory_space<vmem>>, vector<1x16xf32>,
        %swap3A_596 = vector.shape_cast %swap3A_595 : vector<1x16xf32> to vector<16xf32>
        %swap3A_597 = vector.shape_cast %add3A_592 : vector<16xf32> to vector<1x16xf32>
        tpu.vector_store %arg8[%swap3A_593, %swap3A_594], %swap3A_597 {strides = array<i32>} : memref<1600x32xf32, #tpu.memory_space<vmem>>, vector<1x16xf32>,
        %get3A_598 = arith.index_cast %add3A_584 : i32 to index
        %get3A_599 = arith.constant 16 : index
        %get3A_600 = tpu.vector_load %arg8[%get3A_598, %get3A_599] {strides = array<i32>} : memref<1600x32xf32, #tpu.memory_space<vmem>>, vector<1x16xf32>,
        %get3A_601 = vector.shape_cast %get3A_600 : vector<1x16xf32> to vector<16xf32>
        %mul3A_602 = arith.constant 5.65685415 : f32
        %mul3A_603 = vector.broadcast %mul3A_602 : f32 to vector<16xf32>
        %mul3A_604 = arith.mulf %get3A_601, %mul3A_603 : vector<16xf32>
        %add3A_605 = arith.addf %mul3A_604, %get3A_387 : vector<16xf32>
        %swap3A_606 = arith.index_cast %add3A_584 : i32 to index
        %swap3A_607 = arith.constant 16 : index
        %swap3A_608 = tpu.vector_load %arg8[%swap3A_606, %swap3A_607] {strides = array<i32>} : memref<1600x32xf32, #tpu.memory_space<vmem>>, vector<1x16xf32>,
        %swap3A_609 = vector.shape_cast %swap3A_608 : vector<1x16xf32> to vector<16xf32>
        %swap3A_610 = vector.shape_cast %add3A_605 : vector<16xf32> to vector<1x16xf32>
        tpu.vector_store %arg8[%swap3A_606, %swap3A_607], %swap3A_610 {strides = array<i32>} : memref<1600x32xf32, #tpu.memory_space<vmem>>, vector<1x16xf32>,
      }
      %scan3A_351 = arith.constant 200 : i32
      %mul3A_352 = arith.constant 16 : i32
      %mul3A_353 = arith.muli %add3A, %mul3A_352 : i32
      %add3A_354 = arith.addi %mul3A_353, %mul3A_173 : i32
      %mul3A_355 = arith.constant 1600 : i32
      %mul3A_356 = arith.muli %add3A_354, %mul3A_355 : i32
      "tpu.region"() ({
        %run_scoped3A = tpu.sem_alloc : memref<!tpu.dma_semaphore, #tpu.memory_space<semaphore_mem>>
        %dma_start3A_380 = arith.constant 0 : i32
        %dma_start3A_381 = tpu.memref_slice %arg5[%mul3A_356, %dma_start3A_380] : memref<819200x32xf32, #tpu.memory_space<hbm>> -> memref<1600x32xf32, #tpu.memory_space<hbm>>
        %dma_start3A_382 = arith.constant 0 : i32
        %dma_start3A_383 = tpu.memref_slice %arg5[%mul3A_356, %dma_start3A_382] : memref<819200x32xf32, #tpu.memory_space<hbm>> -> memref<1600x32xf32, #tpu.memory_space<hbm>>
        tpu.enqueue_dma source(%arg8 : memref<1600x32xf32, #tpu.memory_space<vmem>>) target(%dma_start3A_383 : memref<1600x32xf32, #tpu.memory_space<hbm>>) target_semaphore(%run_scoped3A : memref<!tpu.dma_semaphore, #tpu.memory_space<semaphore_mem>>)
        %dma_wait3A_384 = arith.constant 0 : i32
        %dma_wait3A_385 = tpu.memref_slice %arg5[%mul3A_356, %dma_wait3A_384] : memref<819200x32xf32, #tpu.memory_space<hbm>> -> memref<1600x32xf32, #tpu.memory_space<hbm>>
        %dma_wait3A_386 = arith.constant 0 : i32
        %dma_wait3A_387 = tpu.memref_slice %arg5[%mul3A_356, %dma_wait3A_386] : memref<819200x32xf32, #tpu.memory_space<hbm>> -> memref<1600x32xf32, #tpu.memory_space<hbm>>
        tpu.wait_dma2 semaphore(%run_scoped3A : memref<!tpu.dma_semaphore, #tpu.memory_space<semaphore_mem>>) src(%arg8 : memref<1600x32xf32, #tpu.memory_space<vmem>>) dst(%dma_wait3A_387 : memref<1600x32xf32, #tpu.memory_space<hbm>>)
        tpu.yield
      }) : () -> ()
      %add3A_357 = arith.constant 2 : i32
      %add3A_358 = arith.addi %mul3A_173, %add3A_357 : i32
      %lt3A = arith.constant 16 : i32
      %lt3A_359 = arith.cmpi slt, %add3A_358, %lt3A : i32
      %convert_element_type3A = arith.extui %lt3A_359 : i1 to i32
      %cond3A = arith.constant 0 : i32
      %cond3A_360 = arith.cmpi ne, %convert_element_type3A, %cond3A : i32
      scf.if %cond3A_360 {
        %add3A_380 = arith.constant 2 : i32
        %add3A_381 = arith.addi %mul3A_173, %add3A_380 : i32
        %mul3A_382 = arith.constant 16 : i32
        %mul3A_383 = arith.muli %add3A, %mul3A_382 : i32
        %add3A_384 = arith.addi %mul3A_383, %add3A_381 : i32
        %mul3A_385 = arith.constant 16 : i32
        %mul3A_386 = arith.muli %add3A_384, %mul3A_385 : i32
        "tpu.region"() ({
          %run_scoped3A = tpu.sem_alloc : memref<!tpu.dma_semaphore, #tpu.memory_space<semaphore_mem>>
          %dma_start3A_547 = arith.constant 0 : i32
          %dma_start3A_548 = tpu.memref_slice %arg2[%mul3A_386, %dma_start3A_547] : memref<8192x100xi32, #tpu.memory_space<hbm>> -> memref<16x100xi32, #tpu.memory_space<hbm>>
          %dma_start3A_549 = arith.constant 0 : i32
          %dma_start3A_550 = tpu.memref_slice %arg2[%mul3A_386, %dma_start3A_549] : memref<8192x100xi32, #tpu.memory_space<hbm>> -> memref<16x100xi32, #tpu.memory_space<hbm>>
          tpu.enqueue_dma source(%dma_start3A_550 : memref<16x100xi32, #tpu.memory_space<hbm>>) target(%arg6 : memref<16x100xi32, #tpu.memory_space<vmem>>) target_semaphore(%run_scoped3A : memref<!tpu.dma_semaphore, #tpu.memory_space<semaphore_mem>>)
          %dma_wait3A_551 = arith.constant 0 : i32
          %dma_wait3A_552 = tpu.memref_slice %arg2[%mul3A_386, %dma_wait3A_551] : memref<8192x100xi32, #tpu.memory_space<hbm>> -> memref<16x100xi32, #tpu.memory_space<hbm>>
          %dma_wait3A_553 = arith.constant 0 : i32
          %dma_wait3A_554 = tpu.memref_slice %arg2[%mul3A_386, %dma_wait3A_553] : memref<8192x100xi32, #tpu.memory_space<hbm>> -> memref<16x100xi32, #tpu.memory_space<hbm>>
          tpu.wait_dma2 semaphore(%run_scoped3A : memref<!tpu.dma_semaphore, #tpu.memory_space<semaphore_mem>>) src(%dma_wait3A_554 : memref<16x100xi32, #tpu.memory_space<hbm>>) dst(%arg6 : memref<16x100xi32, #tpu.memory_space<vmem>>)
          tpu.yield
        }) : () -> ()
        %dma_start3A_387 = arith.constant 0 : i32
        %dma_start3A_388 = arith.constant 0 : i32
        %dma_start3A_389 = arith.constant 0 : i32
        %dma_start3A_390 = tpu.memref_slice %arg8[%dma_start3A_388, %dma_start3A_389] : memref<1600x32xf32, #tpu.memory_space<vmem>> -> memref<100x32xf32, #tpu.memory_space<vmem>>
        %dma_start3A_391 = arith.constant 0 : i32
        %dma_start3A_392 = tpu.memref_slice %arg6[%dma_start3A_387, %dma_start3A_391] : memref<16x100xi32, #tpu.memory_space<vmem>> -> memref<1x100xi32, #tpu.memory_space<vmem>>
        %dma_start3A_393 = tpu.memref_squeeze %dma_start3A_392 : memref<1x100xi32, #tpu.memory_space<vmem>> -> memref<100xi32, #tpu.memory_space<vmem>>
        %dma_start3A_394 = arith.constant 0 : i32
        %dma_start3A_395 = arith.constant 0 : i32
        %dma_start3A_396 = tpu.memref_slice %arg3[%dma_start3A_394, %dma_start3A_395] : memref<1000000x32xf32, #tpu.memory_space<hbm>> -> memref<1000000x32xf32, #tpu.memory_space<hbm>>
        tpu.enqueue_indirect_dma source(%dma_start3A_396 : memref<1000000x32xf32, #tpu.memory_space<hbm>>) target(%dma_start3A_390 : memref<100x32xf32, #tpu.memory_space<vmem>>) offsets(%dma_start3A_393 : memref<100xi32, #tpu.memory_space<vmem>>) semaphore(%arg11 : memref<!tpu.dma_semaphore, #tpu.memory_space<semaphore_mem>>)
        %dma_start3A_397 = arith.constant 1 : i32
        %dma_start3A_398 = arith.constant 100 : i32
        %dma_start3A_399 = arith.constant 0 : i32
        %dma_start3A_400 = tpu.memref_slice %arg8[%dma_start3A_398, %dma_start3A_399] : memref<1600x32xf32, #tpu.memory_space<vmem>> -> memref<100x32xf32, #tpu.memory_space<vmem>>
        %dma_start3A_401 = arith.constant 0 : i32
        %dma_start3A_402 = tpu.memref_slice %arg6[%dma_start3A_397, %dma_start3A_401] : memref<16x100xi32, #tpu.memory_space<vmem>> -> memref<1x100xi32, #tpu.memory_space<vmem>>
        %dma_start3A_403 = tpu.memref_squeeze %dma_start3A_402 : memref<1x100xi32, #tpu.memory_space<vmem>> -> memref<100xi32, #tpu.memory_space<vmem>>
        %dma_start3A_404 = arith.constant 0 : i32
        %dma_start3A_405 = arith.constant 0 : i32
        %dma_start3A_406 = tpu.memref_slice %arg3[%dma_start3A_404, %dma_start3A_405] : memref<1000000x32xf32, #tpu.memory_space<hbm>> -> memref<1000000x32xf32, #tpu.memory_space<hbm>>
        tpu.enqueue_indirect_dma source(%dma_start3A_406 : memref<1000000x32xf32, #tpu.memory_space<hbm>>) target(%dma_start3A_400 : memref<100x32xf32, #tpu.memory_space<vmem>>) offsets(%dma_start3A_403 : memref<100xi32, #tpu.memory_space<vmem>>) semaphore(%arg11 : memref<!tpu.dma_semaphore, #tpu.memory_space<semaphore_mem>>)
        %dma_start3A_407 = arith.constant 2 : i32
        %dma_start3A_408 = arith.constant 200 : i32
        %dma_start3A_409 = arith.constant 0 : i32
        %dma_start3A_410 = tpu.memref_slice %arg8[%dma_start3A_408, %dma_start3A_409] : memref<1600x32xf32, #tpu.memory_space<vmem>> -> memref<100x32xf32, #tpu.memory_space<vmem>>
        %dma_start3A_411 = arith.constant 0 : i32
        %dma_start3A_412 = tpu.memref_slice %arg6[%dma_start3A_407, %dma_start3A_411] : memref<16x100xi32, #tpu.memory_space<vmem>> -> memref<1x100xi32, #tpu.memory_space<vmem>>
        %dma_start3A_413 = tpu.memref_squeeze %dma_start3A_412 : memref<1x100xi32, #tpu.memory_space<vmem>> -> memref<100xi32, #tpu.memory_space<vmem>>
        %dma_start3A_414 = arith.constant 0 : i32
        %dma_start3A_415 = arith.constant 0 : i32
        %dma_start3A_416 = tpu.memref_slice %arg3[%dma_start3A_414, %dma_start3A_415] : memref<1000000x32xf32, #tpu.memory_space<hbm>> -> memref<1000000x32xf32, #tpu.memory_space<hbm>>
        tpu.enqueue_indirect_dma source(%dma_start3A_416 : memref<1000000x32xf32, #tpu.memory_space<hbm>>) target(%dma_start3A_410 : memref<100x32xf32, #tpu.memory_space<vmem>>) offsets(%dma_start3A_413 : memref<100xi32, #tpu.memory_space<vmem>>) semaphore(%arg11 : memref<!tpu.dma_semaphore, #tpu.memory_space<semaphore_mem>>)
        %dma_start3A_417 = arith.constant 3 : i32
        %dma_start3A_418 = arith.constant 300 : i32
        %dma_start3A_419 = arith.constant 0 : i32
        %dma_start3A_420 = tpu.memref_slice %arg8[%dma_start3A_418, %dma_start3A_419] : memref<1600x32xf32, #tpu.memory_space<vmem>> -> memref<100x32xf32, #tpu.memory_space<vmem>>
        %dma_start3A_421 = arith.constant 0 : i32
        %dma_start3A_422 = tpu.memref_slice %arg6[%dma_start3A_417, %dma_start3A_421] : memref<16x100xi32, #tpu.memory_space<vmem>> -> memref<1x100xi32, #tpu.memory_space<vmem>>
        %dma_start3A_423 = tpu.memref_squeeze %dma_start3A_422 : memref<1x100xi32, #tpu.memory_space<vmem>> -> memref<100xi32, #tpu.memory_space<vmem>>
        %dma_start3A_424 = arith.constant 0 : i32
        %dma_start3A_425 = arith.constant 0 : i32
        %dma_start3A_426 = tpu.memref_slice %arg3[%dma_start3A_424, %dma_start3A_425] : memref<1000000x32xf32, #tpu.memory_space<hbm>> -> memref<1000000x32xf32, #tpu.memory_space<hbm>>
        tpu.enqueue_indirect_dma source(%dma_start3A_426 : memref<1000000x32xf32, #tpu.memory_space<hbm>>) target(%dma_start3A_420 : memref<100x32xf32, #tpu.memory_space<vmem>>) offsets(%dma_start3A_423 : memref<100xi32, #tpu.memory_space<vmem>>) semaphore(%arg11 : memref<!tpu.dma_semaphore, #tpu.memory_space<semaphore_mem>>)
        %dma_start3A_427 = arith.constant 4 : i32
        %dma_start3A_428 = arith.constant 400 : i32
        %dma_start3A_429 = arith.constant 0 : i32
        %dma_start3A_430 = tpu.memref_slice %arg8[%dma_start3A_428, %dma_start3A_429] : memref<1600x32xf32, #tpu.memory_space<vmem>> -> memref<100x32xf32, #tpu.memory_space<vmem>>
        %dma_start3A_431 = arith.constant 0 : i32
        %dma_start3A_432 = tpu.memref_slice %arg6[%dma_start3A_427, %dma_start3A_431] : memref<16x100xi32, #tpu.memory_space<vmem>> -> memref<1x100xi32, #tpu.memory_space<vmem>>
        %dma_start3A_433 = tpu.memref_squeeze %dma_start3A_432 : memref<1x100xi32, #tpu.memory_space<vmem>> -> memref<100xi32, #tpu.memory_space<vmem>>
        %dma_start3A_434 = arith.constant 0 : i32
        %dma_start3A_435 = arith.constant 0 : i32
        %dma_start3A_436 = tpu.memref_slice %arg3[%dma_start3A_434, %dma_start3A_435] : memref<1000000x32xf32, #tpu.memory_space<hbm>> -> memref<1000000x32xf32, #tpu.memory_space<hbm>>
        tpu.enqueue_indirect_dma source(%dma_start3A_436 : memref<1000000x32xf32, #tpu.memory_space<hbm>>) target(%dma_start3A_430 : memref<100x32xf32, #tpu.memory_space<vmem>>) offsets(%dma_start3A_433 : memref<100xi32, #tpu.memory_space<vmem>>) semaphore(%arg11 : memref<!tpu.dma_semaphore, #tpu.memory_space<semaphore_mem>>)
        %dma_start3A_437 = arith.constant 5 : i32
        %dma_start3A_438 = arith.constant 500 : i32
        %dma_start3A_439 = arith.constant 0 : i32
        %dma_start3A_440 = tpu.memref_slice %arg8[%dma_start3A_438, %dma_start3A_439] : memref<1600x32xf32, #tpu.memory_space<vmem>> -> memref<100x32xf32, #tpu.memory_space<vmem>>
        %dma_start3A_441 = arith.constant 0 : i32
        %dma_start3A_442 = tpu.memref_slice %arg6[%dma_start3A_437, %dma_start3A_441] : memref<16x100xi32, #tpu.memory_space<vmem>> -> memref<1x100xi32, #tpu.memory_space<vmem>>
        %dma_start3A_443 = tpu.memref_squeeze %dma_start3A_442 : memref<1x100xi32, #tpu.memory_space<vmem>> -> memref<100xi32, #tpu.memory_space<vmem>>
        %dma_start3A_444 = arith.constant 0 : i32
        %dma_start3A_445 = arith.constant 0 : i32
        %dma_start3A_446 = tpu.memref_slice %arg3[%dma_start3A_444, %dma_start3A_445] : memref<1000000x32xf32, #tpu.memory_space<hbm>> -> memref<1000000x32xf32, #tpu.memory_space<hbm>>
        tpu.enqueue_indirect_dma source(%dma_start3A_446 : memref<1000000x32xf32, #tpu.memory_space<hbm>>) target(%dma_start3A_440 : memref<100x32xf32, #tpu.memory_space<vmem>>) offsets(%dma_start3A_443 : memref<100xi32, #tpu.memory_space<vmem>>) semaphore(%arg11 : memref<!tpu.dma_semaphore, #tpu.memory_space<semaphore_mem>>)
        %dma_start3A_447 = arith.constant 6 : i32
        %dma_start3A_448 = arith.constant 600 : i32
        %dma_start3A_449 = arith.constant 0 : i32
        %dma_start3A_450 = tpu.memref_slice %arg8[%dma_start3A_448, %dma_start3A_449] : memref<1600x32xf32, #tpu.memory_space<vmem>> -> memref<100x32xf32, #tpu.memory_space<vmem>>
        %dma_start3A_451 = arith.constant 0 : i32
        %dma_start3A_452 = tpu.memref_slice %arg6[%dma_start3A_447, %dma_start3A_451] : memref<16x100xi32, #tpu.memory_space<vmem>> -> memref<1x100xi32, #tpu.memory_space<vmem>>
        %dma_start3A_453 = tpu.memref_squeeze %dma_start3A_452 : memref<1x100xi32, #tpu.memory_space<vmem>> -> memref<100xi32, #tpu.memory_space<vmem>>
        %dma_start3A_454 = arith.constant 0 : i32
        %dma_start3A_455 = arith.constant 0 : i32
        %dma_start3A_456 = tpu.memref_slice %arg3[%dma_start3A_454, %dma_start3A_455] : memref<1000000x32xf32, #tpu.memory_space<hbm>> -> memref<1000000x32xf32, #tpu.memory_space<hbm>>
        tpu.enqueue_indirect_dma source(%dma_start3A_456 : memref<1000000x32xf32, #tpu.memory_space<hbm>>) target(%dma_start3A_450 : memref<100x32xf32, #tpu.memory_space<vmem>>) offsets(%dma_start3A_453 : memref<100xi32, #tpu.memory_space<vmem>>) semaphore(%arg11 : memref<!tpu.dma_semaphore, #tpu.memory_space<semaphore_mem>>)
        %dma_start3A_457 = arith.constant 7 : i32
        %dma_start3A_458 = arith.constant 700 : i32
        %dma_start3A_459 = arith.constant 0 : i32
        %dma_start3A_460 = tpu.memref_slice %arg8[%dma_start3A_458, %dma_start3A_459] : memref<1600x32xf32, #tpu.memory_space<vmem>> -> memref<100x32xf32, #tpu.memory_space<vmem>>
        %dma_start3A_461 = arith.constant 0 : i32
        %dma_start3A_462 = tpu.memref_slice %arg6[%dma_start3A_457, %dma_start3A_461] : memref<16x100xi32, #tpu.memory_space<vmem>> -> memref<1x100xi32, #tpu.memory_space<vmem>>
        %dma_start3A_463 = tpu.memref_squeeze %dma_start3A_462 : memref<1x100xi32, #tpu.memory_space<vmem>> -> memref<100xi32, #tpu.memory_space<vmem>>
        %dma_start3A_464 = arith.constant 0 : i32
        %dma_start3A_465 = arith.constant 0 : i32
        %dma_start3A_466 = tpu.memref_slice %arg3[%dma_start3A_464, %dma_start3A_465] : memref<1000000x32xf32, #tpu.memory_space<hbm>> -> memref<1000000x32xf32, #tpu.memory_space<hbm>>
        tpu.enqueue_indirect_dma source(%dma_start3A_466 : memref<1000000x32xf32, #tpu.memory_space<hbm>>) target(%dma_start3A_460 : memref<100x32xf32, #tpu.memory_space<vmem>>) offsets(%dma_start3A_463 : memref<100xi32, #tpu.memory_space<vmem>>) semaphore(%arg11 : memref<!tpu.dma_semaphore, #tpu.memory_space<semaphore_mem>>)
        %dma_start3A_467 = arith.constant 8 : i32
        %dma_start3A_468 = arith.constant 800 : i32
        %dma_start3A_469 = arith.constant 0 : i32
        %dma_start3A_470 = tpu.memref_slice %arg8[%dma_start3A_468, %dma_start3A_469] : memref<1600x32xf32, #tpu.memory_space<vmem>> -> memref<100x32xf32, #tpu.memory_space<vmem>>
        %dma_start3A_471 = arith.constant 0 : i32
        %dma_start3A_472 = tpu.memref_slice %arg6[%dma_start3A_467, %dma_start3A_471] : memref<16x100xi32, #tpu.memory_space<vmem>> -> memref<1x100xi32, #tpu.memory_space<vmem>>
        %dma_start3A_473 = tpu.memref_squeeze %dma_start3A_472 : memref<1x100xi32, #tpu.memory_space<vmem>> -> memref<100xi32, #tpu.memory_space<vmem>>
        %dma_start3A_474 = arith.constant 0 : i32
        %dma_start3A_475 = arith.constant 0 : i32
        %dma_start3A_476 = tpu.memref_slice %arg3[%dma_start3A_474, %dma_start3A_475] : memref<1000000x32xf32, #tpu.memory_space<hbm>> -> memref<1000000x32xf32, #tpu.memory_space<hbm>>
        tpu.enqueue_indirect_dma source(%dma_start3A_476 : memref<1000000x32xf32, #tpu.memory_space<hbm>>) target(%dma_start3A_470 : memref<100x32xf32, #tpu.memory_space<vmem>>) offsets(%dma_start3A_473 : memref<100xi32, #tpu.memory_space<vmem>>) semaphore(%arg11 : memref<!tpu.dma_semaphore, #tpu.memory_space<semaphore_mem>>)
        %dma_start3A_477 = arith.constant 9 : i32
        %dma_start3A_478 = arith.constant 900 : i32
        %dma_start3A_479 = arith.constant 0 : i32
        %dma_start3A_480 = tpu.memref_slice %arg8[%dma_start3A_478, %dma_start3A_479] : memref<1600x32xf32, #tpu.memory_space<vmem>> -> memref<100x32xf32, #tpu.memory_space<vmem>>
        %dma_start3A_481 = arith.constant 0 : i32
        %dma_start3A_482 = tpu.memref_slice %arg6[%dma_start3A_477, %dma_start3A_481] : memref<16x100xi32, #tpu.memory_space<vmem>> -> memref<1x100xi32, #tpu.memory_space<vmem>>
        %dma_start3A_483 = tpu.memref_squeeze %dma_start3A_482 : memref<1x100xi32, #tpu.memory_space<vmem>> -> memref<100xi32, #tpu.memory_space<vmem>>
        %dma_start3A_484 = arith.constant 0 : i32
        %dma_start3A_485 = arith.constant 0 : i32
        %dma_start3A_486 = tpu.memref_slice %arg3[%dma_start3A_484, %dma_start3A_485] : memref<1000000x32xf32, #tpu.memory_space<hbm>> -> memref<1000000x32xf32, #tpu.memory_space<hbm>>
        tpu.enqueue_indirect_dma source(%dma_start3A_486 : memref<1000000x32xf32, #tpu.memory_space<hbm>>) target(%dma_start3A_480 : memref<100x32xf32, #tpu.memory_space<vmem>>) offsets(%dma_start3A_483 : memref<100xi32, #tpu.memory_space<vmem>>) semaphore(%arg11 : memref<!tpu.dma_semaphore, #tpu.memory_space<semaphore_mem>>)
        %dma_start3A_487 = arith.constant 10 : i32
        %dma_start3A_488 = arith.constant 1000 : i32
        %dma_start3A_489 = arith.constant 0 : i32
        %dma_start3A_490 = tpu.memref_slice %arg8[%dma_start3A_488, %dma_start3A_489] : memref<1600x32xf32, #tpu.memory_space<vmem>> -> memref<100x32xf32, #tpu.memory_space<vmem>>
        %dma_start3A_491 = arith.constant 0 : i32
        %dma_start3A_492 = tpu.memref_slice %arg6[%dma_start3A_487, %dma_start3A_491] : memref<16x100xi32, #tpu.memory_space<vmem>> -> memref<1x100xi32, #tpu.memory_space<vmem>>
        %dma_start3A_493 = tpu.memref_squeeze %dma_start3A_492 : memref<1x100xi32, #tpu.memory_space<vmem>> -> memref<100xi32, #tpu.memory_space<vmem>>
        %dma_start3A_494 = arith.constant 0 : i32
        %dma_start3A_495 = arith.constant 0 : i32
        %dma_start3A_496 = tpu.memref_slice %arg3[%dma_start3A_494, %dma_start3A_495] : memref<1000000x32xf32, #tpu.memory_space<hbm>> -> memref<1000000x32xf32, #tpu.memory_space<hbm>>
        tpu.enqueue_indirect_dma source(%dma_start3A_496 : memref<1000000x32xf32, #tpu.memory_space<hbm>>) target(%dma_start3A_490 : memref<100x32xf32, #tpu.memory_space<vmem>>) offsets(%dma_start3A_493 : memref<100xi32, #tpu.memory_space<vmem>>) semaphore(%arg11 : memref<!tpu.dma_semaphore, #tpu.memory_space<semaphore_mem>>)
        %dma_start3A_497 = arith.constant 11 : i32
        %dma_start3A_498 = arith.constant 1100 : i32
        %dma_start3A_499 = arith.constant 0 : i32
        %dma_start3A_500 = tpu.memref_slice %arg8[%dma_start3A_498, %dma_start3A_499] : memref<1600x32xf32, #tpu.memory_space<vmem>> -> memref<100x32xf32, #tpu.memory_space<vmem>>
        %dma_start3A_501 = arith.constant 0 : i32
        %dma_start3A_502 = tpu.memref_slice %arg6[%dma_start3A_497, %dma_start3A_501] : memref<16x100xi32, #tpu.memory_space<vmem>> -> memref<1x100xi32, #tpu.memory_space<vmem>>
        %dma_start3A_503 = tpu.memref_squeeze %dma_start3A_502 : memref<1x100xi32, #tpu.memory_space<vmem>> -> memref<100xi32, #tpu.memory_space<vmem>>
        %dma_start3A_504 = arith.constant 0 : i32
        %dma_start3A_505 = arith.constant 0 : i32
        %dma_start3A_506 = tpu.memref_slice %arg3[%dma_start3A_504, %dma_start3A_505] : memref<1000000x32xf32, #tpu.memory_space<hbm>> -> memref<1000000x32xf32, #tpu.memory_space<hbm>>
        tpu.enqueue_indirect_dma source(%dma_start3A_506 : memref<1000000x32xf32, #tpu.memory_space<hbm>>) target(%dma_start3A_500 : memref<100x32xf32, #tpu.memory_space<vmem>>) offsets(%dma_start3A_503 : memref<100xi32, #tpu.memory_space<vmem>>) semaphore(%arg11 : memref<!tpu.dma_semaphore, #tpu.memory_space<semaphore_mem>>)
        %dma_start3A_507 = arith.constant 12 : i32
        %dma_start3A_508 = arith.constant 1200 : i32
        %dma_start3A_509 = arith.constant 0 : i32
        %dma_start3A_510 = tpu.memref_slice %arg8[%dma_start3A_508, %dma_start3A_509] : memref<1600x32xf32, #tpu.memory_space<vmem>> -> memref<100x32xf32, #tpu.memory_space<vmem>>
        %dma_start3A_511 = arith.constant 0 : i32
        %dma_start3A_512 = tpu.memref_slice %arg6[%dma_start3A_507, %dma_start3A_511] : memref<16x100xi32, #tpu.memory_space<vmem>> -> memref<1x100xi32, #tpu.memory_space<vmem>>
        %dma_start3A_513 = tpu.memref_squeeze %dma_start3A_512 : memref<1x100xi32, #tpu.memory_space<vmem>> -> memref<100xi32, #tpu.memory_space<vmem>>
        %dma_start3A_514 = arith.constant 0 : i32
        %dma_start3A_515 = arith.constant 0 : i32
        %dma_start3A_516 = tpu.memref_slice %arg3[%dma_start3A_514, %dma_start3A_515] : memref<1000000x32xf32, #tpu.memory_space<hbm>> -> memref<1000000x32xf32, #tpu.memory_space<hbm>>
        tpu.enqueue_indirect_dma source(%dma_start3A_516 : memref<1000000x32xf32, #tpu.memory_space<hbm>>) target(%dma_start3A_510 : memref<100x32xf32, #tpu.memory_space<vmem>>) offsets(%dma_start3A_513 : memref<100xi32, #tpu.memory_space<vmem>>) semaphore(%arg11 : memref<!tpu.dma_semaphore, #tpu.memory_space<semaphore_mem>>)
        %dma_start3A_517 = arith.constant 13 : i32
        %dma_start3A_518 = arith.constant 1300 : i32
        %dma_start3A_519 = arith.constant 0 : i32
        %dma_start3A_520 = tpu.memref_slice %arg8[%dma_start3A_518, %dma_start3A_519] : memref<1600x32xf32, #tpu.memory_space<vmem>> -> memref<100x32xf32, #tpu.memory_space<vmem>>
        %dma_start3A_521 = arith.constant 0 : i32
        %dma_start3A_522 = tpu.memref_slice %arg6[%dma_start3A_517, %dma_start3A_521] : memref<16x100xi32, #tpu.memory_space<vmem>> -> memref<1x100xi32, #tpu.memory_space<vmem>>
        %dma_start3A_523 = tpu.memref_squeeze %dma_start3A_522 : memref<1x100xi32, #tpu.memory_space<vmem>> -> memref<100xi32, #tpu.memory_space<vmem>>
        %dma_start3A_524 = arith.constant 0 : i32
        %dma_start3A_525 = arith.constant 0 : i32
        %dma_start3A_526 = tpu.memref_slice %arg3[%dma_start3A_524, %dma_start3A_525] : memref<1000000x32xf32, #tpu.memory_space<hbm>> -> memref<1000000x32xf32, #tpu.memory_space<hbm>>
        tpu.enqueue_indirect_dma source(%dma_start3A_526 : memref<1000000x32xf32, #tpu.memory_space<hbm>>) target(%dma_start3A_520 : memref<100x32xf32, #tpu.memory_space<vmem>>) offsets(%dma_start3A_523 : memref<100xi32, #tpu.memory_space<vmem>>) semaphore(%arg11 : memref<!tpu.dma_semaphore, #tpu.memory_space<semaphore_mem>>)
        %dma_start3A_527 = arith.constant 14 : i32
        %dma_start3A_528 = arith.constant 1400 : i32
        %dma_start3A_529 = arith.constant 0 : i32
        %dma_start3A_530 = tpu.memref_slice %arg8[%dma_start3A_528, %dma_start3A_529] : memref<1600x32xf32, #tpu.memory_space<vmem>> -> memref<100x32xf32, #tpu.memory_space<vmem>>
        %dma_start3A_531 = arith.constant 0 : i32
        %dma_start3A_532 = tpu.memref_slice %arg6[%dma_start3A_527, %dma_start3A_531] : memref<16x100xi32, #tpu.memory_space<vmem>> -> memref<1x100xi32, #tpu.memory_space<vmem>>
        %dma_start3A_533 = tpu.memref_squeeze %dma_start3A_532 : memref<1x100xi32, #tpu.memory_space<vmem>> -> memref<100xi32, #tpu.memory_space<vmem>>
        %dma_start3A_534 = arith.constant 0 : i32
        %dma_start3A_535 = arith.constant 0 : i32
        %dma_start3A_536 = tpu.memref_slice %arg3[%dma_start3A_534, %dma_start3A_535] : memref<1000000x32xf32, #tpu.memory_space<hbm>> -> memref<1000000x32xf32, #tpu.memory_space<hbm>>
        tpu.enqueue_indirect_dma source(%dma_start3A_536 : memref<1000000x32xf32, #tpu.memory_space<hbm>>) target(%dma_start3A_530 : memref<100x32xf32, #tpu.memory_space<vmem>>) offsets(%dma_start3A_533 : memref<100xi32, #tpu.memory_space<vmem>>) semaphore(%arg11 : memref<!tpu.dma_semaphore, #tpu.memory_space<semaphore_mem>>)
        %dma_start3A_537 = arith.constant 15 : i32
        %dma_start3A_538 = arith.constant 1500 : i32
        %dma_start3A_539 = arith.constant 0 : i32
        %dma_start3A_540 = tpu.memref_slice %arg8[%dma_start3A_538, %dma_start3A_539] : memref<1600x32xf32, #tpu.memory_space<vmem>> -> memref<100x32xf32, #tpu.memory_space<vmem>>
        %dma_start3A_541 = arith.constant 0 : i32
        %dma_start3A_542 = tpu.memref_slice %arg6[%dma_start3A_537, %dma_start3A_541] : memref<16x100xi32, #tpu.memory_space<vmem>> -> memref<1x100xi32, #tpu.memory_space<vmem>>
        %dma_start3A_543 = tpu.memref_squeeze %dma_start3A_542 : memref<1x100xi32, #tpu.memory_space<vmem>> -> memref<100xi32, #tpu.memory_space<vmem>>
        %dma_start3A_544 = arith.constant 0 : i32
        %dma_start3A_545 = arith.constant 0 : i32
        %dma_start3A_546 = tpu.memref_slice %arg3[%dma_start3A_544, %dma_start3A_545] : memref<1000000x32xf32, #tpu.memory_space<hbm>> -> memref<1000000x32xf32, #tpu.memory_space<hbm>>
        tpu.enqueue_indirect_dma source(%dma_start3A_546 : memref<1000000x32xf32, #tpu.memory_space<hbm>>) target(%dma_start3A_540 : memref<100x32xf32, #tpu.memory_space<vmem>>) offsets(%dma_start3A_543 : memref<100xi32, #tpu.memory_space<vmem>>) semaphore(%arg11 : memref<!tpu.dma_semaphore, #tpu.memory_space<semaphore_mem>>)
      } else {
      }
      %add3A_361 = arith.constant 1 : i32
      %add3A_362 = arith.addi %mul3A_173, %add3A_361 : i32
      %dma_wait3A_363 = arith.constant 0 : i32
      %dma_wait3A_364 = arith.constant 0 : i32
      %dma_wait3A_365 = tpu.memref_slice %arg3[%dma_wait3A_363, %dma_wait3A_364] : memref<1000000x32xf32, #tpu.memory_space<hbm>> -> memref<1600x32xf32, #tpu.memory_space<hbm>>
      %dma_wait3A_366 = arith.constant 0 : i32
      %dma_wait3A_367 = arith.constant 0 : i32
      %dma_wait3A_368 = tpu.memref_slice %arg3[%dma_wait3A_366, %dma_wait3A_367] : memref<1000000x32xf32, #tpu.memory_space<hbm>> -> memref<1600x32xf32, #tpu.memory_space<hbm>>
      tpu.wait_dma2 semaphore(%arg12 : memref<!tpu.dma_semaphore, #tpu.memory_space<semaphore_mem>>) src(%dma_wait3A_368 : memref<1600x32xf32, #tpu.memory_space<hbm>>) dst(%arg9 : memref<1600x32xf32, #tpu.memory_space<vmem>>)
      %scan3A_369 = arith.constant 0 : i32
      %scan3A_370 = arith.constant 0 : i32
      %scan3A_371 = arith.constant 200 : i32
      %scan3A_372 = arith.addi %scan3A_370, %scan3A_371 : i32
      %scan3A_373 = arith.constant 1 : i32
      scf.for %scan3A_380 = %scan3A_370 to %scan3A_372 step %scan3A_373  : i32 {
        %get3A = arith.index_cast %scan3A_380 : i32 to index
        %get3A_381 = arith.constant 0 : index
        %get3A_382 = tpu.vector_load %arg10[%get3A, %get3A_381] {strides = array<i32>} : memref<200x32xf32, #tpu.memory_space<vmem>>, vector<1x16xf32>,
        %get3A_383 = vector.shape_cast %get3A_382 : vector<1x16xf32> to vector<16xf32>
        %get3A_384 = arith.index_cast %scan3A_380 : i32 to index
        %get3A_385 = arith.constant 16 : index
        %get3A_386 = tpu.vector_load %arg10[%get3A_384, %get3A_385] {strides = array<i32>} : memref<200x32xf32, #tpu.memory_space<vmem>>, vector<1x16xf32>,
        %get3A_387 = vector.shape_cast %get3A_386 : vector<1x16xf32> to vector<16xf32>
        %add3A_388 = arith.constant 0 : i32
        %add3A_389 = arith.addi %scan3A_380, %add3A_388 : i32
        %get3A_390 = arith.index_cast %add3A_389 : i32 to index
        %get3A_391 = arith.constant 0 : index
        %get3A_392 = tpu.vector_load %arg9[%get3A_390, %get3A_391] {strides = array<i32>} : memref<1600x32xf32, #tpu.memory_space<vmem>>, vector<1x16xf32>,
        %get3A_393 = vector.shape_cast %get3A_392 : vector<1x16xf32> to vector<16xf32>
        %mul3A_394 = arith.constant 5.65685415 : f32
        %mul3A_395 = vector.broadcast %mul3A_394 : f32 to vector<16xf32>
        %mul3A_396 = arith.mulf %get3A_393, %mul3A_395 : vector<16xf32>
        %add3A_397 = arith.addf %mul3A_396, %get3A_383 : vector<16xf32>
        %swap3A = arith.index_cast %add3A_389 : i32 to index
        %swap3A_398 = arith.constant 0 : index
        %swap3A_399 = tpu.vector_load %arg9[%swap3A, %swap3A_398] {strides = array<i32>} : memref<1600x32xf32, #tpu.memory_space<vmem>>, vector<1x16xf32>,
        %swap3A_400 = vector.shape_cast %swap3A_399 : vector<1x16xf32> to vector<16xf32>
        %swap3A_401 = vector.shape_cast %add3A_397 : vector<16xf32> to vector<1x16xf32>
        tpu.vector_store %arg9[%swap3A, %swap3A_398], %swap3A_401 {strides = array<i32>} : memref<1600x32xf32, #tpu.memory_space<vmem>>, vector<1x16xf32>,
        %get3A_402 = arith.index_cast %add3A_389 : i32 to index
        %get3A_403 = arith.constant 16 : index
        %get3A_404 = tpu.vector_load %arg9[%get3A_402, %get3A_403] {strides = array<i32>} : memref<1600x32xf32, #tpu.memory_space<vmem>>, vector<1x16xf32>,
        %get3A_405 = vector.shape_cast %get3A_404 : vector<1x16xf32> to vector<16xf32>
        %mul3A_406 = arith.constant 5.65685415 : f32
        %mul3A_407 = vector.broadcast %mul3A_406 : f32 to vector<16xf32>
        %mul3A_408 = arith.mulf %get3A_405, %mul3A_407 : vector<16xf32>
        %add3A_409 = arith.addf %mul3A_408, %get3A_387 : vector<16xf32>
        %swap3A_410 = arith.index_cast %add3A_389 : i32 to index
        %swap3A_411 = arith.constant 16 : index
        %swap3A_412 = tpu.vector_load %arg9[%swap3A_410, %swap3A_411] {strides = array<i32>} : memref<1600x32xf32, #tpu.memory_space<vmem>>, vector<1x16xf32>,
        %swap3A_413 = vector.shape_cast %swap3A_412 : vector<1x16xf32> to vector<16xf32>
        %swap3A_414 = vector.shape_cast %add3A_409 : vector<16xf32> to vector<1x16xf32>
        tpu.vector_store %arg9[%swap3A_410, %swap3A_411], %swap3A_414 {strides = array<i32>} : memref<1600x32xf32, #tpu.memory_space<vmem>>, vector<1x16xf32>,
        %add3A_415 = arith.constant 200 : i32
        %add3A_416 = arith.addi %scan3A_380, %add3A_415 : i32
        %get3A_417 = arith.index_cast %add3A_416 : i32 to index
        %get3A_418 = arith.constant 0 : index
        %get3A_419 = tpu.vector_load %arg9[%get3A_417, %get3A_418] {strides = array<i32>} : memref<1600x32xf32, #tpu.memory_space<vmem>>, vector<1x16xf32>,
        %get3A_420 = vector.shape_cast %get3A_419 : vector<1x16xf32> to vector<16xf32>
        %mul3A_421 = arith.constant 5.65685415 : f32
        %mul3A_422 = vector.broadcast %mul3A_421 : f32 to vector<16xf32>
        %mul3A_423 = arith.mulf %get3A_420, %mul3A_422 : vector<16xf32>
        %add3A_424 = arith.addf %mul3A_423, %get3A_383 : vector<16xf32>
        %swap3A_425 = arith.index_cast %add3A_416 : i32 to index
        %swap3A_426 = arith.constant 0 : index
        %swap3A_427 = tpu.vector_load %arg9[%swap3A_425, %swap3A_426] {strides = array<i32>} : memref<1600x32xf32, #tpu.memory_space<vmem>>, vector<1x16xf32>,
        %swap3A_428 = vector.shape_cast %swap3A_427 : vector<1x16xf32> to vector<16xf32>
        %swap3A_429 = vector.shape_cast %add3A_424 : vector<16xf32> to vector<1x16xf32>
        tpu.vector_store %arg9[%swap3A_425, %swap3A_426], %swap3A_429 {strides = array<i32>} : memref<1600x32xf32, #tpu.memory_space<vmem>>, vector<1x16xf32>,
        %get3A_430 = arith.index_cast %add3A_416 : i32 to index
        %get3A_431 = arith.constant 16 : index
        %get3A_432 = tpu.vector_load %arg9[%get3A_430, %get3A_431] {strides = array<i32>} : memref<1600x32xf32, #tpu.memory_space<vmem>>, vector<1x16xf32>,
        %get3A_433 = vector.shape_cast %get3A_432 : vector<1x16xf32> to vector<16xf32>
        %mul3A_434 = arith.constant 5.65685415 : f32
        %mul3A_435 = vector.broadcast %mul3A_434 : f32 to vector<16xf32>
        %mul3A_436 = arith.mulf %get3A_433, %mul3A_435 : vector<16xf32>
        %add3A_437 = arith.addf %mul3A_436, %get3A_387 : vector<16xf32>
        %swap3A_438 = arith.index_cast %add3A_416 : i32 to index
        %swap3A_439 = arith.constant 16 : index
        %swap3A_440 = tpu.vector_load %arg9[%swap3A_438, %swap3A_439] {strides = array<i32>} : memref<1600x32xf32, #tpu.memory_space<vmem>>, vector<1x16xf32>,
        %swap3A_441 = vector.shape_cast %swap3A_440 : vector<1x16xf32> to vector<16xf32>
        %swap3A_442 = vector.shape_cast %add3A_437 : vector<16xf32> to vector<1x16xf32>
        tpu.vector_store %arg9[%swap3A_438, %swap3A_439], %swap3A_442 {strides = array<i32>} : memref<1600x32xf32, #tpu.memory_space<vmem>>, vector<1x16xf32>,
        %add3A_443 = arith.constant 400 : i32
        %add3A_444 = arith.addi %scan3A_380, %add3A_443 : i32
        %get3A_445 = arith.index_cast %add3A_444 : i32 to index
        %get3A_446 = arith.constant 0 : index
        %get3A_447 = tpu.vector_load %arg9[%get3A_445, %get3A_446] {strides = array<i32>} : memref<1600x32xf32, #tpu.memory_space<vmem>>, vector<1x16xf32>,
        %get3A_448 = vector.shape_cast %get3A_447 : vector<1x16xf32> to vector<16xf32>
        %mul3A_449 = arith.constant 5.65685415 : f32
        %mul3A_450 = vector.broadcast %mul3A_449 : f32 to vector<16xf32>
        %mul3A_451 = arith.mulf %get3A_448, %mul3A_450 : vector<16xf32>
        %add3A_452 = arith.addf %mul3A_451, %get3A_383 : vector<16xf32>
        %swap3A_453 = arith.index_cast %add3A_444 : i32 to index
        %swap3A_454 = arith.constant 0 : index
        %swap3A_455 = tpu.vector_load %arg9[%swap3A_453, %swap3A_454] {strides = array<i32>} : memref<1600x32xf32, #tpu.memory_space<vmem>>, vector<1x16xf32>,
        %swap3A_456 = vector.shape_cast %swap3A_455 : vector<1x16xf32> to vector<16xf32>
        %swap3A_457 = vector.shape_cast %add3A_452 : vector<16xf32> to vector<1x16xf32>
        tpu.vector_store %arg9[%swap3A_453, %swap3A_454], %swap3A_457 {strides = array<i32>} : memref<1600x32xf32, #tpu.memory_space<vmem>>, vector<1x16xf32>,
        %get3A_458 = arith.index_cast %add3A_444 : i32 to index
        %get3A_459 = arith.constant 16 : index
        %get3A_460 = tpu.vector_load %arg9[%get3A_458, %get3A_459] {strides = array<i32>} : memref<1600x32xf32, #tpu.memory_space<vmem>>, vector<1x16xf32>,
        %get3A_461 = vector.shape_cast %get3A_460 : vector<1x16xf32> to vector<16xf32>
        %mul3A_462 = arith.constant 5.65685415 : f32
        %mul3A_463 = vector.broadcast %mul3A_462 : f32 to vector<16xf32>
        %mul3A_464 = arith.mulf %get3A_461, %mul3A_463 : vector<16xf32>
        %add3A_465 = arith.addf %mul3A_464, %get3A_387 : vector<16xf32>
        %swap3A_466 = arith.index_cast %add3A_444 : i32 to index
        %swap3A_467 = arith.constant 16 : index
        %swap3A_468 = tpu.vector_load %arg9[%swap3A_466, %swap3A_467] {strides = array<i32>} : memref<1600x32xf32, #tpu.memory_space<vmem>>, vector<1x16xf32>,
        %swap3A_469 = vector.shape_cast %swap3A_468 : vector<1x16xf32> to vector<16xf32>
        %swap3A_470 = vector.shape_cast %add3A_465 : vector<16xf32> to vector<1x16xf32>
        tpu.vector_store %arg9[%swap3A_466, %swap3A_467], %swap3A_470 {strides = array<i32>} : memref<1600x32xf32, #tpu.memory_space<vmem>>, vector<1x16xf32>,
        %add3A_471 = arith.constant 600 : i32
        %add3A_472 = arith.addi %scan3A_380, %add3A_471 : i32
        %get3A_473 = arith.index_cast %add3A_472 : i32 to index
        %get3A_474 = arith.constant 0 : index
        %get3A_475 = tpu.vector_load %arg9[%get3A_473, %get3A_474] {strides = array<i32>} : memref<1600x32xf32, #tpu.memory_space<vmem>>, vector<1x16xf32>,
        %get3A_476 = vector.shape_cast %get3A_475 : vector<1x16xf32> to vector<16xf32>
        %mul3A_477 = arith.constant 5.65685415 : f32
        %mul3A_478 = vector.broadcast %mul3A_477 : f32 to vector<16xf32>
        %mul3A_479 = arith.mulf %get3A_476, %mul3A_478 : vector<16xf32>
        %add3A_480 = arith.addf %mul3A_479, %get3A_383 : vector<16xf32>
        %swap3A_481 = arith.index_cast %add3A_472 : i32 to index
        %swap3A_482 = arith.constant 0 : index
        %swap3A_483 = tpu.vector_load %arg9[%swap3A_481, %swap3A_482] {strides = array<i32>} : memref<1600x32xf32, #tpu.memory_space<vmem>>, vector<1x16xf32>,
        %swap3A_484 = vector.shape_cast %swap3A_483 : vector<1x16xf32> to vector<16xf32>
        %swap3A_485 = vector.shape_cast %add3A_480 : vector<16xf32> to vector<1x16xf32>
        tpu.vector_store %arg9[%swap3A_481, %swap3A_482], %swap3A_485 {strides = array<i32>} : memref<1600x32xf32, #tpu.memory_space<vmem>>, vector<1x16xf32>,
        %get3A_486 = arith.index_cast %add3A_472 : i32 to index
        %get3A_487 = arith.constant 16 : index
        %get3A_488 = tpu.vector_load %arg9[%get3A_486, %get3A_487] {strides = array<i32>} : memref<1600x32xf32, #tpu.memory_space<vmem>>, vector<1x16xf32>,
        %get3A_489 = vector.shape_cast %get3A_488 : vector<1x16xf32> to vector<16xf32>
        %mul3A_490 = arith.constant 5.65685415 : f32
        %mul3A_491 = vector.broadcast %mul3A_490 : f32 to vector<16xf32>
        %mul3A_492 = arith.mulf %get3A_489, %mul3A_491 : vector<16xf32>
        %add3A_493 = arith.addf %mul3A_492, %get3A_387 : vector<16xf32>
        %swap3A_494 = arith.index_cast %add3A_472 : i32 to index
        %swap3A_495 = arith.constant 16 : index
        %swap3A_496 = tpu.vector_load %arg9[%swap3A_494, %swap3A_495] {strides = array<i32>} : memref<1600x32xf32, #tpu.memory_space<vmem>>, vector<1x16xf32>,
        %swap3A_497 = vector.shape_cast %swap3A_496 : vector<1x16xf32> to vector<16xf32>
        %swap3A_498 = vector.shape_cast %add3A_493 : vector<16xf32> to vector<1x16xf32>
        tpu.vector_store %arg9[%swap3A_494, %swap3A_495], %swap3A_498 {strides = array<i32>} : memref<1600x32xf32, #tpu.memory_space<vmem>>, vector<1x16xf32>,
        %add3A_499 = arith.constant 800 : i32
        %add3A_500 = arith.addi %scan3A_380, %add3A_499 : i32
        %get3A_501 = arith.index_cast %add3A_500 : i32 to index
        %get3A_502 = arith.constant 0 : index
        %get3A_503 = tpu.vector_load %arg9[%get3A_501, %get3A_502] {strides = array<i32>} : memref<1600x32xf32, #tpu.memory_space<vmem>>, vector<1x16xf32>,
        %get3A_504 = vector.shape_cast %get3A_503 : vector<1x16xf32> to vector<16xf32>
        %mul3A_505 = arith.constant 5.65685415 : f32
        %mul3A_506 = vector.broadcast %mul3A_505 : f32 to vector<16xf32>
        %mul3A_507 = arith.mulf %get3A_504, %mul3A_506 : vector<16xf32>
        %add3A_508 = arith.addf %mul3A_507, %get3A_383 : vector<16xf32>
        %swap3A_509 = arith.index_cast %add3A_500 : i32 to index
        %swap3A_510 = arith.constant 0 : index
        %swap3A_511 = tpu.vector_load %arg9[%swap3A_509, %swap3A_510] {strides = array<i32>} : memref<1600x32xf32, #tpu.memory_space<vmem>>, vector<1x16xf32>,
        %swap3A_512 = vector.shape_cast %swap3A_511 : vector<1x16xf32> to vector<16xf32>
        %swap3A_513 = vector.shape_cast %add3A_508 : vector<16xf32> to vector<1x16xf32>
        tpu.vector_store %arg9[%swap3A_509, %swap3A_510], %swap3A_513 {strides = array<i32>} : memref<1600x32xf32, #tpu.memory_space<vmem>>, vector<1x16xf32>,
        %get3A_514 = arith.index_cast %add3A_500 : i32 to index
        %get3A_515 = arith.constant 16 : index
        %get3A_516 = tpu.vector_load %arg9[%get3A_514, %get3A_515] {strides = array<i32>} : memref<1600x32xf32, #tpu.memory_space<vmem>>, vector<1x16xf32>,
        %get3A_517 = vector.shape_cast %get3A_516 : vector<1x16xf32> to vector<16xf32>
        %mul3A_518 = arith.constant 5.65685415 : f32
        %mul3A_519 = vector.broadcast %mul3A_518 : f32 to vector<16xf32>
        %mul3A_520 = arith.mulf %get3A_517, %mul3A_519 : vector<16xf32>
        %add3A_521 = arith.addf %mul3A_520, %get3A_387 : vector<16xf32>
        %swap3A_522 = arith.index_cast %add3A_500 : i32 to index
        %swap3A_523 = arith.constant 16 : index
        %swap3A_524 = tpu.vector_load %arg9[%swap3A_522, %swap3A_523] {strides = array<i32>} : memref<1600x32xf32, #tpu.memory_space<vmem>>, vector<1x16xf32>,
        %swap3A_525 = vector.shape_cast %swap3A_524 : vector<1x16xf32> to vector<16xf32>
        %swap3A_526 = vector.shape_cast %add3A_521 : vector<16xf32> to vector<1x16xf32>
        tpu.vector_store %arg9[%swap3A_522, %swap3A_523], %swap3A_526 {strides = array<i32>} : memref<1600x32xf32, #tpu.memory_space<vmem>>, vector<1x16xf32>,
        %add3A_527 = arith.constant 1000 : i32
        %add3A_528 = arith.addi %scan3A_380, %add3A_527 : i32
        %get3A_529 = arith.index_cast %add3A_528 : i32 to index
        %get3A_530 = arith.constant 0 : index
        %get3A_531 = tpu.vector_load %arg9[%get3A_529, %get3A_530] {strides = array<i32>} : memref<1600x32xf32, #tpu.memory_space<vmem>>, vector<1x16xf32>,
        %get3A_532 = vector.shape_cast %get3A_531 : vector<1x16xf32> to vector<16xf32>
        %mul3A_533 = arith.constant 5.65685415 : f32
        %mul3A_534 = vector.broadcast %mul3A_533 : f32 to vector<16xf32>
        %mul3A_535 = arith.mulf %get3A_532, %mul3A_534 : vector<16xf32>
        %add3A_536 = arith.addf %mul3A_535, %get3A_383 : vector<16xf32>
        %swap3A_537 = arith.index_cast %add3A_528 : i32 to index
        %swap3A_538 = arith.constant 0 : index
        %swap3A_539 = tpu.vector_load %arg9[%swap3A_537, %swap3A_538] {strides = array<i32>} : memref<1600x32xf32, #tpu.memory_space<vmem>>, vector<1x16xf32>,
        %swap3A_540 = vector.shape_cast %swap3A_539 : vector<1x16xf32> to vector<16xf32>
        %swap3A_541 = vector.shape_cast %add3A_536 : vector<16xf32> to vector<1x16xf32>
        tpu.vector_store %arg9[%swap3A_537, %swap3A_538], %swap3A_541 {strides = array<i32>} : memref<1600x32xf32, #tpu.memory_space<vmem>>, vector<1x16xf32>,
        %get3A_542 = arith.index_cast %add3A_528 : i32 to index
        %get3A_543 = arith.constant 16 : index
        %get3A_544 = tpu.vector_load %arg9[%get3A_542, %get3A_543] {strides = array<i32>} : memref<1600x32xf32, #tpu.memory_space<vmem>>, vector<1x16xf32>,
        %get3A_545 = vector.shape_cast %get3A_544 : vector<1x16xf32> to vector<16xf32>
        %mul3A_546 = arith.constant 5.65685415 : f32
        %mul3A_547 = vector.broadcast %mul3A_546 : f32 to vector<16xf32>
        %mul3A_548 = arith.mulf %get3A_545, %mul3A_547 : vector<16xf32>
        %add3A_549 = arith.addf %mul3A_548, %get3A_387 : vector<16xf32>
        %swap3A_550 = arith.index_cast %add3A_528 : i32 to index
        %swap3A_551 = arith.constant 16 : index
        %swap3A_552 = tpu.vector_load %arg9[%swap3A_550, %swap3A_551] {strides = array<i32>} : memref<1600x32xf32, #tpu.memory_space<vmem>>, vector<1x16xf32>,
        %swap3A_553 = vector.shape_cast %swap3A_552 : vector<1x16xf32> to vector<16xf32>
        %swap3A_554 = vector.shape_cast %add3A_549 : vector<16xf32> to vector<1x16xf32>
        tpu.vector_store %arg9[%swap3A_550, %swap3A_551], %swap3A_554 {strides = array<i32>} : memref<1600x32xf32, #tpu.memory_space<vmem>>, vector<1x16xf32>,
        %add3A_555 = arith.constant 1200 : i32
        %add3A_556 = arith.addi %scan3A_380, %add3A_555 : i32
        %get3A_557 = arith.index_cast %add3A_556 : i32 to index
        %get3A_558 = arith.constant 0 : index
        %get3A_559 = tpu.vector_load %arg9[%get3A_557, %get3A_558] {strides = array<i32>} : memref<1600x32xf32, #tpu.memory_space<vmem>>, vector<1x16xf32>,
        %get3A_560 = vector.shape_cast %get3A_559 : vector<1x16xf32> to vector<16xf32>
        %mul3A_561 = arith.constant 5.65685415 : f32
        %mul3A_562 = vector.broadcast %mul3A_561 : f32 to vector<16xf32>
        %mul3A_563 = arith.mulf %get3A_560, %mul3A_562 : vector<16xf32>
        %add3A_564 = arith.addf %mul3A_563, %get3A_383 : vector<16xf32>
        %swap3A_565 = arith.index_cast %add3A_556 : i32 to index
        %swap3A_566 = arith.constant 0 : index
        %swap3A_567 = tpu.vector_load %arg9[%swap3A_565, %swap3A_566] {strides = array<i32>} : memref<1600x32xf32, #tpu.memory_space<vmem>>, vector<1x16xf32>,
        %swap3A_568 = vector.shape_cast %swap3A_567 : vector<1x16xf32> to vector<16xf32>
        %swap3A_569 = vector.shape_cast %add3A_564 : vector<16xf32> to vector<1x16xf32>
        tpu.vector_store %arg9[%swap3A_565, %swap3A_566], %swap3A_569 {strides = array<i32>} : memref<1600x32xf32, #tpu.memory_space<vmem>>, vector<1x16xf32>,
        %get3A_570 = arith.index_cast %add3A_556 : i32 to index
        %get3A_571 = arith.constant 16 : index
        %get3A_572 = tpu.vector_load %arg9[%get3A_570, %get3A_571] {strides = array<i32>} : memref<1600x32xf32, #tpu.memory_space<vmem>>, vector<1x16xf32>,
        %get3A_573 = vector.shape_cast %get3A_572 : vector<1x16xf32> to vector<16xf32>
        %mul3A_574 = arith.constant 5.65685415 : f32
        %mul3A_575 = vector.broadcast %mul3A_574 : f32 to vector<16xf32>
        %mul3A_576 = arith.mulf %get3A_573, %mul3A_575 : vector<16xf32>
        %add3A_577 = arith.addf %mul3A_576, %get3A_387 : vector<16xf32>
        %swap3A_578 = arith.index_cast %add3A_556 : i32 to index
        %swap3A_579 = arith.constant 16 : index
        %swap3A_580 = tpu.vector_load %arg9[%swap3A_578, %swap3A_579] {strides = array<i32>} : memref<1600x32xf32, #tpu.memory_space<vmem>>, vector<1x16xf32>,
        %swap3A_581 = vector.shape_cast %swap3A_580 : vector<1x16xf32> to vector<16xf32>
        %swap3A_582 = vector.shape_cast %add3A_577 : vector<16xf32> to vector<1x16xf32>
        tpu.vector_store %arg9[%swap3A_578, %swap3A_579], %swap3A_582 {strides = array<i32>} : memref<1600x32xf32, #tpu.memory_space<vmem>>, vector<1x16xf32>,
        %add3A_583 = arith.constant 1400 : i32
        %add3A_584 = arith.addi %scan3A_380, %add3A_583 : i32
        %get3A_585 = arith.index_cast %add3A_584 : i32 to index
        %get3A_586 = arith.constant 0 : index
        %get3A_587 = tpu.vector_load %arg9[%get3A_585, %get3A_586] {strides = array<i32>} : memref<1600x32xf32, #tpu.memory_space<vmem>>, vector<1x16xf32>,
        %get3A_588 = vector.shape_cast %get3A_587 : vector<1x16xf32> to vector<16xf32>
        %mul3A_589 = arith.constant 5.65685415 : f32
        %mul3A_590 = vector.broadcast %mul3A_589 : f32 to vector<16xf32>
        %mul3A_591 = arith.mulf %get3A_588, %mul3A_590 : vector<16xf32>
        %add3A_592 = arith.addf %mul3A_591, %get3A_383 : vector<16xf32>
        %swap3A_593 = arith.index_cast %add3A_584 : i32 to index
        %swap3A_594 = arith.constant 0 : index
        %swap3A_595 = tpu.vector_load %arg9[%swap3A_593, %swap3A_594] {strides = array<i32>} : memref<1600x32xf32, #tpu.memory_space<vmem>>, vector<1x16xf32>,
        %swap3A_596 = vector.shape_cast %swap3A_595 : vector<1x16xf32> to vector<16xf32>
        %swap3A_597 = vector.shape_cast %add3A_592 : vector<16xf32> to vector<1x16xf32>
        tpu.vector_store %arg9[%swap3A_593, %swap3A_594], %swap3A_597 {strides = array<i32>} : memref<1600x32xf32, #tpu.memory_space<vmem>>, vector<1x16xf32>,
        %get3A_598 = arith.index_cast %add3A_584 : i32 to index
        %get3A_599 = arith.constant 16 : index
        %get3A_600 = tpu.vector_load %arg9[%get3A_598, %get3A_599] {strides = array<i32>} : memref<1600x32xf32, #tpu.memory_space<vmem>>, vector<1x16xf32>,
        %get3A_601 = vector.shape_cast %get3A_600 : vector<1x16xf32> to vector<16xf32>
        %mul3A_602 = arith.constant 5.65685415 : f32
        %mul3A_603 = vector.broadcast %mul3A_602 : f32 to vector<16xf32>
        %mul3A_604 = arith.mulf %get3A_601, %mul3A_603 : vector<16xf32>
        %add3A_605 = arith.addf %mul3A_604, %get3A_387 : vector<16xf32>
        %swap3A_606 = arith.index_cast %add3A_584 : i32 to index
        %swap3A_607 = arith.constant 16 : index
        %swap3A_608 = tpu.vector_load %arg9[%swap3A_606, %swap3A_607] {strides = array<i32>} : memref<1600x32xf32, #tpu.memory_space<vmem>>, vector<1x16xf32>,
        %swap3A_609 = vector.shape_cast %swap3A_608 : vector<1x16xf32> to vector<16xf32>
        %swap3A_610 = vector.shape_cast %add3A_605 : vector<16xf32> to vector<1x16xf32>
        tpu.vector_store %arg9[%swap3A_606, %swap3A_607], %swap3A_610 {strides = array<i32>} : memref<1600x32xf32, #tpu.memory_space<vmem>>, vector<1x16xf32>,
      }
      %scan3A_374 = arith.constant 200 : i32
      %mul3A_375 = arith.constant 16 : i32
      %mul3A_376 = arith.muli %add3A, %mul3A_375 : i32
      %add3A_377 = arith.addi %mul3A_376, %add3A_362 : i32
      %mul3A_378 = arith.constant 1600 : i32
      %mul3A_379 = arith.muli %add3A_377, %mul3A_378 : i32
      "tpu.region"() ({
        %run_scoped3A = tpu.sem_alloc : memref<!tpu.dma_semaphore, #tpu.memory_space<semaphore_mem>>
        %dma_start3A_380 = arith.constant 0 : i32
        %dma_start3A_381 = tpu.memref_slice %arg5[%mul3A_379, %dma_start3A_380] : memref<819200x32xf32, #tpu.memory_space<hbm>> -> memref<1600x32xf32, #tpu.memory_space<hbm>>
        %dma_start3A_382 = arith.constant 0 : i32
        %dma_start3A_383 = tpu.memref_slice %arg5[%mul3A_379, %dma_start3A_382] : memref<819200x32xf32, #tpu.memory_space<hbm>> -> memref<1600x32xf32, #tpu.memory_space<hbm>>
        tpu.enqueue_dma source(%arg9 : memref<1600x32xf32, #tpu.memory_space<vmem>>) target(%dma_start3A_383 : memref<1600x32xf32, #tpu.memory_space<hbm>>) target_semaphore(%run_scoped3A : memref<!tpu.dma_semaphore, #tpu.memory_space<semaphore_mem>>)
        %dma_wait3A_384 = arith.constant 0 : i32
        %dma_wait3A_385 = tpu.memref_slice %arg5[%mul3A_379, %dma_wait3A_384] : memref<819200x32xf32, #tpu.memory_space<hbm>> -> memref<1600x32xf32, #tpu.memory_space<hbm>>
        %dma_wait3A_386 = arith.constant 0 : i32
        %dma_wait3A_387 = tpu.memref_slice %arg5[%mul3A_379, %dma_wait3A_386] : memref<819200x32xf32, #tpu.memory_space<hbm>> -> memref<1600x32xf32, #tpu.memory_space<hbm>>
        tpu.wait_dma2 semaphore(%run_scoped3A : memref<!tpu.dma_semaphore, #tpu.memory_space<semaphore_mem>>) src(%arg9 : memref<1600x32xf32, #tpu.memory_space<vmem>>) dst(%dma_wait3A_387 : memref<1600x32xf32, #tpu.memory_space<hbm>>)
        tpu.yield
      }) : () -> ()
    }
    %scan3A_170 = arith.constant 8 : i32
    return
  }
}

</mosaic_0001>

<sc_bundles>
// kernel: kernel.4.cloned.1.call-start
scs
__scs_entry_jumppad:
0x0: {  	(pc) =	sbr.rel $0x88, $3  }
0x1: {  	(tag) =	ssettag $0x0;
	lr =	simm.s32 $0x1  }
0x2: {  	[smem:$0x3F9E] =	sst lr;
	_ =	strace $0xD0000000  }
0x3: {  	_ = 	snop  }
0x4: {  	_ = 	snop  }
0x5: {  	_ = 	snop  }
0x6: {  	_ = 	snop  }
0x7: {  	_ = 	snop  }
__scs_overlays_trampoline_lowered:
0x8: {  	[smem:$0x3FAD] =	sst s0  }
0x9: {  	[smem:$0x3FAE] =	sst s1  }
0xa: {  	[smem:$0x3FAF] =	sst s2  }
0xb: {  	[smem:$0x3FB0] =	sst s3  }
0xc: {  	[smem:$0x3FB1] =	sst s4  }
0xd: {  	[smem:$0x3FB2] =	sst s5  }
0xe: {  	[smem:$0x3FB3] =	sst s6  }
0xf: {  	[smem:$0x3FB4] =	sst s7  }
0x10: {  	[smem:$0x3FB5] =	sst s8  }
0x11: {  	[smem:$0x3FB6] =	sst s9;
	s0 =	simm.s32 @!p0 $0x0  }
0x12: {  	s1 =	sld [smem:$0x3F9C];
	s0 =	simm.s32 @p0 $0x1  }
0x13: {  	[smem:$0x3FB7] =	sst s0;
	s0 =	simm.s32 @!p1 $0x0  }
0x14: {  	s2 =	sld [smem:$0x3F9B];
	s0 =	simm.s32 @p1 $0x1  }
0x15: {  	[smem:$0x3FB8] =	sst s0;
	s0 =	simm.s32 @!p2 $0x0  }
0x16: {  	s3 =	sld [smem:$0x3FDB];
	s0 =	simm.s32 @p2 $0x1  }
0x17: {  	s4 =	simm.s32 $0x1BF5;
	[smem:$0x3FBA] =	sst s0  }
0x18: {  	s0 =	sld [smem:$0x3F9D];
	_ =	swait.ge [sflag:s4], $0x0  }
0x19: {  	s7 =	sld [smem:$0x3F9E]  }
0x1a: {  	s8 =	sadd.s32 $0xFFFFE003, lr  }
0x1b: {  	s9 =	sadd.s32 $0xFFFFFEF7, lr;
	s5 =	simm.s32 $0xFFFFFFFF;
	p2 =	slt.u32 s8, $0xFFFFF086  }
0x1c: {  	p1 =	slt.u32 s9, $0xF7A;
	s5 =	simm.s32 @!p2 $0x0  }
0x1d: {  	s5 =	simm.s32 @p1 $0x1;
	p0 =	seq.s32 s7, s2  }
0x1e: {  	s7 =	smul.u32 @!p0 $0xF7A, s2;
	p2 =	seq.s32 @!p0 s5, $0x0  }
0x1f: {  	s9 =	smul.u32 $0xF7A, s1;
	s8 =	simm.s32 @!p0 $0x1BF5;
	p2 =	por !p2, p0  }
0x20: {  	[sflag:s8] =	ssyncset.s32 @!p0 $0xFFFFF086;
	s6 =	sadd.s32 @!p0 s3, s7;
	s7 =	simm.s32 @!p0 $0x108  }
0x21: {  	s3 =	sadd.s32 s3, s9;
	s6 =	sadd.s32 @!p0 $0x88, s6;
	s7 =	simm.s32 @p2 $0x1082  }
0x22: {  	[simem:s7], [sflag:s8] =	dma.local @!p0 [hbm:s6], $0xF7A  }
0x23: {  	s9 =	sor.u32 $0xD0000000, s2;
	s6 =	simm.s32 $0x108;
	_ =	swait.ge @!p0 [sflag:s8], $0x0  }
0x24: {  	s3 =	sadd.s32 $0x88, s3;
	s6 =	simm.s32 @!p1 $0x1082;
	[sflag:s4] =	ssyncset.s32 $0xFFFFF086  }
0x25: {  	[simem:s6], [sflag:s4] =	dma.local [hbm:s3], $0xF7A  }
0x26: {  	[smem:$0x3F9E] =	sst s1;
	(tag) =	ssettag s2;
	_ =	strace s9  }
0x27: {  	s1 =	sld [smem:$0x3FAE]  }
0x28: {  	s2 =	sld [smem:$0x3FAF]  }
0x29: {  	s4 =	sld [smem:$0x3FB1]  }
0x2a: {  	p0 =	seq.s32 s5, $0x0;
	s5 =	sld [smem:$0x3FB2]  }
0x2b: {  	s6 =	sld [smem:$0x3FB3]  }
0x2c: {  	s7 =	sld [smem:$0x3FB4]  }
0x2d: {  	s3 =	simm.s32 $0x108;
	s8 =	sld [smem:$0x3FB5]  }
0x2e: {  	s3 =	simm.s32 @!p0 $0x1082;
	s9 =	sld [smem:$0x3FB6]  }
0x2f: {  	lr =	sadd.s32 s0, s3;
	s0 =	sld [smem:$0x3FAD]  }
0x30: {  	s3 =	sld [smem:$0x3FB0]  }
0x31: {  	[smem:$0x3FB9] =	sst s10  }
0x32: {  	s10 =	sld [smem:$0x3FB7];
	_ =	sdelay $0x3  }
0x33: {  	p0 =	seq.s32 s10, $0x1;
	s10 =	sld [smem:$0x3FB9];
	_ =	sdelay $0x3  }
0x34: {  	[smem:$0x3FB9] =	sst s10  }
0x35: {  	s10 =	sld [smem:$0x3FB8];
	_ =	sdelay $0x3  }
0x36: {  	p1 =	seq.s32 s10, $0x1;
	s10 =	sld [smem:$0x3FB9];
	_ =	sdelay $0x3  }
0x37: {  	[smem:$0x3FB9] =	sst s10  }
0x38: {  	s10 =	sld [smem:$0x3FBA]  }
0x39: {  	_ = 	snop;
	(pc) =	sbr.ind lr, $3  }
0x3a: {  	_ = 	snop  }
0x3b: {  	_ = 	snop  }
0x3c: {  	p2 =	seq.s32 s10, $0x1;
	s10 =	sld [smem:$0x3FB9]  }
0x3d: {  	_ =	shalt  }
0x3e: {  	_ =	shalt  }
0x3f: {  	_ =	shalt  }
0x40: {  	_ =	shalt  }
0x41: {  	_ =	shalt  }
0x42: {  	_ =	shalt  }
0x43: {  	_ =	shalt  }
0x44: {  	_ =	shalt  }
0x45: {  	_ =	shalt  }
0x46: {  	_ =	shalt  }
0x47: {  	_ =	shalt  }
0x48: {  	_ =	shalt  }
0x49: {  	_ =	shalt  }
0x4a: {  	_ =	shalt  }
0x4b: {  	_ =	shalt  }
0x4c: {  	_ =	shalt  }
0x4d: {  	_ =	shalt  }
0x4e: {  	_ =	shalt  }
0x4f: {  	_ =	shalt  }
0x50: {  	_ =	shalt  }
0x51: {  	_ =	shalt  }
0x52: {  	_ =	shalt  }
0x53: {  	_ =	shalt  }
0x54: {  	_ =	shalt  }
0x55: {  	_ =	shalt  }
0x56: {  	_ =	shalt  }
0x57: {  	_ =	shalt  }
0x58: {  	_ =	shalt  }
0x59: {  	_ =	shalt  }
0x5a: {  	_ =	shalt  }
0x5b: {  	_ =	shalt  }
0x5c: {  	_ =	shalt  }
0x5d: {  	_ =	shalt  }
0x5e: {  	_ =	shalt  }
0x5f: {  	_ =	shalt  }
0x60: {  	_ =	shalt  }
0x61: {  	_ =	shalt  }
0x62: {  	_ =	shalt  }
0x63: {  	_ =	shalt  }
0x64: {  	_ =	shalt  }
0x65: {  	_ =	shalt  }
0x66: {  	_ =	shalt  }
0x67: {  	_ =	shalt  }
0x68: {  	_ =	shalt  }
0x69: {  	_ =	shalt  }
0x6a: {  	_ =	shalt  }
0x6b: {  	_ =	shalt  }
0x6c: {  	_ =	shalt  }
0x6d: {  	_ =	shalt  }
0x6e: {  	_ =	shalt  }
0x6f: {  	_ =	shalt  }
0x70: {  	_ =	shalt  }
0x71: {  	_ =	shalt  }
0x72: {  	_ =	shalt  }
0x73: {  	_ =	shalt  }
0x74: {  	_ =	shalt  }
0x75: {  	_ =	shalt  }
0x76: {  	_ =	shalt  }
0x77: {  	_ =	shalt  }
0x78: {  	_ =	shalt  }
0x79: {  	_ =	shalt  }
0x7a: {  	_ =	shalt  }
0x7b: {  	_ =	shalt  }
0x7c: {  	_ =	shalt  }
0x7d: {  	_ =	shalt  }
0x7e: {  	_ =	shalt  }
0x7f: {  	_ =	shalt  }
0x80: {  	_ =	shalt  }
0x81: {  	_ =	shalt  }
0x82: {  	_ =	shalt  }
0x83: {  	_ =	shalt  }
0x84: {  	_ =	shalt  }
0x85: {  	_ =	shalt  }
0x86: {  	_ =	shalt  }
0x87: {  	_ =	shalt  }
.Lfunc_end0:
.L_simem_size_0:
called_computation.1_lowered:
.L_overlay_start_0:
0x88: {  	s2 =	sld [smem:$0x3FD9]  }
0x89: {  	s3 =	sld [smem:$0x3FFE];
	_ =	sdelay $0x1  }
0x8a: {  	s1 =	srdreg.scid  }
0x8b: {  	s0 =	sand.u32 $0x1, s1  }
0x8c: {  	s17 =	sshll.u32 s0, $0xA;
	s2 =	sadd.s32 s3, s2  }
0x8d: {  	s2 =	sadd.s32 s2, s17  }
0x8e: {  	[smem:$0x3FC5] =	sst s2  }
0x8f: {  	_ = 	snop  }
0x90: {  	s2 =	sld [smem:$0x3FD0];
	(tm) =	ssettm $0x1  }
0x91: {  	s18 =	sld [smem:$0x3FFB];
	_ =	sdelay $0x3  }
0x92: {  	_ =	strace s18  }
0x93: {  	s3 =	sld [smem:$0x3FFC];
	_ =	sdelay $0x3  }
0x94: {  	_ =	strace s3  }
0x95: {  	s3 =	sld [smem:$0x3FFD];
	_ =	sdelay $0x3  }
0x96: {  	_ =	strace s3  }
0x97: {  	_ =	strace $0x8FFFFFFF  }
0x98: {  	s19 =	sld [smem:$0x3FDB];
	_ =	sdelay $0x1  }
0x99: {  	s4 =	simm.s32 $_scs_section_size  }
0x9a: {  	s5 =	simm.s32 $_size__tile_overlayer_lowered;
	s6 =	simm.s32 $_tile_overlayer_lowered  }
0x9b: {  	s22 =	simm.s32 $0x1BFF;
	s21 =	sshll.u32 s6, $0x1;
	s3 =	sadd.s32 s4, s19  }
0x9c: {  	s7 =	simm.s32 $0x0;
	s20 =	sshll.u32 s5, $0x1;
	s5 =	sadd.s32 s21, s3  }
0x9d: {  	[timem:s7], [sflag:s22] =	dma.local [hbm:s5], s20  }
0x9e: {  	_ =	swait.ge [sflag:s22], s20  }
0x9f: {  	s4 =	ssub.s32 $0x0, s20;
	[sflag:s22] =	ssyncset.done $0x0  }
0xa0: {  	[sflag:s22] =	ssyncadd.s32 s4;
	_ =	sdelay $0x1  }
0xa1: {  	s23 =	simm.s32 $0x1B8B  }
0xa2: {  	_ =	swait.ge [sflag:s23], $0x1  }
0xa3: {  	[sflag:s23] =	ssyncset.done $0x0  }
0xa4: {  	s25 =	simm.s32 $0x1B8E;
	s24 =	sld [smem:$0x3FFE];
	[sflag:s23] =	ssyncadd.s32 $0xFFFFFFFF  }
0xa5: {  	s26 =	simm.s32 $execute0_lowered;
	[smem:$0x3FD2] =	sst s25  }
0xa6: {  	s5 =	sshll.u32 s26, $0x1;
	_ =	strace $0x80000046;
	[dreg:$0x1] =	wrdreg $0xFFFFFFFF  }
0xa7: {  	s28 =	simm.s32 $_size_execute0_lowered;
	s3 =	sadd.s32 s3, s5;
	[dreg:$0x0] =	wrdreg $0x0  }
0xa8: {  	s5 =	sshll.u32 s28, $0x1;
	[dreg:$0x2] =	wrdreg s3  }
0xa9: {  	[dreg:$0x3] =	wrdreg s5  }
0xaa: {  	[dreg:$0x4] =	wrdreg $0xC0  }
0xab: {  	_ =	task [dreg:s7], $0x5FFFF  }
0xac: {  	[dreg:$0x1] =	wrdreg $0xFFFFFFFF  }
0xad: {  	[dreg:$0x0] =	wrdreg $0x60  }
0xae: {  	[dreg:$0x2] =	wrdreg s24  }
0xaf: {  	[dreg:$0x3] =	wrdreg s2  }
0xb0: {  	[dreg:$0x4] =	wrdreg $0x9  }
0xb1: {  	_ =	task.clear_ibuf [dreg:s7], $0x5FFFF;
	_ =	strace $0x90000046  }
0xb2: {  	s29 =	simm.s32 $0x9;
	_ =	strace $0x80000048  }
0xb3: {  	_ =	swait.ge [sflag:s29], $0x1  }
0xb4: {  	[sflag:s29] =	ssyncadd.s32 $0xFFFFFFFF  }
0xb5: {  	_ =	strace $0x90000048  }
0xb6: {  	_ =	sfence  }
0xb7: {  	s30 =	sld [smem:$0x0];
	_ =	sdelay $0x2  }
0xb8: {  	s31 =	sshll.u32 s1, $0xD;
	s1 =	sshrl.u32 s1, $0x2  }
0xb9: {  	s3 =	sand.u32 $0x4000, s31;
	s1 =	sadd.s32 s1, s30  }
0xba: {  	s0 =	sor.u32 s3, s0;
	s1 =	sshll.u32 s1, $0x11  }
0xbb: {  	s0 =	sor.u32 s1, s0  }
0xbc: {  	s0 =	sadd.s32 $0x8F2B, s0  }
0xbd: {  	[sflag:s0] =	ssyncadd.remote.s32 $0x1  }
0xbe: {  	_ =	sfence.sel $0xFFFF  }
0xbf: {  	[dreg:$0x0] =	wrdreg $0xFFFFFFFF;
	(pc) =	sbr.abs _section_cstart, $3  }
0xc0: {  	[dreg:$0x1] =	wrdreg $0xFFFFFFFF  }
0xc1: {  	_ =	task.clear_ibuf [dreg:s7], $0x2FFFF;
	_ =	strace $0x9FFFFFFF  }
0xc2: {  	(tm) =	ssettm $0x7FFFFFFF  }
0xc3: {  	_ =	shalt  }
tec
execute0_lowered:
.L_overlay_start_1:
0x0: {  	(tag) =	ssettag $0x1  }
0x1: {  	s0 =	rddreg [dreg:$0x0]  }
0x2: {  	s2 =	rddreg [dreg:$0x1]  }
0x3: {  	s3 =	simm.s32 $0x0;
	s1 =	srdreg.scid;
	s4 =	stileid.u32  }
0x4: {  	s13 =	simm.s32 $0x3;
	s14 =	simm.s32 $0x64;
	s29 =	simm.s32 $0x680  }
0x5: {  	s30 =	simm.s32 $0xD500;
	s11 =	simm.s32 $0xA90;
	s15 =	simm.s32 $0x15200  }
0x6: {  	s31 =	simm.s32 $0xAF8;
	s12 =	simm.s32 $0x16B00;
	s16 =	simm.s32 $0xBC8  }
0x7: {  	s17 =	simm.s32 $0x17780;
	s18 =	simm.s32 $0xC30;
	s19 =	simm.s32 $0x18400  }
0x8: {  	s20 =	simm.s32 $0xC98;
	s21 =	simm.s32 $0x19080;
	s22 =	simm.s32 $0x1  }
0x9: {  	s23 =	simm.s32 $0x2;
	[smem:$0x7FF] =	sst s3;
	s1 =	sand.u32 $0x1, s1  }
0xa: {  	s4 =	sshll.u32 s4, $0x1;
	s5 =	sadd.s32 $0xF43400, s0;
	_ =	strace $0x80000047  }
0xb: {  	s6 =	sor.u32 s1, s4;
	s4 =	sadd.s32 $0x1000, s0;
	s1 =	ssub.s32 $0x2, s1  }
0xc: {  	s0 =	sadd.s32 $0x1B000, s0;
	s7 =	smul.u32 $0xD00, s6;
	s26 =	sshrl.u32 s1, $0x1  }
0xd: {  	[dreg:$0x3] =	wrdreg s0;
	s8 =	sshll.u32 s6, $0x4;
	s0 =	ssub.s32 s1, s26  }
0xe: {  	s9 =	sor.u32 $0x1, s8;
	s10 =	sor.u32 $0x2, s8;
	s28 =	sadd.s32 s4, s7  }
0xf: {  	s1 =	simm.s32 $0xB60;
	s0 =	smax.u32 s0, $0x1;
	[dreg:$0x4] =	wrdreg s28  }
0x10: {  	s7 =	simm.s32 $0x0;
	[dreg:$0x5] =	wrdreg s0;
	s0 =	simm.s32 $0x15E80  }
.LBB2_1:
0x11: {  	[dreg:$0x6] =	wrdreg s7  }
0x12: {  	s6 =	rddreg [dreg:$0x3];
	s28 =	simm.s32 $0x19D00  }
0x13: {  	[tilespmem:s28], [sflag:$0x3] =	stream.linear.gather [hbm4b:s6+s3], $0x1900, $0x38;
	[tilespmem:$0x1B600] =	vst v63  }
0x14: {  	_ =	swait.ge [sflag:s13], $0x1900  }
0x15: {  	[sflag:s13] =	ssyncset.done $0x0  }
0x16: {  	s24 =	rddreg [dreg:$0x4];
	[sflag:s13] =	ssyncadd.s32 $0xFFFFE700  }
0x17: {  	[tilespmem:s3], [sflag:$0x3] =	stream.linear.gather [hbm4b:s24+s3], $0x680, $0x38;
	[tilespmem:$0x1B600] =	vst v63  }
0x18: {  	_ =	swait.ge [sflag:s13], $0x680  }
0x19: {  	[sflag:s13] =	ssyncset.done $0x0  }
0x1a: {  	s25 =	simm.s32 $0xD00;
	[sflag:s13] =	ssyncadd.s32 $0xFFFFF980  }
0x1b: {  	[tilespmem:s25], [sflag:$0x1] =	stream.indirect.gather [hbm4b:s5+s14], $0x20, s3, s14, $0xb8;
	[tilespmem:$0x1B600] =	vst v63  }
0x1c: {  	s26 =	simm.s32 $0x68;
	s28 =	simm.s32 $0x1980  }
0x1d: {  	[tilespmem:s28], [sflag:$0x1] =	stream.indirect.gather [hbm4b:s5+s14], $0x20, s26, s14, $0xb8;
	[tilespmem:$0x1B600] =	vst v63  }
0x1e: {  	s24 =	simm.s32 $0xD0;
	s25 =	simm.s32 $0x2600  }
0x1f: {  	[tilespmem:s25], [sflag:$0x1] =	stream.indirect.gather [hbm4b:s5+s14], $0x20, s24, s14, $0xb8;
	[tilespmem:$0x1B600] =	vst v63  }
0x20: {  	s26 =	simm.s32 $0x138;
	s28 =	simm.s32 $0x3280  }
0x21: {  	[tilespmem:s28], [sflag:$0x1] =	stream.indirect.gather [hbm4b:s5+s14], $0x20, s26, s14, $0xb8;
	[tilespmem:$0x1B600] =	vst v63  }
0x22: {  	s24 =	simm.s32 $0x1A0;
	s25 =	simm.s32 $0x3F00  }
0x23: {  	[tilespmem:s25], [sflag:$0x1] =	stream.indirect.gather [hbm4b:s5+s14], $0x20, s24, s14, $0xb8;
	[tilespmem:$0x1B600] =	vst v63  }
0x24: {  	s26 =	simm.s32 $0x208;
	s28 =	simm.s32 $0x4B80  }
0x25: {  	[tilespmem:s28], [sflag:$0x1] =	stream.indirect.gather [hbm4b:s5+s14], $0x20, s26, s14, $0xb8;
	[tilespmem:$0x1B600] =	vst v63  }
0x26: {  	s24 =	simm.s32 $0x270;
	s25 =	simm.s32 $0x5800  }
0x27: {  	[tilespmem:s25], [sflag:$0x1] =	stream.indirect.gather [hbm4b:s5+s14], $0x20, s24, s14, $0xb8;
	[tilespmem:$0x1B600] =	vst v63  }
0x28: {  	s26 =	simm.s32 $0x2D8;
	s28 =	simm.s32 $0x6480  }
0x29: {  	[tilespmem:s28], [sflag:$0x1] =	stream.indirect.gather [hbm4b:s5+s14], $0x20, s26, s14, $0xb8;
	[tilespmem:$0x1B600] =	vst v63  }
0x2a: {  	s24 =	simm.s32 $0x340;
	s25 =	simm.s32 $0x7100  }
0x2b: {  	[tilespmem:s25], [sflag:$0x1] =	stream.indirect.gather [hbm4b:s5+s14], $0x20, s24, s14, $0xb8;
	[tilespmem:$0x1B600] =	vst v63  }
0x2c: {  	s26 =	simm.s32 $0x3A8;
	s28 =	simm.s32 $0x7D80  }
0x2d: {  	[tilespmem:s28], [sflag:$0x1] =	stream.indirect.gather [hbm4b:s5+s14], $0x20, s26, s14, $0xb8;
	[tilespmem:$0x1B600] =	vst v63  }
0x2e: {  	s24 =	simm.s32 $0x410;
	s25 =	simm.s32 $0x8A00  }
0x2f: {  	[tilespmem:s25], [sflag:$0x1] =	stream.indirect.gather [hbm4b:s5+s14], $0x20, s24, s14, $0xb8;
	[tilespmem:$0x1B600] =	vst v63  }
0x30: {  	s26 =	simm.s32 $0x478;
	s28 =	simm.s32 $0x9680  }
0x31: {  	[tilespmem:s28], [sflag:$0x1] =	stream.indirect.gather [hbm4b:s5+s14], $0x20, s26, s14, $0xb8;
	[tilespmem:$0x1B600] =	vst v63  }
0x32: {  	s24 =	simm.s32 $0x4E0;
	s25 =	simm.s32 $0xA300  }
0x33: {  	[tilespmem:s25], [sflag:$0x1] =	stream.indirect.gather [hbm4b:s5+s14], $0x20, s24, s14, $0xb8;
	[tilespmem:$0x1B600] =	vst v63  }
0x34: {  	s26 =	simm.s32 $0x548;
	s28 =	simm.s32 $0xAF80  }
0x35: {  	[tilespmem:s28], [sflag:$0x1] =	stream.indirect.gather [hbm4b:s5+s14], $0x20, s26, s14, $0xb8;
	[tilespmem:$0x1B600] =	vst v63  }
0x36: {  	s24 =	simm.s32 $0x5B0;
	s25 =	simm.s32 $0xBC00  }
0x37: {  	[tilespmem:s25], [sflag:$0x1] =	stream.indirect.gather [hbm4b:s5+s14], $0x20, s24, s14, $0xb8;
	[tilespmem:$0x1B600] =	vst v63  }
0x38: {  	s26 =	simm.s32 $0x618;
	s28 =	simm.s32 $0xC880;
	s24 =	simm.s32 $0x0  }
0x39: {  	[tilespmem:s28], [sflag:$0x1] =	stream.indirect.gather [hbm4b:s5+s14], $0x20, s26, s14, $0xb8;
	[tilespmem:$0x1B600] =	vst v63  }
.LBB2_2:
0x3a: {  	s26 =	sshll.u32 s24, $0x1  }
0x3b: {  	s25 =	sor.u32 s9, s26  }
0x3c: {  	s6 =	smul.u32 $0xD0, s25;
	_ =	sdelay $0x1  }
0x3d: {  	s28 =	simm.s32 $0x0;
	s6 =	sadd.s32 s4, s6  }
0x3e: {  	[tilespmem:s29], [sflag:$0x3] =	stream.linear.gather [hbm4b:s6+s28], $0x680, $0x38;
	[tilespmem:$0x1B600] =	vst v63  }
0x3f: {  	_ =	swait.ge [sflag:s13], $0x680  }
0x40: {  	[sflag:s13] =	ssyncset.done $0x0  }
0x41: {  	[sflag:s13] =	ssyncadd.s32 $0xFFFFF980  }
0x42: {  	[tilespmem:s30], [sflag:$0x2] =	stream.indirect.gather [hbm4b:s5+s14], $0x20, s29, s14, $0xb8;
	[tilespmem:$0x1B600] =	vst v63  }
0x43: {  	s7 =	simm.s32 $0xE180;
	s6 =	simm.s32 $0x6E8  }
0x44: {  	[tilespmem:s7], [sflag:$0x2] =	stream.indirect.gather [hbm4b:s5+s14], $0x20, s6, s14, $0xb8;
	[tilespmem:$0x1B600] =	vst v63  }
0x45: {  	s6 =	simm.s32 $0x750;
	s7 =	simm.s32 $0xEE00  }
0x46: {  	[tilespmem:s7], [sflag:$0x2] =	stream.indirect.gather [hbm4b:s5+s14], $0x20, s6, s14, $0xb8;
	[tilespmem:$0x1B600] =	vst v63  }
0x47: {  	s6 =	simm.s32 $0x7B8;
	s7 =	simm.s32 $0xFA80  }
0x48: {  	[tilespmem:s7], [sflag:$0x2] =	stream.indirect.gather [hbm4b:s5+s14], $0x20, s6, s14, $0xb8;
	[tilespmem:$0x1B600] =	vst v63  }
0x49: {  	s6 =	simm.s32 $0x820;
	s7 =	simm.s32 $0x10700  }
0x4a: {  	[tilespmem:s7], [sflag:$0x2] =	stream.indirect.gather [hbm4b:s5+s14], $0x20, s6, s14, $0xb8;
	[tilespmem:$0x1B600] =	vst v63  }
0x4b: {  	s6 =	simm.s32 $0x888;
	s7 =	simm.s32 $0x11380  }
0x4c: {  	[tilespmem:s7], [sflag:$0x2] =	stream.indirect.gather [hbm4b:s5+s14], $0x20, s6, s14, $0xb8;
	[tilespmem:$0x1B600] =	vst v63  }
0x4d: {  	s6 =	simm.s32 $0x8F0;
	s7 =	simm.s32 $0x12000  }
0x4e: {  	[tilespmem:s7], [sflag:$0x2] =	stream.indirect.gather [hbm4b:s5+s14], $0x20, s6, s14, $0xb8;
	[tilespmem:$0x1B600] =	vst v63  }
0x4f: {  	s6 =	simm.s32 $0x958;
	s7 =	simm.s32 $0x12C80  }
0x50: {  	[tilespmem:s7], [sflag:$0x2] =	stream.indirect.gather [hbm4b:s5+s14], $0x20, s6, s14, $0xb8;
	[tilespmem:$0x1B600] =	vst v63  }
0x51: {  	s6 =	simm.s32 $0x9C0;
	s7 =	simm.s32 $0x13900  }
0x52: {  	[tilespmem:s7], [sflag:$0x2] =	stream.indirect.gather [hbm4b:s5+s14], $0x20, s6, s14, $0xb8;
	[tilespmem:$0x1B600] =	vst v63  }
0x53: {  	s6 =	simm.s32 $0xA28;
	s7 =	simm.s32 $0x14580  }
0x54: {  	[tilespmem:s7], [sflag:$0x2] =	stream.indirect.gather [hbm4b:s5+s14], $0x20, s6, s14, $0xb8;
	[tilespmem:$0x1B600] =	vst v63  }
0x55: {  	_ = 	snop  }
0x56: {  	[tilespmem:s15], [sflag:$0x2] =	stream.indirect.gather [hbm4b:s5+s14], $0x20, s11, s14, $0xb8;
	[tilespmem:$0x1B600] =	vst v63  }
0x57: {  	_ = 	snop  }
0x58: {  	[tilespmem:s0], [sflag:$0x2] =	stream.indirect.gather [hbm4b:s5+s14], $0x20, s31, s14, $0xb8;
	[tilespmem:$0x1B600] =	vst v63  }
0x59: {  	_ = 	snop  }
0x5a: {  	[tilespmem:s12], [sflag:$0x2] =	stream.indirect.gather [hbm4b:s5+s14], $0x20, s1, s14, $0xb8;
	[tilespmem:$0x1B600] =	vst v63  }
0x5b: {  	_ = 	snop  }
0x5c: {  	[tilespmem:s17], [sflag:$0x2] =	stream.indirect.gather [hbm4b:s5+s14], $0x20, s16, s14, $0xb8;
	[tilespmem:$0x1B600] =	vst v63  }
0x5d: {  	_ = 	snop  }
0x5e: {  	[tilespmem:s19], [sflag:$0x2] =	stream.indirect.gather [hbm4b:s5+s14], $0x20, s18, s14, $0xb8;
	[tilespmem:$0x1B600] =	vst v63  }
0x5f: {  	_ = 	snop  }
0x60: {  	[tilespmem:s21], [sflag:$0x2] =	stream.indirect.gather [hbm4b:s5+s14], $0x20, s20, s14, $0xb8;
	[tilespmem:$0x1B600] =	vst v63  }
0x61: {  	_ =	swait.ge [sflag:s22], $0xC800  }
0x62: {  	[sflag:s22] =	ssyncset.done $0x0  }
0x63: {  	s28 =	simm.s32 $0x0;
	[sflag:s22] =	ssyncadd.s32 $0xFFFF3800  }
0x64: {  	v2 =	vld [tilespmem:s28+$0xD00]  }
0x65: {  	v1 =	vld [tilespmem:s28+$0x19D00]  }
0x66: {  	v0 =	vld [tilespmem:s28+$0x19D10]  }
0x67: {  	v3 =	vld [tilespmem:s28+$0xD10]  }
0x68: {  	v5 =	vld [tilespmem:s28+$0x2610]  }
0x69: {  	v4 =	vld [tilespmem:s28+$0x2600];
	v2 =	vmul.f32 $5.656854150e+00, v2  }
0x6a: {  	v6 =	vld [tilespmem:s28+$0x3F00]  }
0x6b: {  	v7 =	vld [tilespmem:s28+$0x3F10];
	v2 =	vadd.f32 v2, v1  }
0x6c: {  	v8 =	vld [tilespmem:s28+$0x5800];
	v3 =	vmul.f32 $5.656854150e+00, v3  }
0x6d: {  	v9 =	vld [tilespmem:s28+$0x5810];
	[tilespmem:s28+$0xD00] =	vst v2;
	v2 =	vmul.f32 $5.656854150e+00, v5  }
0x6e: {  	v10 =	vld [tilespmem:s28+$0x7100];
	v4 =	vmul.f32 $5.656854150e+00, v4;
	v3 =	vadd.f32 v3, v0  }
0x6f: {  	v11 =	vld [tilespmem:s28+$0x7110];
	v5 =	vmul.f32 $5.656854150e+00, v6;
	v6 =	vadd.f32 v2, v0  }
0x70: {  	v7 =	vmul.f32 $5.656854150e+00, v7;
	v4 =	vadd.f32 v4, v1;
	[tilespmem:s28+$0xD10] =	vst v3;
	v3 =	vld [tilespmem:s28+$0x8A00]  }
0x71: {  	v2 =	vld [tilespmem:s28+$0x8A10];
	v5 =	vadd.f32 v5, v1;
	[tilespmem:s28+$0x2610] =	vst v6;
	v6 =	vmul.f32 $5.656854150e+00, v8  }
0x72: {  	v7 =	vadd.f32 v7, v0;
	[tilespmem:s28+$0x2600] =	vst v4;
	v4 =	vld [tilespmem:s28+$0xA300];
	v8 =	vmul.f32 $5.656854150e+00, v9  }
0x73: {  	v10 =	vmul.f32 $5.656854150e+00, v10;
	[tilespmem:s28+$0x3F00] =	vst v5;
	v5 =	vld [tilespmem:s28+$0xA310];
	v9 =	vadd.f32 v6, v1  }
0x74: {  	s6 =	simm.s32 $0x80;
	[tilespmem:s28+$0x3F10] =	vst v7;
	v7 =	vadd.f32 v8, v0;
	v8 =	vmul.f32 $5.656854150e+00, v11;
	v6 =	vld [tilespmem:s28+$0xBC00]  }
.LBB2_3:
0x75: {  	s7 =	sshra.s32 s6, $0x2;
	p0 =	sne.s32 s6, $0x6380;
	[tilespmem:s28+$0x5800] =	vst v9;
	v9 =	vadd.f32 v10, v1;
	v3 =	vmul.f32 $5.656854150e+00, v3;
	v10 =	vld [tilespmem:s28+$0xBC10]  }
0x76: {  	v11 =	vld [tilespmem:s7+$0x19D00];
	[tilespmem:s28+$0x5810] =	vst v7;
	v7 =	vadd.f32 v8, v0;
	v2 =	vmul.f32 $5.656854150e+00, v2  }
0x77: {  	v8 =	vld [tilespmem:s7+$0x19D10];
	[tilespmem:s28+$0x7100] =	vst v9;
	v3 =	vadd.f32 v3, v1;
	v4 =	vmul.f32 $5.656854150e+00, v4  }
0x78: {  	v9 =	vld [tilespmem:s7+$0xD00];
	[tilespmem:s28+$0x7110] =	vst v7;
	v2 =	vadd.f32 v2, v0;
	v5 =	vmul.f32 $5.656854150e+00, v5  }
0x79: {  	v7 =	vld [tilespmem:s7+$0xD10];
	[tilespmem:s28+$0x8A00] =	vst v3;
	v3 =	vadd.f32 v4, v1;
	v4 =	vmul.f32 $5.656854150e+00, v6  }
0x7a: {  	v6 =	vld [tilespmem:s7+$0x2600];
	[tilespmem:s28+$0x8A10] =	vst v2;
	v2 =	vadd.f32 v5, v0;
	v5 =	vmul.f32 $5.656854150e+00, v10  }
0x7b: {  	v10 =	vld [tilespmem:s7+$0x2610];
	[tilespmem:s28+$0xA300] =	vst v3;
	v3 =	vadd.f32 v4, v1;
	v1 =	vmov v11  }
0x7c: {  	v4 =	vld [tilespmem:s7+$0x3F00];
	[tilespmem:s28+$0xA310] =	vst v2;
	v2 =	vadd.f32 v5, v0;
	v0 =	vmov v8  }
0x7d: {  	v5 =	vmul.f32 $5.656854150e+00, v9;
	v8 =	vld [tilespmem:s7+$0x3F10];
	[tilespmem:s28+$0xBC00] =	vst v3  }
0x7e: {  	v3 =	vmul.f32 $5.656854150e+00, v7;
	v7 =	vld [tilespmem:s7+$0x5800];
	[tilespmem:s28+$0xBC10] =	vst v2;
	s28 =	smov.u32 s7  }
0x7f: {  	v2 =	vadd.f32 v5, v1;
	v5 =	vmul.f32 $5.656854150e+00, v6;
	v6 =	vld [tilespmem:s28+$0x5810]  }
0x80: {  	v3 =	vadd.f32 v3, v0;
	v9 =	vmul.f32 $5.656854150e+00, v10;
	v10 =	vld [tilespmem:s28+$0x7100]  }
0x81: {  	[tilespmem:s28+$0xD00] =	vst v2;
	v2 =	vadd.f32 v5, v1;
	v4 =	vmul.f32 $5.656854150e+00, v4;
	v11 =	vld [tilespmem:s28+$0x7110]  }
.Ltmp0:
0x82: {  	[tilespmem:s28+$0xD10] =	vst v3;
	v5 =	vadd.f32 v9, v0;
	v8 =	vmul.f32 $5.656854150e+00, v8;
	v3 =	vld [tilespmem:s28+$0x8A00];
	(pc) =	sbr.rel @p0 .LBB2_3-.Ltmp0, $4  }
0x83: {  	[tilespmem:s28+$0x2600] =	vst v2;
	v9 =	vadd.f32 v4, v1;
	v7 =	vmul.f32 $5.656854150e+00, v7;
	v2 =	vld [tilespmem:s28+$0x8A10]  }
0x84: {  	[tilespmem:s28+$0x2610] =	vst v5;
	v8 =	vadd.f32 v8, v0;
	v6 =	vmul.f32 $5.656854150e+00, v6;
	v4 =	vld [tilespmem:s28+$0xA300]  }
0x85: {  	[tilespmem:s28+$0x3F00] =	vst v9;
	v9 =	vadd.f32 v7, v1;
	v10 =	vmul.f32 $5.656854150e+00, v10;
	v5 =	vld [tilespmem:s28+$0xA310]  }
0x86: {  	s6 =	sadd.s32 $0x80, s6;
	[tilespmem:s28+$0x3F10] =	vst v8;
	v7 =	vadd.f32 v6, v0;
	v8 =	vmul.f32 $5.656854150e+00, v11;
	v6 =	vld [tilespmem:s28+$0xBC00]  }
0x87: {  	[tilespmem:s28+$0x5800] =	vst v9;
	v9 =	vadd.f32 v10, v1;
	v3 =	vmul.f32 $5.656854150e+00, v3;
	v10 =	vld [tilespmem:s28+$0xBC10]  }
0x88: {  	[tilespmem:s28+$0x5810] =	vst v7;
	v7 =	vadd.f32 v8, v0;
	v2 =	vmul.f32 $5.656854150e+00, v2  }
0x89: {  	[tilespmem:s28+$0x7100] =	vst v9;
	v3 =	vadd.f32 v3, v1;
	v4 =	vmul.f32 $5.656854150e+00, v4  }
0x8a: {  	[tilespmem:s28+$0x7110] =	vst v7;
	v2 =	vadd.f32 v2, v0;
	v5 =	vmul.f32 $5.656854150e+00, v5  }
0x8b: {  	[tilespmem:s28+$0x8A00] =	vst v3;
	v3 =	vadd.f32 v4, v1;
	v4 =	vmul.f32 $5.656854150e+00, v6  }
0x8c: {  	[tilespmem:s28+$0x8A10] =	vst v2;
	v2 =	vadd.f32 v5, v0;
	v5 =	vmul.f32 $5.656854150e+00, v10  }
0x8d: {  	s6 =	sadd.s32 s8, s26;
	[tilespmem:s28+$0xA300] =	vst v3;
	v1 =	vadd.f32 v4, v1  }
0x8e: {  	s6 =	smul.u32 $0x1900, s6;
	[tilespmem:s28+$0xA310] =	vst v2;
	v0 =	vadd.f32 v5, v0  }
0x8f: {  	[tilespmem:s28+$0xBC00] =	vst v1  }
0x90: {  	s7 =	simm.s32 $0xD00;
	p0 =	seq.s32 s24, $0x7;
	s6 =	sadd.s32 s2, s6;
	[tilespmem:s28+$0xBC10] =	vst v0  }
0x91: {  	[hbm4b:s6+s3] =	stream.linear.scatter [tilespmem:s7], [sflag:$0x3], $0xC800, $0x38;
	[tilespmem:$0x1B600] =	vst v63  }
0x92: {  	s6 =	sadd.s32 @!p0 s26, s10  }
0x93: {  	_ =	swait.ge [sflag:s13], $0xC800;
	s6 =	smul.u32 @!p0 $0xD0, s6  }
0x94: {  	[sflag:s13] =	ssyncset.done $0x0  }
0x95: {  	s7 =	simm.s32 @!p0 $0x0;
	[sflag:s13] =	ssyncadd.s32 $0xFFFF3800;
	s6 =	sadd.s32 @!p0 s4, s6  }
0x96: {  	[tilespmem:s7], [sflag:$0x3] =	stream.linear.gather @!p0 [hbm4b:s6+s7], $0x680, $0x38;
	[tilespmem:$0x1B600] =	vst v63  }
0x97: {  	s6 =	simm.s32 @!p0 $0x3  }
0x98: {  	_ =	swait.ge @!p0 [sflag:s6], $0x680  }
0x99: {  	[sflag:s6] =	ssyncset.done @!p0 $0x0  }
0x9a: {  	s26 =	simm.s32 @!p0 $0xD00;
	[sflag:s6] =	ssyncadd.s32 @!p0 $0xFFFFF980;
	s6 =	simm.s32 @!p0 $0x64  }
0x9b: {  	[tilespmem:s26], [sflag:$0x1] =	stream.indirect.gather @!p0 [hbm4b:s5+s6], $0x20, s7, s6, $0xb8;
	[tilespmem:$0x1B600] =	vst v63  }
0x9c: {  	s7 =	simm.s32 @!p0 $0x68;
	s26 =	simm.s32 @!p0 $0x1980  }
0x9d: {  	[tilespmem:s26], [sflag:$0x1] =	stream.indirect.gather @!p0 [hbm4b:s5+s6], $0x20, s7, s6, $0xb8;
	[tilespmem:$0x1B600] =	vst v63  }
0x9e: {  	s7 =	simm.s32 @!p0 $0xD0;
	s26 =	simm.s32 @!p0 $0x2600  }
0x9f: {  	[tilespmem:s26], [sflag:$0x1] =	stream.indirect.gather @!p0 [hbm4b:s5+s6], $0x20, s7, s6, $0xb8;
	[tilespmem:$0x1B600] =	vst v63  }
0xa0: {  	s7 =	simm.s32 @!p0 $0x138;
	s26 =	simm.s32 @!p0 $0x3280  }
0xa1: {  	[tilespmem:s26], [sflag:$0x1] =	stream.indirect.gather @!p0 [hbm4b:s5+s6], $0x20, s7, s6, $0xb8;
	[tilespmem:$0x1B600] =	vst v63  }
0xa2: {  	s7 =	simm.s32 @!p0 $0x1A0;
	s26 =	simm.s32 @!p0 $0x3F00  }
0xa3: {  	[tilespmem:s26], [sflag:$0x1] =	stream.indirect.gather @!p0 [hbm4b:s5+s6], $0x20, s7, s6, $0xb8;
	[tilespmem:$0x1B600] =	vst v63  }
0xa4: {  	s7 =	simm.s32 @!p0 $0x208;
	s26 =	simm.s32 @!p0 $0x4B80  }
0xa5: {  	[tilespmem:s26], [sflag:$0x1] =	stream.indirect.gather @!p0 [hbm4b:s5+s6], $0x20, s7, s6, $0xb8;
	[tilespmem:$0x1B600] =	vst v63  }
0xa6: {  	s7 =	simm.s32 @!p0 $0x270;
	s26 =	simm.s32 @!p0 $0x5800  }
0xa7: {  	[tilespmem:s26], [sflag:$0x1] =	stream.indirect.gather @!p0 [hbm4b:s5+s6], $0x20, s7, s6, $0xb8;
	[tilespmem:$0x1B600] =	vst v63  }
0xa8: {  	s7 =	simm.s32 @!p0 $0x2D8;
	s26 =	simm.s32 @!p0 $0x6480  }
0xa9: {  	[tilespmem:s26], [sflag:$0x1] =	stream.indirect.gather @!p0 [hbm4b:s5+s6], $0x20, s7, s6, $0xb8;
	[tilespmem:$0x1B600] =	vst v63  }
0xaa: {  	s7 =	simm.s32 @!p0 $0x340;
	s26 =	simm.s32 @!p0 $0x7100  }
0xab: {  	[tilespmem:s26], [sflag:$0x1] =	stream.indirect.gather @!p0 [hbm4b:s5+s6], $0x20, s7, s6, $0xb8;
	[tilespmem:$0x1B600] =	vst v63  }
0xac: {  	s7 =	simm.s32 @!p0 $0x3A8;
	s26 =	simm.s32 @!p0 $0x7D80  }
0xad: {  	[tilespmem:s26], [sflag:$0x1] =	stream.indirect.gather @!p0 [hbm4b:s5+s6], $0x20, s7, s6, $0xb8;
	[tilespmem:$0x1B600] =	vst v63  }
0xae: {  	s7 =	simm.s32 @!p0 $0x410;
	s26 =	simm.s32 @!p0 $0x8A00  }
0xaf: {  	[tilespmem:s26], [sflag:$0x1] =	stream.indirect.gather @!p0 [hbm4b:s5+s6], $0x20, s7, s6, $0xb8;
	[tilespmem:$0x1B600] =	vst v63  }
0xb0: {  	s7 =	simm.s32 @!p0 $0x478;
	s26 =	simm.s32 @!p0 $0x9680  }
0xb1: {  	[tilespmem:s26], [sflag:$0x1] =	stream.indirect.gather @!p0 [hbm4b:s5+s6], $0x20, s7, s6, $0xb8;
	[tilespmem:$0x1B600] =	vst v63  }
0xb2: {  	s7 =	simm.s32 @!p0 $0x4E0;
	s26 =	simm.s32 @!p0 $0xA300  }
0xb3: {  	[tilespmem:s26], [sflag:$0x1] =	stream.indirect.gather @!p0 [hbm4b:s5+s6], $0x20, s7, s6, $0xb8;
	[tilespmem:$0x1B600] =	vst v63  }
0xb4: {  	s7 =	simm.s32 @!p0 $0x548;
	s26 =	simm.s32 @!p0 $0xAF80  }
0xb5: {  	[tilespmem:s26], [sflag:$0x1] =	stream.indirect.gather @!p0 [hbm4b:s5+s6], $0x20, s7, s6, $0xb8;
	[tilespmem:$0x1B600] =	vst v63  }
0xb6: {  	s7 =	simm.s32 @!p0 $0x5B0;
	s26 =	simm.s32 @!p0 $0xBC00  }
0xb7: {  	[tilespmem:s26], [sflag:$0x1] =	stream.indirect.gather @!p0 [hbm4b:s5+s6], $0x20, s7, s6, $0xb8;
	[tilespmem:$0x1B600] =	vst v63  }
0xb8: {  	s7 =	simm.s32 @!p0 $0x618;
	s26 =	simm.s32 @!p0 $0xC880  }
0xb9: {  	[tilespmem:s26], [sflag:$0x1] =	stream.indirect.gather @!p0 [hbm4b:s5+s6], $0x20, s7, s6, $0xb8;
	[tilespmem:$0x1B600] =	vst v63  }
0xba: {  	_ =	swait.ge [sflag:s23], $0xC800  }
0xbb: {  	[sflag:s23] =	ssyncset.done $0x0  }
0xbc: {  	s26 =	simm.s32 $0x0;
	[sflag:s23] =	ssyncadd.s32 $0xFFFF3800  }
0xbd: {  	v2 =	vld [tilespmem:s26+$0xD500]  }
0xbe: {  	v1 =	vld [tilespmem:s26+$0x19D00]  }
0xbf: {  	v0 =	vld [tilespmem:s26+$0x19D10]  }
0xc0: {  	v3 =	vld [tilespmem:s26+$0xD510]  }
0xc1: {  	v5 =	vld [tilespmem:s26+$0xEE10]  }
0xc2: {  	v4 =	vld [tilespmem:s26+$0xEE00];
	v2 =	vmul.f32 $5.656854150e+00, v2  }
0xc3: {  	v6 =	vld [tilespmem:s26+$0x10700]  }
0xc4: {  	v7 =	vld [tilespmem:s26+$0x10710];
	v2 =	vadd.f32 v2, v1  }
0xc5: {  	v8 =	vld [tilespmem:s26+$0x12000];
	v3 =	vmul.f32 $5.656854150e+00, v3  }
0xc6: {  	v9 =	vld [tilespmem:s26+$0x12010];
	[tilespmem:s26+$0xD500] =	vst v2;
	v2 =	vmul.f32 $5.656854150e+00, v5  }
0xc7: {  	v10 =	vld [tilespmem:s26+$0x13900];
	v4 =	vmul.f32 $5.656854150e+00, v4;
	v3 =	vadd.f32 v3, v0  }
0xc8: {  	v11 =	vld [tilespmem:s26+$0x13910];
	v5 =	vmul.f32 $5.656854150e+00, v6;
	v6 =	vadd.f32 v2, v0  }
0xc9: {  	v7 =	vmul.f32 $5.656854150e+00, v7;
	v4 =	vadd.f32 v4, v1;
	[tilespmem:s26+$0xD510] =	vst v3;
	v3 =	vld [tilespmem:s26+$0x15200]  }
0xca: {  	v2 =	vld [tilespmem:s26+$0x15210];
	v5 =	vadd.f32 v5, v1;
	[tilespmem:s26+$0xEE10] =	vst v6;
	v6 =	vmul.f32 $5.656854150e+00, v8  }
0xcb: {  	v7 =	vadd.f32 v7, v0;
	[tilespmem:s26+$0xEE00] =	vst v4;
	v4 =	vld [tilespmem:s26+$0x16B00];
	v8 =	vmul.f32 $5.656854150e+00, v9  }
0xcc: {  	v10 =	vmul.f32 $5.656854150e+00, v10;
	[tilespmem:s26+$0x10700] =	vst v5;
	v5 =	vld [tilespmem:s26+$0x16B10];
	v9 =	vadd.f32 v6, v1  }
0xcd: {  	s6 =	simm.s32 $0x80;
	[tilespmem:s26+$0x10710] =	vst v7;
	v7 =	vadd.f32 v8, v0;
	v8 =	vmul.f32 $5.656854150e+00, v11;
	v6 =	vld [tilespmem:s26+$0x18400]  }
.LBB2_5:
0xce: {  	s7 =	sshra.s32 s6, $0x2;
	p0 =	sne.s32 s6, $0x6380;
	[tilespmem:s26+$0x12000] =	vst v9;
	v9 =	vadd.f32 v10, v1;
	v3 =	vmul.f32 $5.656854150e+00, v3;
	v10 =	vld [tilespmem:s26+$0x18410]  }
0xcf: {  	v11 =	vld [tilespmem:s7+$0x19D00];
	[tilespmem:s26+$0x12010] =	vst v7;
	v7 =	vadd.f32 v8, v0;
	v2 =	vmul.f32 $5.656854150e+00, v2  }
0xd0: {  	v8 =	vld [tilespmem:s7+$0x19D10];
	[tilespmem:s26+$0x13900] =	vst v9;
	v3 =	vadd.f32 v3, v1;
	v4 =	vmul.f32 $5.656854150e+00, v4  }
0xd1: {  	v9 =	vld [tilespmem:s7+$0xD500];
	[tilespmem:s26+$0x13910] =	vst v7;
	v2 =	vadd.f32 v2, v0;
	v5 =	vmul.f32 $5.656854150e+00, v5  }
0xd2: {  	v7 =	vld [tilespmem:s7+$0xD510];
	[tilespmem:s26+$0x15200] =	vst v3;
	v3 =	vadd.f32 v4, v1;
	v4 =	vmul.f32 $5.656854150e+00, v6  }
0xd3: {  	v6 =	vld [tilespmem:s7+$0xEE00];
	[tilespmem:s26+$0x15210] =	vst v2;
	v2 =	vadd.f32 v5, v0;
	v5 =	vmul.f32 $5.656854150e+00, v10  }
0xd4: {  	v10 =	vld [tilespmem:s7+$0xEE10];
	[tilespmem:s26+$0x16B00] =	vst v3;
	v3 =	vadd.f32 v4, v1;
	v1 =	vmov v11  }
0xd5: {  	v4 =	vld [tilespmem:s7+$0x10700];
	[tilespmem:s26+$0x16B10] =	vst v2;
	v2 =	vadd.f32 v5, v0;
	v0 =	vmov v8  }
0xd6: {  	v5 =	vmul.f32 $5.656854150e+00, v9;
	v8 =	vld [tilespmem:s7+$0x10710];
	[tilespmem:s26+$0x18400] =	vst v3  }
0xd7: {  	v3 =	vmul.f32 $5.656854150e+00, v7;
	v7 =	vld [tilespmem:s7+$0x12000];
	[tilespmem:s26+$0x18410] =	vst v2;
	s26 =	smov.u32 s7  }
0xd8: {  	v2 =	vadd.f32 v5, v1;
	v5 =	vmul.f32 $5.656854150e+00, v6;
	v6 =	vld [tilespmem:s26+$0x12010]  }
0xd9: {  	v3 =	vadd.f32 v3, v0;
	v9 =	vmul.f32 $5.656854150e+00, v10;
	v10 =	vld [tilespmem:s26+$0x13900]  }
0xda: {  	[tilespmem:s26+$0xD500] =	vst v2;
	v2 =	vadd.f32 v5, v1;
	v4 =	vmul.f32 $5.656854150e+00, v4;
	v11 =	vld [tilespmem:s26+$0x13910]  }
.Ltmp1:
0xdb: {  	[tilespmem:s26+$0xD510] =	vst v3;
	v5 =	vadd.f32 v9, v0;
	v8 =	vmul.f32 $5.656854150e+00, v8;
	v3 =	vld [tilespmem:s26+$0x15200];
	(pc) =	sbr.rel @p0 .LBB2_5-.Ltmp1, $4  }
0xdc: {  	[tilespmem:s26+$0xEE00] =	vst v2;
	v9 =	vadd.f32 v4, v1;
	v7 =	vmul.f32 $5.656854150e+00, v7;
	v2 =	vld [tilespmem:s26+$0x15210]  }
0xdd: {  	[tilespmem:s26+$0xEE10] =	vst v5;
	v8 =	vadd.f32 v8, v0;
	v6 =	vmul.f32 $5.656854150e+00, v6;
	v4 =	vld [tilespmem:s26+$0x16B00]  }
0xde: {  	[tilespmem:s26+$0x10700] =	vst v9;
	v9 =	vadd.f32 v7, v1;
	v10 =	vmul.f32 $5.656854150e+00, v10;
	v5 =	vld [tilespmem:s26+$0x16B10]  }
0xdf: {  	s6 =	sadd.s32 $0x80, s6;
	[tilespmem:s26+$0x10710] =	vst v8;
	v7 =	vadd.f32 v6, v0;
	v8 =	vmul.f32 $5.656854150e+00, v11;
	v6 =	vld [tilespmem:s26+$0x18400]  }
0xe0: {  	[tilespmem:s26+$0x12000] =	vst v9;
	v55 =	vadd.f32 v10, v1;
	v3 =	vmul.f32 $5.656854150e+00, v3;
	v56 =	vld [tilespmem:s26+$0x18410]  }
0xe1: {  	[tilespmem:s26+$0x12010] =	vst v7;
	v57 =	vadd.f32 v8, v0;
	v2 =	vmul.f32 $5.656854150e+00, v2  }
0xe2: {  	[tilespmem:s26+$0x13900] =	vst v55;
	v3 =	vadd.f32 v3, v1;
	v4 =	vmul.f32 $5.656854150e+00, v4  }
0xe3: {  	[tilespmem:s26+$0x13910] =	vst v57;
	v2 =	vadd.f32 v2, v0;
	v5 =	vmul.f32 $5.656854150e+00, v5  }
0xe4: {  	[tilespmem:s26+$0x15200] =	vst v3;
	v58 =	vadd.f32 v4, v1;
	v59 =	vmul.f32 $5.656854150e+00, v6  }
0xe5: {  	[tilespmem:s26+$0x15210] =	vst v2;
	v60 =	vadd.f32 v5, v0;
	v61 =	vmul.f32 $5.656854150e+00, v56  }
0xe6: {  	[tilespmem:s26+$0x16B00] =	vst v58;
	v62 =	vadd.f32 v59, v1  }
0xe7: {  	s6 =	smul.u32 $0x1900, s25;
	s24 =	sadd.s32 $0x1, s24;
	[tilespmem:s26+$0x16B10] =	vst v60;
	v63 =	vadd.f32 v61, v0  }
0xe8: {  	p0 =	sne.s32 s24, $0x8;
	[tilespmem:s26+$0x18400] =	vst v62  }
.Ltmp2:
0xe9: {  	s6 =	sadd.s32 s2, s6;
	[tilespmem:s26+$0x18410] =	vst v63;
	(pc) =	sbr.rel @p0 .LBB2_2-.Ltmp2, $4  }
0xea: {  	[hbm4b:s6+s3] =	stream.linear.scatter [tilespmem:s30], [sflag:$0x3], $0xC800, $0x38;
	[tilespmem:$0x1B600] =	vst v63  }
0xeb: {  	_ =	swait.ge [sflag:s13], $0xC800  }
0xec: {  	[sflag:s13] =	ssyncset.done $0x0  }
0xed: {  	[sflag:s13] =	ssyncadd.s32 $0xFFFF3800  }
0xee: {  	s7 =	rddreg [dreg:$0x6]  }
0xef: {  	s6 =	rddreg [dreg:$0x5];
	s7 =	sadd.s32 $0x1, s7  }
0xf0: {  	p0 =	sne.s32 s7, s6  }
.Ltmp3:
0xf1: {  	_ = 	snop;
	(pc) =	sbr.rel @p0 .LBB2_1-.Ltmp3, $1  }
0xf2: {  	_ =	sdelay $0x3  }
0xf3: {  	_ =	sfence.sel $0x180000  }
0xf4: {  	[bflag:$0x0] =	sbarrier.arrive $0xFFFF  }
0xf5: {  	_ =	strace $0x90000047  }
0xf6: {  	s0 =	stileid.u32;
	[bflag:$0x2] =	sbarrier.arrive $0xFFFF  }
0xf7: {  	p0 =	sne.s32 s0, $0x0;
	s0 =	rddreg [dreg:$0x2]  }
0xf8: {  	s0 =	sadd.s32 @!p0 $0x100000, s0  }
0xf9: {  	[sflag:s0] =	ssyncadd.tile.s32 @!p0 $0x1;
	_ =	shalt  }
.Lfunc_end2:
_tile_overlayer_lowered:
.L_overlay_start_2:
0xfa: {  	(tag) =	ssettag $0x2  }
0xfb: {  	s0 =	rddreg [dreg:$0x0];
	s2 =	stileid.u32  }
0xfc: {  	s1 =	rddreg [dreg:$0x1];
	p0 =	sne.s32 s2, $0x0  }
0xfd: {  	s3 =	rddreg [dreg:$0x2];
	[bflag:$0x3] =	sbarrier.arrive $0xFFFF;
	s2 =	simm.s32 @!p0 $0x1C03  }
0xfe: {  	[timem:s3], [sflag:s2] =	dma.local @!p0 [hbm:s0], s1  }
0xff: {  	s0 =	simm.s32 @!p0 $0x3  }
0x100: {  	_ =	swait.ge @!p0 [sflag:s0], s1  }
0x101: {  	s1 =	ssub.s32 @!p0 $0x0, s1;
	[sflag:s0] =	ssyncset.done @!p0 $0x0  }
0x102: {  	[sflag:s0] =	ssyncadd.s32 @!p0 s1  }
0x103: {  	[bflag:$0x3] =	sbarrier.arrive $0xFFFF  }
0x104: {  	_ =	shalt  }

// kernel: kernel.7.cloned.1.call-start
scs
__scs_entry_jumppad:
0x0: {  	(pc) =	sbr.rel $0x88, $3  }
0x1: {  	(tag) =	ssettag $0x0;
	lr =	simm.s32 $0x1  }
0x2: {  	[smem:$0x3F9E] =	sst lr;
	_ =	strace $0xD0000000  }
0x3: {  	_ = 	snop  }
0x4: {  	_ = 	snop  }
0x5: {  	_ = 	snop  }
0x6: {  	_ = 	snop  }
0x7: {  	_ = 	snop  }
__scs_overlays_trampoline_lowered:
0x8: {  	[smem:$0x3FAD] =	sst s0  }
0x9: {  	[smem:$0x3FAE] =	sst s1  }
0xa: {  	[smem:$0x3FAF] =	sst s2  }
0xb: {  	[smem:$0x3FB0] =	sst s3  }
0xc: {  	[smem:$0x3FB1] =	sst s4  }
0xd: {  	[smem:$0x3FB2] =	sst s5  }
0xe: {  	[smem:$0x3FB3] =	sst s6  }
0xf: {  	[smem:$0x3FB4] =	sst s7  }
0x10: {  	[smem:$0x3FB5] =	sst s8  }
0x11: {  	[smem:$0x3FB6] =	sst s9;
	s0 =	simm.s32 @!p0 $0x0  }
0x12: {  	s1 =	sld [smem:$0x3F9C];
	s0 =	simm.s32 @p0 $0x1  }
0x13: {  	[smem:$0x3FB7] =	sst s0;
	s0 =	simm.s32 @!p1 $0x0  }
0x14: {  	s2 =	sld [smem:$0x3F9B];
	s0 =	simm.s32 @p1 $0x1  }
0x15: {  	[smem:$0x3FB8] =	sst s0;
	s0 =	simm.s32 @!p2 $0x0  }
0x16: {  	s3 =	sld [smem:$0x3FDB];
	s0 =	simm.s32 @p2 $0x1  }
0x17: {  	s4 =	simm.s32 $0x1BF5;
	[smem:$0x3FBA] =	sst s0  }
0x18: {  	s0 =	sld [smem:$0x3F9D];
	_ =	swait.ge [sflag:s4], $0x0  }
0x19: {  	s7 =	sld [smem:$0x3F9E]  }
0x1a: {  	s8 =	sadd.s32 $0xFFFFE003, lr  }
0x1b: {  	s9 =	sadd.s32 $0xFFFFFEF7, lr;
	s5 =	simm.s32 $0xFFFFFFFF;
	p2 =	slt.u32 s8, $0xFFFFF086  }
0x1c: {  	p1 =	slt.u32 s9, $0xF7A;
	s5 =	simm.s32 @!p2 $0x0  }
0x1d: {  	s5 =	simm.s32 @p1 $0x1;
	p0 =	seq.s32 s7, s2  }
0x1e: {  	s7 =	smul.u32 @!p0 $0xF7A, s2;
	p2 =	seq.s32 @!p0 s5, $0x0  }
0x1f: {  	s9 =	smul.u32 $0xF7A, s1;
	s8 =	simm.s32 @!p0 $0x1BF5;
	p2 =	por !p2, p0  }
0x20: {  	[sflag:s8] =	ssyncset.s32 @!p0 $0xFFFFF086;
	s6 =	sadd.s32 @!p0 s3, s7;
	s7 =	simm.s32 @!p0 $0x108  }
0x21: {  	s3 =	sadd.s32 s3, s9;
	s6 =	sadd.s32 @!p0 $0x88, s6;
	s7 =	simm.s32 @p2 $0x1082  }
0x22: {  	[simem:s7], [sflag:s8] =	dma.local @!p0 [hbm:s6], $0xF7A  }
0x23: {  	s9 =	sor.u32 $0xD0000000, s2;
	s6 =	simm.s32 $0x108;
	_ =	swait.ge @!p0 [sflag:s8], $0x0  }
0x24: {  	s3 =	sadd.s32 $0x88, s3;
	s6 =	simm.s32 @!p1 $0x1082;
	[sflag:s4] =	ssyncset.s32 $0xFFFFF086  }
0x25: {  	[simem:s6], [sflag:s4] =	dma.local [hbm:s3], $0xF7A  }
0x26: {  	[smem:$0x3F9E] =	sst s1;
	(tag) =	ssettag s2;
	_ =	strace s9  }
0x27: {  	s1 =	sld [smem:$0x3FAE]  }
0x28: {  	s2 =	sld [smem:$0x3FAF]  }
0x29: {  	s4 =	sld [smem:$0x3FB1]  }
0x2a: {  	p0 =	seq.s32 s5, $0x0;
	s5 =	sld [smem:$0x3FB2]  }
0x2b: {  	s6 =	sld [smem:$0x3FB3]  }
0x2c: {  	s7 =	sld [smem:$0x3FB4]  }
0x2d: {  	s3 =	simm.s32 $0x108;
	s8 =	sld [smem:$0x3FB5]  }
0x2e: {  	s3 =	simm.s32 @!p0 $0x1082;
	s9 =	sld [smem:$0x3FB6]  }
0x2f: {  	lr =	sadd.s32 s0, s3;
	s0 =	sld [smem:$0x3FAD]  }
0x30: {  	s3 =	sld [smem:$0x3FB0]  }
0x31: {  	[smem:$0x3FB9] =	sst s10  }
0x32: {  	s10 =	sld [smem:$0x3FB7];
	_ =	sdelay $0x3  }
0x33: {  	p0 =	seq.s32 s10, $0x1;
	s10 =	sld [smem:$0x3FB9];
	_ =	sdelay $0x3  }
0x34: {  	[smem:$0x3FB9] =	sst s10  }
0x35: {  	s10 =	sld [smem:$0x3FB8];
	_ =	sdelay $0x3  }
0x36: {  	p1 =	seq.s32 s10, $0x1;
	s10 =	sld [smem:$0x3FB9];
	_ =	sdelay $0x3  }
0x37: {  	[smem:$0x3FB9] =	sst s10  }
0x38: {  	s10 =	sld [smem:$0x3FBA]  }
0x39: {  	_ = 	snop;
	(pc) =	sbr.ind lr, $3  }
0x3a: {  	_ = 	snop  }
0x3b: {  	_ = 	snop  }
0x3c: {  	p2 =	seq.s32 s10, $0x1;
	s10 =	sld [smem:$0x3FB9]  }
0x3d: {  	_ =	shalt  }
0x3e: {  	_ =	shalt  }
0x3f: {  	_ =	shalt  }
0x40: {  	_ =	shalt  }
0x41: {  	_ =	shalt  }
0x42: {  	_ =	shalt  }
0x43: {  	_ =	shalt  }
0x44: {  	_ =	shalt  }
0x45: {  	_ =	shalt  }
0x46: {  	_ =	shalt  }
0x47: {  	_ =	shalt  }
0x48: {  	_ =	shalt  }
0x49: {  	_ =	shalt  }
0x4a: {  	_ =	shalt  }
0x4b: {  	_ =	shalt  }
0x4c: {  	_ =	shalt  }
0x4d: {  	_ =	shalt  }
0x4e: {  	_ =	shalt  }
0x4f: {  	_ =	shalt  }
0x50: {  	_ =	shalt  }
0x51: {  	_ =	shalt  }
0x52: {  	_ =	shalt  }
0x53: {  	_ =	shalt  }
0x54: {  	_ =	shalt  }
0x55: {  	_ =	shalt  }
0x56: {  	_ =	shalt  }
0x57: {  	_ =	shalt  }
0x58: {  	_ =	shalt  }
0x59: {  	_ =	shalt  }
0x5a: {  	_ =	shalt  }
0x5b: {  	_ =	shalt  }
0x5c: {  	_ =	shalt  }
0x5d: {  	_ =	shalt  }
0x5e: {  	_ =	shalt  }
0x5f: {  	_ =	shalt  }
0x60: {  	_ =	shalt  }
0x61: {  	_ =	shalt  }
0x62: {  	_ =	shalt  }
0x63: {  	_ =	shalt  }
0x64: {  	_ =	shalt  }
0x65: {  	_ =	shalt  }
0x66: {  	_ =	shalt  }
0x67: {  	_ =	shalt  }
0x68: {  	_ =	shalt  }
0x69: {  	_ =	shalt  }
0x6a: {  	_ =	shalt  }
0x6b: {  	_ =	shalt  }
0x6c: {  	_ =	shalt  }
0x6d: {  	_ =	shalt  }
0x6e: {  	_ =	shalt  }
0x6f: {  	_ =	shalt  }
0x70: {  	_ =	shalt  }
0x71: {  	_ =	shalt  }
0x72: {  	_ =	shalt  }
0x73: {  	_ =	shalt  }
0x74: {  	_ =	shalt  }
0x75: {  	_ =	shalt  }
0x76: {  	_ =	shalt  }
0x77: {  	_ =	shalt  }
0x78: {  	_ =	shalt  }
0x79: {  	_ =	shalt  }
0x7a: {  	_ =	shalt  }
0x7b: {  	_ =	shalt  }
0x7c: {  	_ =	shalt  }
0x7d: {  	_ =	shalt  }
0x7e: {  	_ =	shalt  }
0x7f: {  	_ =	shalt  }
0x80: {  	_ =	shalt  }
0x81: {  	_ =	shalt  }
0x82: {  	_ =	shalt  }
0x83: {  	_ =	shalt  }
0x84: {  	_ =	shalt  }
0x85: {  	_ =	shalt  }
0x86: {  	_ =	shalt  }
0x87: {  	_ =	shalt  }
.Lfunc_end0:
.L_simem_size_0:
called_computation.2_lowered:
.L_overlay_start_0:
0x88: {  	s2 =	sld [smem:$0x3FD9]  }
0x89: {  	s3 =	sld [smem:$0x3FFE];
	_ =	sdelay $0x1  }
0x8a: {  	s1 =	srdreg.scid  }
0x8b: {  	s0 =	sand.u32 $0x1, s1  }
0x8c: {  	s17 =	sshll.u32 s0, $0xA;
	s2 =	sadd.s32 s3, s2  }
0x8d: {  	s2 =	sadd.s32 s2, s17  }
0x8e: {  	[smem:$0x3FC5] =	sst s2  }
0x8f: {  	_ = 	snop  }
0x90: {  	s2 =	sld [smem:$0x3FD0];
	(tm) =	ssettm $0x1  }
0x91: {  	s18 =	sld [smem:$0x3FFB];
	_ =	sdelay $0x3  }
0x92: {  	_ =	strace s18  }
0x93: {  	s3 =	sld [smem:$0x3FFC];
	_ =	sdelay $0x3  }
0x94: {  	_ =	strace s3  }
0x95: {  	s3 =	sld [smem:$0x3FFD];
	_ =	sdelay $0x3  }
0x96: {  	_ =	strace s3  }
0x97: {  	_ =	strace $0x8FFFFFFF  }
0x98: {  	s19 =	sld [smem:$0x3FDB];
	_ =	sdelay $0x1  }
0x99: {  	s4 =	simm.s32 $_scs_section_size  }
0x9a: {  	s5 =	simm.s32 $_size__tile_overlayer_lowered;
	s6 =	simm.s32 $_tile_overlayer_lowered  }
0x9b: {  	s22 =	simm.s32 $0x1BFF;
	s21 =	sshll.u32 s6, $0x1;
	s3 =	sadd.s32 s4, s19  }
0x9c: {  	s7 =	simm.s32 $0x0;
	s20 =	sshll.u32 s5, $0x1;
	s5 =	sadd.s32 s21, s3  }
0x9d: {  	[timem:s7], [sflag:s22] =	dma.local [hbm:s5], s20  }
0x9e: {  	_ =	swait.ge [sflag:s22], s20  }
0x9f: {  	s4 =	ssub.s32 $0x0, s20;
	[sflag:s22] =	ssyncset.done $0x0  }
0xa0: {  	[sflag:s22] =	ssyncadd.s32 s4;
	_ =	sdelay $0x1  }
0xa1: {  	s23 =	simm.s32 $0x1B8B  }
0xa2: {  	_ =	swait.ge [sflag:s23], $0x1  }
0xa3: {  	[sflag:s23] =	ssyncset.done $0x0  }
0xa4: {  	s25 =	simm.s32 $0x1B8E;
	s24 =	sld [smem:$0x3FFE];
	[sflag:s23] =	ssyncadd.s32 $0xFFFFFFFF  }
0xa5: {  	s26 =	simm.s32 $execute0_lowered;
	[smem:$0x3FD2] =	sst s25  }
0xa6: {  	s5 =	sshll.u32 s26, $0x1;
	_ =	strace $0x80000049;
	[dreg:$0x1] =	wrdreg $0xFFFFFFFF  }
0xa7: {  	s28 =	simm.s32 $_size_execute0_lowered;
	s3 =	sadd.s32 s3, s5;
	[dreg:$0x0] =	wrdreg $0x0  }
0xa8: {  	s5 =	sshll.u32 s28, $0x1;
	[dreg:$0x2] =	wrdreg s3  }
0xa9: {  	[dreg:$0x3] =	wrdreg s5  }
0xaa: {  	[dreg:$0x4] =	wrdreg $0xC0  }
0xab: {  	_ =	task [dreg:s7], $0x5FFFF  }
0xac: {  	[dreg:$0x1] =	wrdreg $0xFFFFFFFF  }
0xad: {  	[dreg:$0x0] =	wrdreg $0x60  }
0xae: {  	[dreg:$0x2] =	wrdreg s2  }
0xaf: {  	[dreg:$0x3] =	wrdreg s24  }
0xb0: {  	[dreg:$0x4] =	wrdreg $0x9  }
0xb1: {  	_ =	task.clear_ibuf [dreg:s7], $0x5FFFF;
	_ =	strace $0x90000049  }
0xb2: {  	s29 =	simm.s32 $0x9;
	_ =	strace $0x8000004B  }
0xb3: {  	_ =	swait.ge [sflag:s29], $0x1  }
0xb4: {  	[sflag:s29] =	ssyncadd.s32 $0xFFFFFFFF  }
0xb5: {  	_ =	strace $0x9000004B  }
0xb6: {  	_ =	sfence  }
0xb7: {  	s30 =	sld [smem:$0x0];
	_ =	sdelay $0x2  }
0xb8: {  	s31 =	sshll.u32 s1, $0xD;
	s1 =	sshrl.u32 s1, $0x2  }
0xb9: {  	s3 =	sand.u32 $0x4000, s31;
	s1 =	sadd.s32 s1, s30  }
0xba: {  	s0 =	sor.u32 s3, s0;
	s1 =	sshll.u32 s1, $0x11  }
0xbb: {  	s0 =	sor.u32 s1, s0  }
0xbc: {  	s0 =	sadd.s32 $0x8F2B, s0  }
0xbd: {  	[sflag:s0] =	ssyncadd.remote.s32 $0x1  }
0xbe: {  	_ =	sfence.sel $0xFFFF  }
0xbf: {  	[dreg:$0x0] =	wrdreg $0xFFFFFFFF;
	(pc) =	sbr.abs _section_cstart, $3  }
0xc0: {  	[dreg:$0x1] =	wrdreg $0xFFFFFFFF  }
0xc1: {  	_ =	task.clear_ibuf [dreg:s7], $0x2FFFF;
	_ =	strace $0x9FFFFFFF  }
0xc2: {  	(tm) =	ssettm $0x7FFFFFFF  }
0xc3: {  	_ =	shalt  }
tec
execute0_lowered:
.L_overlay_start_1:
0x0: {  	(tag) =	ssettag $0x1  }
0x1: {  	s2 =	rddreg [dreg:$0x0]  }
0x2: {  	s4 =	rddreg [dreg:$0x1]  }
0x3: {  	s3 =	srdreg.scid;
	s1 =	stileid.u32  }
0x4: {  	s0 =	rddreg [dreg:$0x2];
	s9 =	simm.s32 $0x2;
	s10 =	simm.s32 $0x0  }
0x5: {  	s5 =	sand.u32 $0x1, s3;
	s6 =	sshll.u32 s1, $0x1;
	s3 =	simm.s32 $0x0  }
0x6: {  	s4 =	sadd.s32 $0x1000, s4;
	s7 =	ssub.s32 $0x2, s5;
	s6 =	sor.u32 s5, s6  }
0x7: {  	[smem:$0x7FF] =	sst s3;
	s31 =	sshrl.u32 s7, $0x1;
	s8 =	smul.u32 $0x19000, s6  }
0x8: {  	_ =	strace $0x8000004A;
	s6 =	smul.u32 $0x64, s6;
	s7 =	ssub.s32 s7, s31  }
0x9: {  	s5 =	sadd.s32 s2, s8;
	s7 =	smax.u32 s7, $0x1;
	s8 =	simm.s32 $0x1  }
.LBB2_1:
0xa: {  	[tilespmem:s3], [sflag:$0x1] =	stream.linear.gather [hbm4b:s5+s3], $0x2000, $0x38;
	[tilespmem:$0x14000] =	vst v63  }
0xb: {  	p0 =	por $0x0, $0x0;
	s12 =	simm.s32 $0x0  }
.LBB2_2:
0xc: {  	s11 =	sadd.s32 $0x1, s12;
	p1 =	seq.s32 s12, $0x63  }
0xd: {  	s13 =	sadd.s32 @!p1 s6, s11  }
0xe: {  	s13 =	sshll.u32 @!p1 s13, $0xA  }
0xf: {  	s14 =	sshll.u32 @!p1 s11, $0xD;
	s13 =	sand.u32 @!p1 $0x1FFFFC00, s13  }
0x10: {  	s15 =	simm.s32 @!p1 $0x0;
	s14 =	sand.u32 @!p1 $0x2000, s14;
	s13 =	sadd.s32 @!p1 s2, s13  }
0x11: {  	[tilespmem:s14], [sflag:$0x1] =	stream.linear.gather @!p1 [hbm4b:s13+s15], $0x2000, $0x38;
	[tilespmem:$0x14000] =	vst v63  }
0x12: {  	_ =	swait.ge [sflag:s8], $0x2000  }
0x13: {  	p1 =	slt.u32 s12, $0x2;
	[sflag:s8] =	ssyncset.done $0x0  }
0x14: {  	s13 =	simm.s32 $0x1;
	s14 =	simm.s32 @!p1 $0x2;
	[sflag:s8] =	ssyncadd.s32 $0xFFFFE000  }
0x15: {  	s13 =	simm.s32 @!p0 $0x0;
	_ =	swait.ge @!p1 [sflag:s14], $0x8000  }
0x16: {  	s30 =	sshll.u32 s13, $0xD;
	[sflag:s14] =	ssyncset.done @!p1 $0x0  }
0x17: {  	s16 =	sor.u32 $0x80, s30;
	[sflag:s14] =	ssyncadd.s32 @!p1 $0xFFFF8000  }
0x18: {  	v0 =	vld [tilespmem:s16+$0xFFFFFF80];
	_ =	sdelay $0x2  }
0x19: {  	s13 =	sshll.u32 s13, $0xF  }
0x1a: {  	s13 =	sor.u32 $0x4200, s13  }
0x1b: {  	[tilespmem:s13+$0xFFFFFE00] =	vst v0  }
0x1c: {  	v0 =	vld [tilespmem:s16+$0xFFFFFF90];
	_ =	sdelay $0x4  }
0x1d: {  	[tilespmem:s13+$0xFFFFFE10] =	vst v0  }
0x1e: {  	v0 =	vld [tilespmem:s16+$0xFFFFFFA0];
	_ =	sdelay $0x4  }
0x1f: {  	[tilespmem:s13+$0xFFFFFE80] =	vst v0  }
0x20: {  	v0 =	vld [tilespmem:s16+$0xFFFFFFB0];
	_ =	sdelay $0x4  }
0x21: {  	[tilespmem:s13+$0xFFFFFE90] =	vst v0  }
0x22: {  	v0 =	vld [tilespmem:s16+$0xFFFFFFC0];
	_ =	sdelay $0x4  }
0x23: {  	[tilespmem:s13+$0xFFFFFF00] =	vst v0  }
0x24: {  	v0 =	vld [tilespmem:s16+$0xFFFFFFD0];
	_ =	sdelay $0x4  }
0x25: {  	[tilespmem:s13+$0xFFFFFF10] =	vst v0  }
0x26: {  	v0 =	vld [tilespmem:s16+$0xFFFFFFE0];
	_ =	sdelay $0x4  }
0x27: {  	[tilespmem:s13+$0xFFFFFF80] =	vst v0  }
0x28: {  	v0 =	vld [tilespmem:s16+$0xFFFFFFF0];
	_ =	sdelay $0x4  }
0x29: {  	[tilespmem:s13+$0xFFFFFF90] =	vst v0  }
0x2a: {  	v0 =	vld [tilespmem:s16+$0x0];
	_ =	sdelay $0x4  }
0x2b: {  	[tilespmem:s13+$0x0] =	vst v0  }
0x2c: {  	v0 =	vld [tilespmem:s16+$0x10];
	_ =	sdelay $0x4  }
0x2d: {  	[tilespmem:s13+$0x10] =	vst v0  }
0x2e: {  	v0 =	vld [tilespmem:s16+$0x20];
	_ =	sdelay $0x4  }
0x2f: {  	[tilespmem:s13+$0x80] =	vst v0  }
0x30: {  	v0 =	vld [tilespmem:s16+$0x30];
	_ =	sdelay $0x4  }
0x31: {  	[tilespmem:s13+$0x90] =	vst v0  }
0x32: {  	v0 =	vld [tilespmem:s16+$0x40];
	_ =	sdelay $0x4  }
0x33: {  	[tilespmem:s13+$0x100] =	vst v0  }
0x34: {  	v0 =	vld [tilespmem:s16+$0x50];
	_ =	sdelay $0x4  }
0x35: {  	[tilespmem:s13+$0x110] =	vst v0  }
0x36: {  	v0 =	vld [tilespmem:s16+$0x60];
	_ =	sdelay $0x4  }
0x37: {  	[tilespmem:s13+$0x180] =	vst v0  }
0x38: {  	v0 =	vld [tilespmem:s16+$0x70];
	_ =	sdelay $0x2  }
0x39: {  	s31 =	sand.u32 $0x1, s12  }
0x3a: {  	s14 =	sshll.u32 s31, $0xF  }
0x3b: {  	s15 =	simm.s32 $0x0;
	s14 =	sor.u32 $0x4000, s14;
	s16 =	sadd.s32 $0x100, s16;
	[tilespmem:s13+$0x190] =	vst v0  }
.LBB2_3:
0x3c: {  	v0 =	vld [tilespmem:s16+$0xFFFFFF80];
	s15 =	sadd.s32 $0x8, s15  }
0x3d: {  	p1 =	slt.u32 s15, $0xF8;
	_ =	sdelay $0x2  }
0x3e: {  	s13 =	sadd.s32 $0x400, s13  }
0x3f: {  	[tilespmem:s13+$0xFFFFFE00] =	vst v0  }
0x40: {  	v0 =	vld [tilespmem:s16+$0xFFFFFF90];
	_ =	sdelay $0x4  }
0x41: {  	[tilespmem:s13+$0xFFFFFE10] =	vst v0  }
0x42: {  	v0 =	vld [tilespmem:s16+$0xFFFFFFA0];
	_ =	sdelay $0x4  }
0x43: {  	[tilespmem:s13+$0xFFFFFE80] =	vst v0  }
0x44: {  	v0 =	vld [tilespmem:s16+$0xFFFFFFB0];
	_ =	sdelay $0x4  }
0x45: {  	[tilespmem:s13+$0xFFFFFE90] =	vst v0  }
0x46: {  	v0 =	vld [tilespmem:s16+$0xFFFFFFC0];
	_ =	sdelay $0x4  }
0x47: {  	[tilespmem:s13+$0xFFFFFF00] =	vst v0  }
0x48: {  	v0 =	vld [tilespmem:s16+$0xFFFFFFD0];
	_ =	sdelay $0x4  }
0x49: {  	[tilespmem:s13+$0xFFFFFF10] =	vst v0  }
0x4a: {  	v0 =	vld [tilespmem:s16+$0xFFFFFFE0];
	_ =	sdelay $0x4  }
0x4b: {  	[tilespmem:s13+$0xFFFFFF80] =	vst v0  }
0x4c: {  	v0 =	vld [tilespmem:s16+$0xFFFFFFF0];
	_ =	sdelay $0x4  }
0x4d: {  	[tilespmem:s13+$0xFFFFFF90] =	vst v0  }
0x4e: {  	v0 =	vld [tilespmem:s16+$0x0];
	_ =	sdelay $0x4  }
0x4f: {  	[tilespmem:s13+$0x0] =	vst v0  }
0x50: {  	v0 =	vld [tilespmem:s16+$0x10];
	_ =	sdelay $0x4  }
0x51: {  	[tilespmem:s13+$0x10] =	vst v0  }
0x52: {  	v0 =	vld [tilespmem:s16+$0x20];
	_ =	sdelay $0x4  }
0x53: {  	[tilespmem:s13+$0x80] =	vst v0  }
0x54: {  	v0 =	vld [tilespmem:s16+$0x30];
	_ =	sdelay $0x4  }
0x55: {  	[tilespmem:s13+$0x90] =	vst v0  }
0x56: {  	v0 =	vld [tilespmem:s16+$0x40];
	_ =	sdelay $0x4  }
0x57: {  	[tilespmem:s13+$0x100] =	vst v0  }
0x58: {  	v0 =	vld [tilespmem:s16+$0x50];
	_ =	sdelay $0x4  }
0x59: {  	[tilespmem:s13+$0x110] =	vst v0  }
0x5a: {  	v0 =	vld [tilespmem:s16+$0x60];
	_ =	sdelay $0x4  }
0x5b: {  	[tilespmem:s13+$0x180] =	vst v0  }
0x5c: {  	v0 =	vld [tilespmem:s16+$0x70]  }
.Ltmp0:
0x5d: {  	(pc) =	sbr.rel @p1 .LBB2_3-.Ltmp0, $2  }
0x5e: {  	_ =	sdelay $0x2  }
0x5f: {  	s16 =	sadd.s32 $0x100, s16;
	[tilespmem:s13+$0x190] =	vst v0  }
0x60: {  	p1 =	sne.s32 s11, $0x64  }
.Ltmp1:
0x61: {  	s12 =	sadd.s32 s6, s12;
	(pc) =	sbr.rel @p1 .LBB2_2-.Ltmp1, $4  }
0x62: {  	s12 =	sshll.u32 s12, $0xC  }
0x63: {  	s12 =	sadd.s32 s4, s12  }
0x64: {  	[hbm4b:s12+s3] =	stream.linear.scatter [tilespmem:s14], [sflag:$0x2], $0x8000, $0x38;
	[tilespmem:$0x14000] =	vst v63  }
0x65: {  	p0 =	por !p0, !p0;
	s12 =	smov.u32 s11  }
0x66: {  	s10 =	sadd.s32 $0x1, s10  }
0x67: {  	_ =	swait.ge [sflag:s9], $0x8000;
	p0 =	sne.s32 s10, s7  }
.Ltmp2:
0x68: {  	[sflag:s9] =	ssyncset.done $0x0;
	(pc) =	sbr.rel @p0 .LBB2_1-.Ltmp2, $4  }
0x69: {  	[sflag:s9] =	ssyncadd.s32 $0xFFFF8000  }
0x6a: {  	_ =	swait.ge [sflag:s9], $0x8000  }
0x6b: {  	[sflag:s9] =	ssyncset.done $0x0  }
0x6c: {  	[sflag:s9] =	ssyncadd.s32 $0xFFFF8000  }
0x6d: {  	_ =	sfence.sel $0x180000  }
0x6e: {  	[bflag:$0x0] =	sbarrier.arrive $0xFFFF  }
0x6f: {  	p0 =	sne.s32 s1, $0x0;
	_ =	strace $0x9000004A  }
0x70: {  	s0 =	sadd.s32 @!p0 $0x100000, s0;
	[bflag:$0x2] =	sbarrier.arrive $0xFFFF  }
0x71: {  	[sflag:s0] =	ssyncadd.tile.s32 @!p0 $0x1;
	_ =	shalt  }
.Lfunc_end2:
_tile_overlayer_lowered:
.L_overlay_start_2:
0x72: {  	(tag) =	ssettag $0x2  }
0x73: {  	s0 =	rddreg [dreg:$0x0];
	s2 =	stileid.u32  }
0x74: {  	s1 =	rddreg [dreg:$0x1];
	p0 =	sne.s32 s2, $0x0  }
0x75: {  	s3 =	rddreg [dreg:$0x2];
	[bflag:$0x3] =	sbarrier.arrive $0xFFFF;
	s2 =	simm.s32 @!p0 $0x1C03  }
0x76: {  	[timem:s3], [sflag:s2] =	dma.local @!p0 [hbm:s0], s1  }
0x77: {  	s0 =	simm.s32 @!p0 $0x3  }
0x78: {  	_ =	swait.ge @!p0 [sflag:s0], s1  }
0x79: {  	s1 =	ssub.s32 @!p0 $0x0, s1;
	[sflag:s0] =	ssyncset.done @!p0 $0x0  }
0x7a: {  	[sflag:s0] =	ssyncadd.s32 @!p0 s1  }
0x7b: {  	[bflag:$0x3] =	sbarrier.arrive $0xFFFF  }
0x7c: {  	_ =	shalt  }

// kernel: sparse-core-data-format-call.cloned.1.call-start
scs
called_computation_lowered:
.L_overlay_start_0:
0x0: {  	s2 =	sld [smem:$0x3FD9]  }
0x1: {  	s3 =	sld [smem:$0x3FFE];
	_ =	sdelay $0x1  }
0x2: {  	s1 =	srdreg.scid  }
0x3: {  	s0 =	sand.u32 $0x1, s1  }
0x4: {  	s18 =	sshll.u32 s0, $0xA;
	s2 =	sadd.s32 s3, s2  }
0x5: {  	s2 =	sadd.s32 s2, s18  }
0x6: {  	[smem:$0x3FC5] =	sst s2  }
0x7: {  	_ = 	snop  }
0x8: {  	s2 =	sld [smem:$0x3FD0];
	(tm) =	ssettm $0x1  }
0x9: {  	s19 =	sld [smem:$0x3FFB];
	_ =	sdelay $0x3  }
0xa: {  	_ =	strace s19  }
0xb: {  	s3 =	sld [smem:$0x3FFC];
	_ =	sdelay $0x3  }
0xc: {  	_ =	strace s3  }
0xd: {  	s3 =	sld [smem:$0x3FFD];
	_ =	sdelay $0x3  }
0xe: {  	_ =	strace s3  }
0xf: {  	_ =	strace $0x8FFFFFFF  }
0x10: {  	s20 =	sld [smem:$0x3FDB];
	_ =	sdelay $0x1  }
0x11: {  	s4 =	simm.s32 $_scs_section_size  }
0x12: {  	s5 =	simm.s32 $_size__tile_overlayer_lowered;
	s6 =	simm.s32 $_tile_overlayer_lowered  }
0x13: {  	s23 =	simm.s32 $0x1BFF;
	s22 =	sshll.u32 s6, $0x1;
	s3 =	sadd.s32 s4, s20  }
0x14: {  	s7 =	simm.s32 $0x0;
	s21 =	sshll.u32 s5, $0x1;
	s5 =	sadd.s32 s22, s3  }
0x15: {  	[timem:s7], [sflag:s23] =	dma.local [hbm:s5], s21  }
0x16: {  	_ =	swait.ge [sflag:s23], s21  }
0x17: {  	s4 =	ssub.s32 $0x0, s21;
	[sflag:s23] =	ssyncset.done $0x0  }
0x18: {  	[sflag:s23] =	ssyncadd.s32 s4;
	_ =	sdelay $0x1  }
0x19: {  	s24 =	simm.s32 $0x1B8B  }
0x1a: {  	_ =	swait.ge [sflag:s24], $0x1  }
0x1b: {  	[sflag:s24] =	ssyncset.done $0x0  }
0x1c: {  	s26 =	simm.s32 $0x1B8E;
	s25 =	sld [smem:$0x3FFE];
	[sflag:s24] =	ssyncadd.s32 $0xFFFFFFFF  }
0x1d: {  	s27 =	simm.s32 $execute0_lowered;
	[smem:$0x3FD2] =	sst s26  }
0x1e: {  	s5 =	sshll.u32 s27, $0x1;
	_ =	strace $0x8000004C;
	[dreg:$0x1] =	wrdreg $0xFFFFFFFF  }
0x1f: {  	s28 =	simm.s32 $_size_execute0_lowered;
	s3 =	sadd.s32 s3, s5;
	[dreg:$0x0] =	wrdreg $0x0  }
0x20: {  	s5 =	sshll.u32 s28, $0x1;
	[dreg:$0x2] =	wrdreg s3  }
0x21: {  	[dreg:$0x3] =	wrdreg s5  }
0x22: {  	[dreg:$0x4] =	wrdreg $0xC0  }
0x23: {  	_ =	task [dreg:s7], $0x5FFFF  }
0x24: {  	[dreg:$0x1] =	wrdreg $0xFFFFFFFF  }
0x25: {  	[dreg:$0x0] =	wrdreg $0x60  }
0x26: {  	[dreg:$0x2] =	wrdreg s25  }
0x27: {  	[dreg:$0x3] =	wrdreg s2  }
0x28: {  	[dreg:$0x4] =	wrdreg $0x9  }
0x29: {  	_ =	task.clear_ibuf [dreg:s7], $0x5FFFF;
	_ =	strace $0x9000004C  }
0x2a: {  	s29 =	simm.s32 $0x9;
	_ =	strace $0x8000004E  }
0x2b: {  	_ =	swait.ge [sflag:s29], $0x1  }
0x2c: {  	[sflag:s29] =	ssyncadd.s32 $0xFFFFFFFF  }
0x2d: {  	_ =	strace $0x9000004E  }
0x2e: {  	_ =	sfence  }
0x2f: {  	s30 =	sld [smem:$0x0];
	_ =	sdelay $0x2  }
0x30: {  	s31 =	sshll.u32 s1, $0xD;
	s1 =	sshrl.u32 s1, $0x2  }
0x31: {  	s3 =	sand.u32 $0x4000, s31;
	s1 =	sadd.s32 s1, s30  }
0x32: {  	s0 =	sor.u32 s3, s0;
	s1 =	sshll.u32 s1, $0x11  }
0x33: {  	s0 =	sor.u32 s1, s0  }
0x34: {  	s0 =	sadd.s32 $0x8F2B, s0  }
0x35: {  	[sflag:s0] =	ssyncadd.remote.s32 $0x1  }
0x36: {  	_ =	sfence.sel $0xFFFF  }
0x37: {  	[dreg:$0x0] =	wrdreg $0xFFFFFFFF;
	(pc) =	sbr.abs _section_cstart, $3  }
0x38: {  	[dreg:$0x1] =	wrdreg $0xFFFFFFFF  }
0x39: {  	_ =	task.clear_ibuf [dreg:s7], $0x2FFFF;
	_ =	strace $0x9FFFFFFF  }
0x3a: {  	(tm) =	ssettm $0x7FFFFFFF  }
0x3b: {  	_ =	shalt  }
tec
execute0_lowered:
.L_overlay_start_1:
0x0: {  	(tag) =	ssettag $0x1  }
0x1: {  	s0 =	srdreg.scid  }
0x2: {  	s1 =	sshll.u32 s0, $0x4  }
0x3: {  	s0 =	stileid.u32;
	s1 =	sand.u32 $0x10, s1  }
0x4: {  	s1 =	sor.u32 s0, s1  }
0x5: {  	s6 =	rddreg [dreg:$0x0];
	s4 =	simm.s32 $0x1;
	s2 =	sshll.u32 s1, $0x7  }
0x6: {  	s7 =	simm.s32 $0x2;
	s12 =	simm.s32 $0x0;
	s1 =	ssub.s32 $0x1000, s2  }
0x7: {  	s8 =	simm.s32 $0x8000;
	s13 =	simm.s32 $0x0;
	s3 =	sand.u32 $0xF80, s1  }
0x8: {  	s9 =	simm.s32 $0x0;
	s5 =	sshrl.u32 s1, $0xC;
	p0 =	sne.s32 s3, $0x0  }
.Ltmp0:
0x9: {  	s1 =	rddreg [dreg:$0x2];
	s4 =	simm.s32 @!p0 $0x0;
	(pc) =	sbr.rel .LBB1_1-.Ltmp0, $4  }
0xa: {  	s11 =	simm.s32 $0x0;
	s3 =	rddreg [dreg:$0x1];
	s5 =	sadd.s32 s4, s5  }
0xb: {  	_ =	strace $0x8000004D;
	s4 =	simm.s32 $0x1;
	s5 =	smul.u32 $0xC8, s5  }
0xc: {  	s6 =	sadd.s32 $0x1000, s6;
	s10 =	smov.u32 s2;
	[sflag:s4] =	ssyncpa.u1 $0x0  }
0xd: {  	p0 =	por $0x0, $0x0;
	[sflag:s7] =	ssyncpa.u1 $0x0;
	s7 =	sor.u32 $0x1, s5  }
.LBB1_4:
0xe: {  	s16 =	sshll.u32 s13, $0x3;
	s17 =	sand.u32 $0x78, s13  }
0xf: {  	s30 =	sand.u32 $0x3E00, s13;
	s12 =	sshll.u32 s12, $0xE;
	s16 =	sand.u32 $0xC00, s16  }
0x10: {  	s31 =	sand.u32 $0x7, s13;
	s16 =	sor.u32 s17, s16;
	s17 =	sadd.s32 s3, s30  }
0x11: {  	s13 =	sshll.u32 s31, $0x12;
	s16 =	sshrl.u32 s16, $0x3;
	s12 =	sadd.s32 s12, s17  }
0x12: {  	[tilespmem:s15+$0x0 ss:$0x81] =	vst.msk $0xffff, v0;
	s13 =	sor.u32 $0x400, s13;
	s12 =	sadd.s32 s16, s12  }
0x13: {  	[hbm4b:s12+s13] =	stream.strided.scatter [tilespmem:s14], [sflag:$0x2], $0x1000, s8, s13, $0x20;
	[tilespmem:$0x4040] =	vst v63  }
.LBB1_5:
0x14: {  	s14 =	sadd.s32 $0x1, s9  }
0x15: {  	s12 =	sadd.s32 $0x1000, s10;
	s16 =	smov.u32 s10;
	p2 =	sgt.s32 s14, $0xC7  }
0x16: {  	s16 =	smov.u32 @p2 s12  }
0x17: {  	s14 =	simm.s32 @p2 $0x0;
	p2 =	sgt.s32 s16, $0xFFF  }
0x18: {  	s16 =	smov.u32 @p2 s2;
	p2 =	sne.s32 s11, s7  }
.Ltmp1:
0x19: {  	p1 =	slt.u32 s11, $0x2;
	(pc) =	sbr.rel @!p2 .LBB1_6-.Ltmp1, $4  }
0x1a: {  	s15 =	simm.s32 @!p1 $0x2  }
0x1b: {  	s13 =	smov.u32 s10;
	p0 =	por !p0, !p0;
	_ =	swait.ge @!p1 [sflag:s15], $0x1000  }
0x1c: {  	s12 =	smov.u32 s9;
	[sflag:s15] =	ssyncset.done @!p1 $0x0;
	s9 =	smov.u32 s14  }
0x1d: {  	s11 =	sadd.s32 $0x1, s11;
	[sflag:s15] =	ssyncadd.s32 @!p1 $0xFFFFF000;
	s10 =	smov.u32 s16  }
.LBB1_1:
0x1e: {  	p1 =	sge.u32 s11, s5  }
0x1f: {  	s14 =	sand.u32 @!p1 $0x1FFFFFF, s9  }
0x20: {  	s15 =	smulhi.u32 @!p1 $0x147AE15, s14;
	_ =	sdelay $0x1  }
0x21: {  	s15 =	smul.u32 @!p1 $0xC8, s15  }
0x22: {  	s16 =	sxor.u32 @!p1 $0xFFFFFFFF, s11;
	s17 =	smul.u32 @!p1 $0xC80, s10  }
0x23: {  	s31 =	sadd.s32 $0xFFFFFFFF, s11;
	s16 =	sshll.u32 @!p1 s16, $0xC;
	s14 =	ssub.s32 @!p1 s14, s15  }
0x24: {  	s15 =	sand.u32 @!p1 $0x1000, s16;
	s16 =	sadd.s32 @!p1 s6, s17;
	s14 =	sshll.u32 @!p1 s14, $0x4  }
0x25: {  	s17 =	simm.s32 @!p1 $0x6400;
	s14 =	sadd.s32 @!p1 s14, s16;
	s16 =	simm.s32 @!p1 $0x20  }
0x26: {  	[tilespmem:s15], [sflag:$0x1] =	stream.strided.gather @!p1 [hbm4b:s14+s16], $0x1000, s17, s16, $0x38;
	[tilespmem:$0x4040] =	vst v63  }
0x27: {  	p1 =	sge.u32 s31, s5  }
.Ltmp2:
0x28: {  	_ = 	snop;
	(pc) =	sbr.rel @p1 .LBB1_5-.Ltmp2, $1  }
0x29: {  	_ =	sdelay $0x3  }
0x2a: {  	s14 =	simm.s32 $0x1  }
0x2b: {  	_ =	swait.ge [sflag:s4], $0x1000;
	s14 =	simm.s32 @!p0 $0x0  }
0x2c: {  	[sflag:s4] =	ssyncset.done $0x0;
	s15 =	sshll.u32 s14, $0xC  }
0x2d: {  	[sflag:s4] =	ssyncadd.s32 $0xFFFFF000;
	s18 =	sor.u32 $0x10, s15  }
0x2e: {  	s14 =	smul.u32 $0x4080, s14;
	v1 =	vld [tilespmem:s18+$0x0]  }
0x2f: {  	s30 =	sand.u32 $0x1, s11;
	v0 =	vld [tilespmem:s18+$0xFFFFFFF0]  }
0x30: {  	s15 =	smul.u32 $0x4080, s30;
	s14 =	sshrl.u32 s14, $0x2  }
0x31: {  	s16 =	sor.u32 $0x2000, s14  }
0x32: {  	s31 =	sshrl.u32 s15, $0x2;
	s15 =	sadd.s32 $0x0, s16  }
0x33: {  	s17 =	simm.s32 $0x4;
	s18 =	sadd.s32 $0x20, s18;
	s14 =	sor.u32 $0x2000, s31;
	[tilespmem:s15+$0x810 ss:$0x81] =	vst.msk $0xffff, v1  }
.LBB1_3:
0x34: {  	v1 =	vld [tilespmem:s18+$0x0];
	p1 =	sne.s32 s17, $0x1FC;
	[tilespmem:s15+$0x0 ss:$0x81] =	vst.msk $0xffff, v0;
	s15 =	smov.u32 s17;
	s17 =	sadd.s32 $0x4, s17  }
.Ltmp3:
0x35: {  	v0 =	vld [tilespmem:s18+$0xFFFFFFF0];
	(pc) =	sbr.rel @p1 .LBB1_3-.Ltmp3, $4  }
0x36: {  	_ = 	snop  }
0x37: {  	s15 =	sshra.s32 s15, $0x2  }
0x38: {  	s15 =	sadd.s32 s15, s16  }
0x39: {  	s18 =	sadd.s32 $0x20, s18;
	[tilespmem:s15+$0x810 ss:$0x81] =	vst.msk $0xffff, v1  }
.Ltmp4:
0x3a: {  	_ = 	snop;
	(pc) =	sbr.rel .LBB1_4-.Ltmp4, $1  }
0x3b: {  	_ =	sdelay $0x3  }
.LBB1_6:
0x3c: {  	_ =	sfence.sel $0x180000  }
0x3d: {  	s2 =	simm.s32 $0x1;
	[bflag:$0x0] =	sbarrier.arrive $0xFFFF  }
0x3e: {  	s31 =	simm.s32 $0x2;
	[sflag:s2] =	ssyncpa.u1 $0x1  }
0x3f: {  	[sflag:s31] =	ssyncpa.u1 $0x1  }
0x40: {  	p0 =	sne.s32 s0, $0x0;
	_ =	strace $0x9000004D  }
0x41: {  	s0 =	sadd.s32 @!p0 $0x100000, s1;
	[bflag:$0x2] =	sbarrier.arrive $0xFFFF  }
0x42: {  	[sflag:s0] =	ssyncadd.tile.s32 @!p0 $0x1;
	_ =	shalt  }
.Lfunc_end1:
_tile_overlayer_lowered:
.L_overlay_start_2:
0x43: {  	(tag) =	ssettag $0x2  }
0x44: {  	s0 =	rddreg [dreg:$0x0];
	s2 =	stileid.u32  }
0x45: {  	s1 =	rddreg [dreg:$0x1];
	p0 =	sne.s32 s2, $0x0  }
0x46: {  	s3 =	rddreg [dreg:$0x2];
	[bflag:$0x3] =	sbarrier.arrive $0xFFFF;
	s2 =	simm.s32 @!p0 $0x1C01  }
0x47: {  	[timem:s3], [sflag:s2] =	dma.local @!p0 [hbm:s0], s1  }
0x48: {  	s0 =	simm.s32 @!p0 $0x1  }
0x49: {  	_ =	swait.ge @!p0 [sflag:s0], s1  }
0x4a: {  	s1 =	ssub.s32 @!p0 $0x0, s1;
	[sflag:s0] =	ssyncset.done @!p0 $0x0  }
0x4b: {  	[sflag:s0] =	ssyncadd.s32 @!p0 s1  }
0x4c: {  	[bflag:$0x3] =	sbarrier.arrive $0xFFFF  }
0x4d: {  	_ =	shalt  }

</sc_bundles>
